<compile_context>
chip_gen: v7x
topology: tpu7x:2x2x1
jax: 0.10.2.dev20260603
libtpu: 0.0.44.dev20260713+nightly
codegen_flags: <defaults>
</compile_context>

<pallas_src>
import functools

import jax
import jax.numpy as jnp
from jax import lax
from jax.experimental import pallas as pl
from jax.experimental.pallas import tpu as pltpu
from jax.experimental.pallas import tpu_sc as plsc

N = 10000
E = 320000
D = 128
OUT = 40

NC = 2
NS = 16
NW = NC * NS
EPW = E // NW
KB = 80
NBATCH = EPW // KB
KBP = 80
NBP = 128
EPWPD = KBP * NBP
NPAD = 10240
RPS = NPAD // NS
RCHUNK = 80
NCHUNK = RPS // RCHUNK
DEGW = 16

BLK = 2000
GRID = N // BLK



def _deg_body(dst_hbm, out_hbm, deg_sh, di_a, di_b, ones_v, zero_v, dsem):
    c = lax.axis_index("c")
    s = lax.axis_index("s")
    wid = s * NC + c

    def fill_ones(i, _):
        ones_v[i, :] = jnp.ones((DEGW,), jnp.float32)
        return 0
    lax.fori_loop(0, KB, fill_ones, 0)

    def fill_zero(i, _):
        zero_v[i, :] = jnp.zeros((DEGW,), jnp.float32)
        return 0
    lax.fori_loop(0, RPS, fill_zero, 0)

    rbase = s * RPS
    pltpu.sync_copy(zero_v, deg_sh.at[pl.ds(rbase, RPS)])
    plsc.subcore_barrier()

    ebase = wid * EPW

    def ebody(p, _):
        off0 = ebase + (2 * p) * KB
        off1 = off0 + KB
        pltpu.sync_copy(dst_hbm.at[pl.ds(off0, KB)], di_a)
        s0 = pltpu.async_copy(ones_v, deg_sh.at[di_a], dsem, add=True)
        pltpu.sync_copy(dst_hbm.at[pl.ds(off1, KB)], di_b)
        s0.wait()
        pltpu.sync_copy(ones_v, deg_sh.at[di_b], add=True)
        return 0
    lax.fori_loop(0, NBATCH // 2, ebody, 0)
    off = ebase + (NBATCH - 1) * KB
    pltpu.sync_copy(dst_hbm.at[pl.ds(off, KB)], di_a)
    pltpu.sync_copy(ones_v, deg_sh.at[di_a], add=True)
    plsc.subcore_barrier()

    pltpu.sync_copy(deg_sh.at[pl.ds(rbase, RPS)], out_hbm.at[c, pl.ds(rbase, RPS)])


def _sc_deg(dst):
    mesh = plsc.VectorSubcoreMesh(core_axis_name="c", subcore_axis_name="s")
    f = pl.kernel(
        _deg_body,
        out_type=jax.ShapeDtypeStruct((NC, NPAD, DEGW), jnp.float32),
        mesh=mesh,
        scratch_types=[
            pltpu.VMEM_SHARED((NPAD, DEGW), jnp.float32),
            pltpu.VMEM((KB,), jnp.int32),
            pltpu.VMEM((KB,), jnp.int32),
            pltpu.VMEM((KB, DEGW), jnp.float32),
            pltpu.VMEM((RPS, DEGW), jnp.float32),
            pltpu.SemaphoreType.DMA,
        ],
    )
    return f(dst)


def _agg_body(y_hbm, src_hbm, dst_hbm, out_hbm, acc,
              si_a, si_b, di_a, di_b, rows_a, rows_b, gsem, ssem):
    c = lax.axis_index("c")
    s = lax.axis_index("s")
    wid = s * NC + c

    nlane = D // 16

    def fill_zero(k, _):
        i = k // nlane
        j = k % nlane
        rows_a[i, pl.ds(j * 16, 16)] = jnp.zeros((16,), jnp.float32)
        return 0
    lax.fori_loop(0, KB * nlane, fill_zero, 0)

    rbase = s * RPS
    for jj in range(NCHUNK):
        pltpu.sync_copy(rows_a, acc.at[pl.ds(rbase + jj * RCHUNK, RCHUNK)])
    plsc.subcore_barrier()

    ebase = wid * EPW

    def pair(p, _):
        off0 = ebase + (2 * p) * KB
        off1 = off0 + KB
        pltpu.sync_copy(src_hbm.at[pl.ds(off0, KB)], si_a)
        g0 = pltpu.async_copy(y_hbm.at[si_a], rows_a, gsem)
        pltpu.sync_copy(src_hbm.at[pl.ds(off1, KB)], si_b)
        pltpu.sync_copy(dst_hbm.at[pl.ds(off0, KB)], di_a)
        g0.wait()
        g1 = pltpu.async_copy(y_hbm.at[si_b], rows_b, gsem)
        s0 = pltpu.async_copy(rows_a, acc.at[di_a], ssem, add=True)
        pltpu.sync_copy(dst_hbm.at[pl.ds(off1, KB)], di_b)
        g1.wait()
        s0.wait()
        pltpu.sync_copy(rows_b, acc.at[di_b], add=True)
        return 0
    lax.fori_loop(0, NBATCH // 2, pair, 0)

    off = ebase + (NBATCH - 1) * KB
    pltpu.sync_copy(src_hbm.at[pl.ds(off, KB)], si_a)
    pltpu.async_copy(y_hbm.at[si_a], rows_a, gsem).wait()
    pltpu.sync_copy(dst_hbm.at[pl.ds(off, KB)], di_a)
    pltpu.sync_copy(rows_a, acc.at[di_a], add=True)
    plsc.subcore_barrier()

    for jj in range(NCHUNK):
        sl = pl.ds(rbase + jj * RCHUNK, RCHUNK)
        pltpu.sync_copy(acc.at[sl], out_hbm.at[c, sl])


def _sc_agg(y, src, dst):
    mesh = plsc.VectorSubcoreMesh(core_axis_name="c", subcore_axis_name="s")
    f = pl.kernel(
        _agg_body,
        out_type=jax.ShapeDtypeStruct((NC, NPAD, D), jnp.float32),
        mesh=mesh,
        scratch_types=(
            [pltpu.VMEM_SHARED((NPAD, D), jnp.float32)]
            + [pltpu.VMEM((KB,), jnp.int32)] * 4
            + [pltpu.VMEM((KB, D), jnp.float32)] * 2
            + [pltpu.SemaphoreType.DMA] * 2
        ),
    )
    return f(y, src, dst)



def _prep_kernel(hist_ref, x_ref, w_ref, y_ref, dinv_ref):
    h = hist_ref[0] + hist_ref[1]
    cnt = jnp.sum(h, axis=1, keepdims=True) * (1.0 / DEGW)
    dinv = lax.rsqrt(1.0 + cnt)
    xw = jnp.dot(x_ref[...], w_ref[...], preferred_element_type=jnp.float32)
    y_ref[...] = dinv * xw
    dinv_ref[...] = jnp.broadcast_to(dinv, (BLK, D))


def _tc_prep(hist, x, w0):
    return pl.pallas_call(
        _prep_kernel,
        grid=(GRID,),
        in_specs=[
            pl.BlockSpec((NC, BLK, DEGW), lambda i: (0, i, 0)),
            pl.BlockSpec((BLK, D), lambda i: (i, 0)),
            pl.BlockSpec((D, D), lambda i: (0, 0)),
        ],
        out_specs=[
            pl.BlockSpec((BLK, D), lambda i: (i, 0)),
            pl.BlockSpec((BLK, D), lambda i: (i, 0)),
        ],
        out_shape=[
            jax.ShapeDtypeStruct((N, D), jnp.float32),
            jax.ShapeDtypeStruct((N, D), jnp.float32),
        ],
    )(hist, x, w0)


def _mid_kernel(s_ref, y_ref, dinv_ref, b_ref, w_ref, o_ref):
    t = dinv_ref[...] * (s_ref[0] + s_ref[1] + y_ref[...]) + b_ref[...]
    h = jnp.maximum(t, 0.0)
    o_ref[...] = dinv_ref[...] * jnp.dot(
        h, w_ref[...], preferred_element_type=jnp.float32)


def _tc_mid(s, y, dinvb, b, w):
    return pl.pallas_call(
        _mid_kernel,
        grid=(GRID,),
        in_specs=[
            pl.BlockSpec((NC, BLK, D), lambda i: (0, i, 0)),
            pl.BlockSpec((BLK, D), lambda i: (i, 0)),
            pl.BlockSpec((BLK, D), lambda i: (i, 0)),
            pl.BlockSpec((1, D), lambda i: (0, 0)),
            pl.BlockSpec((D, D), lambda i: (0, 0)),
        ],
        out_specs=pl.BlockSpec((BLK, D), lambda i: (i, 0)),
        out_shape=jax.ShapeDtypeStruct((N, D), jnp.float32),
    )(s, y, dinvb, b, w)


def _fin_kernel(s_ref, y_ref, dinv_ref, b_ref, wfc_ref, bfc_ref, o_ref):
    t = dinv_ref[...] * (s_ref[0] + s_ref[1] + y_ref[...]) + b_ref[...]
    h = jnp.maximum(t, 0.0)
    logits = jnp.dot(h, wfc_ref[...],
                     preferred_element_type=jnp.float32) + bfc_ref[...]
    m = jnp.max(logits, axis=1, keepdims=True)
    lse = m + jnp.log(jnp.sum(jnp.exp(logits - m), axis=1, keepdims=True))
    o_ref[...] = logits - lse


def _tc_fin(s, y, dinvb, b, wfc_p, bfc_p):
    return pl.pallas_call(
        _fin_kernel,
        grid=(GRID,),
        in_specs=[
            pl.BlockSpec((NC, BLK, D), lambda i: (0, i, 0)),
            pl.BlockSpec((BLK, D), lambda i: (i, 0)),
            pl.BlockSpec((BLK, D), lambda i: (i, 0)),
            pl.BlockSpec((1, D), lambda i: (0, 0)),
            pl.BlockSpec((D, D), lambda i: (0, 0)),
            pl.BlockSpec((1, D), lambda i: (0, 0)),
        ],
        out_specs=pl.BlockSpec((BLK, D), lambda i: (i, 0)),
        out_shape=jax.ShapeDtypeStruct((N, D), jnp.float32),
    )(s, y, dinvb, b, wfc_p, bfc_p)



def kernel(x, edge_index, W0, b0, W1, b1, W2, b2, Wfc, bfc):
    src = edge_index[0]
    dst = edge_index[1]
    hist = _sc_deg(dst)
    y0, dinvb = _tc_prep(hist, x, W0)

    s0 = _sc_agg(y0, src, dst)
    y1 = _tc_mid(s0, y0, dinvb, b0.reshape(1, D), W1)

    s1 = _sc_agg(y1, src, dst)
    y2 = _tc_mid(s1, y1, dinvb, b1.reshape(1, D), W2)

    s2 = _sc_agg(y2, src, dst)
    wfc_p = jnp.zeros((D, D), jnp.float32).at[:, :OUT].set(Wfc)
    bfc_p = jnp.full((1, D), -1e30, jnp.float32).at[0, :OUT].set(bfc)
    logp = _tc_fin(s2, y2, dinvb, b2.reshape(1, D), wfc_p, bfc_p)
    return logp[:, :OUT]

# --- scband reference (transcript-rebuilt; emitter-appended) ---
"""Pipeline reference for scband-gnn-41300405518878 (READ-ONLY COPY).

The authoritative reference and input builder live on the scoring server;
editing this copy changes nothing except your own understanding.
"""

import jax, jax.numpy as jnp
import numpy as np

N = 10000
E = 320000
D = 128
H0 = 128
H1 = 128
H2 = 128
OUT = 40


def setup_inputs(seed: int = 0) -> dict:
    key = jax.random.key(seed)
    ks = jax.random.split(key, 12)
    x = jax.random.normal(ks[0], (N, D), dtype=jnp.float32)
    edge_index = jax.random.randint(ks[1], (2, E), 0, N, dtype=jnp.int32)
    def glorot(k, fan_in, fan_out):
        s = jnp.sqrt(6.0 / (fan_in + fan_out))
        return jax.random.uniform(k, (fan_in, fan_out), dtype=jnp.float32, minval=-s, maxval=s)
    W0 = glorot(ks[2], D, H0)
    b0 = jnp.zeros((H0,), dtype=jnp.float32)
    W1 = glorot(ks[3], H0, H1)
    b1 = jnp.zeros((H1,), dtype=jnp.float32)
    W2 = glorot(ks[4], H1, H2)
    b2 = jnp.zeros((H2,), dtype=jnp.float32)
    Wfc = glorot(ks[5], H2, OUT)
    bfc = jnp.zeros((OUT,), dtype=jnp.float32)
    return {"x": x, "edge_index": edge_index, "W0": W0, "b0": b0, "W1": W1, "b1": b1, "W2": W2, "b2": b2, "Wfc": Wfc, "bfc": bfc}


def _gcn_norm(edge_index, n):
    # add self loops
    loop = jnp.arange(n, dtype=edge_index.dtype)
    src = jnp.concatenate([edge_index[0], loop])
    dst = jnp.concatenate([edge_index[1], loop])
    deg = jax.ops.segment_sum(jnp.ones_like(dst, dtype=jnp.float32), dst, num_segments=n)
    dinv = jnp.where(deg > 0, 1.0 / jnp.sqrt(deg), 0.0)
    norm = dinv[src] * dinv[dst]
    return src, dst, norm


def _gcn_conv(x, W, b, src, dst, norm, n):
    xw = x @ W
    msgs = jnp.take(xw, src, axis=0) * norm[:, None]
    out = jax.ops.segment_sum(msgs, dst, num_segments=n)
    return out + b


def reference(x, edge_index, W0, b0, W1, b1, W2, b2, Wfc, bfc):
    n = x.shape[0]
    src, dst, norm = _gcn_norm(edge_index, n)
    h = jax.nn.relu(_gcn_conv(x, W0, b0, src, dst, norm, n))
    # dropout is identity in eval mode
    h = jax.nn.relu(_gcn_conv(h, W1, b1, src, dst, norm, n))
    h = jax.nn.relu(_gcn_conv(h, W2, b2, src, dst, norm, n))
    logits = h @ Wfc + bfc
    return jax.nn.log_softmax(logits, axis=1)

if __name__ == "__main__":
    import jax
    _d = setup_inputs()
    print(jax.jit(kernel)(*tuple(_d.values())))

</pallas_src>

<mosaic_0001>
#map = affine_map<(d0, d1) -> (0, 0)>
#map1 = affine_map<(d0, d1) -> (0)>
#map2 = affine_map<(d0, d1) -> (0, 0, 0)>
module attributes {stable_mosaic.version = 14 : i64} {
  func.func @_agg_body(%arg0: i32, %arg1: i32, %arg2: memref<10000x128xf32, #tpu.memory_space<hbm>>, %arg3: memref<320000xi32, #tpu.memory_space<hbm>>, %arg4: memref<320000xi32, #tpu.memory_space<hbm>>, %arg5: memref<2x10240x128xf32, #tpu.memory_space<hbm>>, %arg6: memref<10240x128xf32, #tpu.memory_space<vmem_shared>>, %arg7: memref<80xi32, #tpu.memory_space<vmem>>, %arg8: memref<80xi32, #tpu.memory_space<vmem>>, %arg9: memref<80xi32, #tpu.memory_space<vmem>>, %arg10: memref<80xi32, #tpu.memory_space<vmem>>, %arg11: memref<80x128xf32, #tpu.memory_space<vmem>>, %arg12: memref<80x128xf32, #tpu.memory_space<vmem>>, %arg13: memref<!tpu.dma_semaphore, #tpu.memory_space<semaphore_mem>>, %arg14: memref<!tpu.dma_semaphore, #tpu.memory_space<semaphore_mem>>) attributes {dimension_semantics = [#tpu.dimension_semantics<core_parallel>, #tpu.dimension_semantics<subcore_parallel>], iteration_bounds = array<i64: 2, 16>, scalar_prefetch = 0 : i64, scratch_operands = 9 : i64, tpu.core_type = #tpu.core_type<sc_vector_subcore>, window_params = [{transform_indices = #map}, {transform_indices = #map1}, {transform_indices = #map1}, {transform_indices = #map2}]} {
    %mul3A = arith.constant 2 : i32
    %mul3A_0 = arith.muli %arg1, %mul3A : i32
    %add3A = arith.addi %mul3A_0, %arg0 : i32
    %scan3A = arith.constant 0 : i32
    %scan3A_1 = arith.constant 0 : i32
    %scan3A_2 = arith.constant 640 : i32
    %scan3A_3 = arith.addi %scan3A_1, %scan3A_2 : i32
    %scan3A_4 = arith.constant 1 : i32
    %scan3A_5 = scf.for %scan3A_57 = %scan3A_1 to %scan3A_3 step %scan3A_4 iter_args(%scan3A_58 = %scan3A) -> (i32)  : i32 {
      %jit3A = arith.constant 8 : i32
      %div3A = arith.divsi %scan3A_57, %jit3A : i32
      %sign3A = arith.constant 0 : i32
      %sign3A_59 = arith.cmpi sgt, %scan3A_57, %sign3A : i32
      %sign3A_60 = arith.extui %sign3A_59 : i1 to i32
      %sign3A_61 = arith.constant 0 : i32
      %sign3A_62 = arith.cmpi slt, %scan3A_57, %sign3A_61 : i32
      %sign3A_63 = arith.extui %sign3A_62 : i1 to i32
      %sign3A_64 = arith.subi %sign3A_60, %sign3A_63 : i32
      %sign3A_65 = arith.constant 0 : i32
      %sign3A_66 = arith.cmpi sgt, %jit3A, %sign3A_65 : i32
      %sign3A_67 = arith.extui %sign3A_66 : i1 to i32
      %sign3A_68 = arith.constant 0 : i32
      %sign3A_69 = arith.cmpi slt, %jit3A, %sign3A_68 : i32
      %sign3A_70 = arith.extui %sign3A_69 : i1 to i32
      %sign3A_71 = arith.subi %sign3A_67, %sign3A_70 : i32
      %ne3A = arith.cmpi ne, %sign3A_64, %sign3A_71 : i32
      %rem3A = arith.remsi %scan3A_57, %jit3A : i32
      %ne3A_72 = arith.constant 0 : i32
      %ne3A_73 = arith.cmpi ne, %rem3A, %ne3A_72 : i32
      %and3A = arith.andi %ne3A, %ne3A_73 : i1
      %sub3A = arith.constant 1 : i32
      %sub3A_74 = arith.subi %div3A, %sub3A : i32
      %select_n3A = arith.select %and3A, %sub3A_74, %div3A : i32
      %jit3A_75 = arith.constant 8 : i32
      %eq3A = arith.constant 0 : i32
      %eq3A_76 = arith.cmpi eq, %jit3A_75, %eq3A : i32
      %jit3A_77 = arith.constant 1 : i32
      %select_n3A_78 = arith.select %eq3A_76, %jit3A_77, %jit3A_75 : i32
      %rem3A_79 = arith.remsi %scan3A_57, %select_n3A_78 : i32
      %ne3A_80 = arith.constant 0 : i32
      %ne3A_81 = arith.cmpi ne, %rem3A_79, %ne3A_80 : i32
      %lt3A = arith.constant 0 : i32
      %lt3A_82 = arith.cmpi slt, %rem3A_79, %lt3A : i32
      %lt3A_83 = arith.constant 0 : i32
      %lt3A_84 = arith.cmpi slt, %select_n3A_78, %lt3A_83 : i32
      %ne3A_85 = arith.xori %lt3A_82, %lt3A_84 : i1
      %and3A_86 = arith.andi %ne3A_85, %ne3A_81 : i1
      %add3A_87 = arith.addi %rem3A_79, %select_n3A_78 : i32
      %select_n3A_88 = arith.select %and3A_86, %add3A_87, %rem3A_79 : i32
      %broadcast_in_dim3A = arith.constant 0.000000e+00 : f32
      %broadcast_in_dim3A_89 = vector.broadcast %broadcast_in_dim3A : f32 to vector<16xf32>
      %mul3A_90 = arith.constant 16 : i32
      %mul3A_91 = arith.muli %select_n3A_88, %mul3A_90 : i32
      %swap3A = arith.index_cast %select_n3A : i32 to index
      %swap3A_92 = arith.index_cast %mul3A_91 : i32 to index
      %swap3A_93 = tpu.vector_load %arg11[%swap3A, %swap3A_92] {strides = array<i32>} : memref<80x128xf32, #tpu.memory_space<vmem>>, vector<1x16xf32>,
      %swap3A_94 = vector.shape_cast %swap3A_93 : vector<1x16xf32> to vector<16xf32>
      %swap3A_95 = vector.shape_cast %broadcast_in_dim3A_89 : vector<16xf32> to vector<1x16xf32>
      tpu.vector_store %arg11[%swap3A, %swap3A_92], %swap3A_95 {strides = array<i32>} : memref<80x128xf32, #tpu.memory_space<vmem>>, vector<1x16xf32>,
      %scan3A_96 = arith.constant 0 : i32
      scf.yield %scan3A_96 : i32
    }
    %scan3A_6 = arith.constant 640 : i32
    %mul3A_7 = arith.constant 640 : i32
    %mul3A_8 = arith.muli %arg1, %mul3A_7 : i32
    %add3A_9 = arith.constant 0 : i32
    %add3A_10 = arith.addi %mul3A_8, %add3A_9 : i32
    "tpu.region"() ({
      %run_scoped3A = tpu.sem_alloc : memref<!tpu.dma_semaphore, #tpu.memory_space<semaphore_mem>>
      %dma_start3A_57 = arith.constant 0 : i32
      %dma_start3A_58 = tpu.memref_slice %arg6[%add3A_10, %dma_start3A_57] : memref<10240x128xf32, #tpu.memory_space<vmem_shared>> -> memref<80x128xf32, #tpu.memory_space<vmem_shared>>
      %dma_start3A_59 = arith.constant 0 : i32
      %dma_start3A_60 = tpu.memref_slice %arg6[%add3A_10, %dma_start3A_59] : memref<10240x128xf32, #tpu.memory_space<vmem_shared>> -> memref<80x128xf32, #tpu.memory_space<vmem_shared>>
      tpu.enqueue_dma source(%arg11 : memref<80x128xf32, #tpu.memory_space<vmem>>) target(%dma_start3A_60 : memref<80x128xf32, #tpu.memory_space<vmem_shared>>) target_semaphore(%run_scoped3A : memref<!tpu.dma_semaphore, #tpu.memory_space<semaphore_mem>>)
      %dma_wait3A_61 = arith.constant 0 : i32
      %dma_wait3A_62 = tpu.memref_slice %arg6[%add3A_10, %dma_wait3A_61] : memref<10240x128xf32, #tpu.memory_space<vmem_shared>> -> memref<80x128xf32, #tpu.memory_space<vmem_shared>>
      %dma_wait3A_63 = arith.constant 0 : i32
      %dma_wait3A_64 = tpu.memref_slice %arg6[%add3A_10, %dma_wait3A_63] : memref<10240x128xf32, #tpu.memory_space<vmem_shared>> -> memref<80x128xf32, #tpu.memory_space<vmem_shared>>
      tpu.wait_dma2 semaphore(%run_scoped3A : memref<!tpu.dma_semaphore, #tpu.memory_space<semaphore_mem>>) src(%arg11 : memref<80x128xf32, #tpu.memory_space<vmem>>) dst(%dma_wait3A_64 : memref<80x128xf32, #tpu.memory_space<vmem_shared>>)
      tpu.yield
    }) : () -> ()
    %add3A_11 = arith.constant 80 : i32
    %add3A_12 = arith.addi %mul3A_8, %add3A_11 : i32
    "tpu.region"() ({
      %run_scoped3A = tpu.sem_alloc : memref<!tpu.dma_semaphore, #tpu.memory_space<semaphore_mem>>
      %dma_start3A_57 = arith.constant 0 : i32
      %dma_start3A_58 = tpu.memref_slice %arg6[%add3A_12, %dma_start3A_57] : memref<10240x128xf32, #tpu.memory_space<vmem_shared>> -> memref<80x128xf32, #tpu.memory_space<vmem_shared>>
      %dma_start3A_59 = arith.constant 0 : i32
      %dma_start3A_60 = tpu.memref_slice %arg6[%add3A_12, %dma_start3A_59] : memref<10240x128xf32, #tpu.memory_space<vmem_shared>> -> memref<80x128xf32, #tpu.memory_space<vmem_shared>>
      tpu.enqueue_dma source(%arg11 : memref<80x128xf32, #tpu.memory_space<vmem>>) target(%dma_start3A_60 : memref<80x128xf32, #tpu.memory_space<vmem_shared>>) target_semaphore(%run_scoped3A : memref<!tpu.dma_semaphore, #tpu.memory_space<semaphore_mem>>)
      %dma_wait3A_61 = arith.constant 0 : i32
      %dma_wait3A_62 = tpu.memref_slice %arg6[%add3A_12, %dma_wait3A_61] : memref<10240x128xf32, #tpu.memory_space<vmem_shared>> -> memref<80x128xf32, #tpu.memory_space<vmem_shared>>
      %dma_wait3A_63 = arith.constant 0 : i32
      %dma_wait3A_64 = tpu.memref_slice %arg6[%add3A_12, %dma_wait3A_63] : memref<10240x128xf32, #tpu.memory_space<vmem_shared>> -> memref<80x128xf32, #tpu.memory_space<vmem_shared>>
      tpu.wait_dma2 semaphore(%run_scoped3A : memref<!tpu.dma_semaphore, #tpu.memory_space<semaphore_mem>>) src(%arg11 : memref<80x128xf32, #tpu.memory_space<vmem>>) dst(%dma_wait3A_64 : memref<80x128xf32, #tpu.memory_space<vmem_shared>>)
      tpu.yield
    }) : () -> ()
    %add3A_13 = arith.constant 160 : i32
    %add3A_14 = arith.addi %mul3A_8, %add3A_13 : i32
    "tpu.region"() ({
      %run_scoped3A = tpu.sem_alloc : memref<!tpu.dma_semaphore, #tpu.memory_space<semaphore_mem>>
      %dma_start3A_57 = arith.constant 0 : i32
      %dma_start3A_58 = tpu.memref_slice %arg6[%add3A_14, %dma_start3A_57] : memref<10240x128xf32, #tpu.memory_space<vmem_shared>> -> memref<80x128xf32, #tpu.memory_space<vmem_shared>>
      %dma_start3A_59 = arith.constant 0 : i32
      %dma_start3A_60 = tpu.memref_slice %arg6[%add3A_14, %dma_start3A_59] : memref<10240x128xf32, #tpu.memory_space<vmem_shared>> -> memref<80x128xf32, #tpu.memory_space<vmem_shared>>
      tpu.enqueue_dma source(%arg11 : memref<80x128xf32, #tpu.memory_space<vmem>>) target(%dma_start3A_60 : memref<80x128xf32, #tpu.memory_space<vmem_shared>>) target_semaphore(%run_scoped3A : memref<!tpu.dma_semaphore, #tpu.memory_space<semaphore_mem>>)
      %dma_wait3A_61 = arith.constant 0 : i32
      %dma_wait3A_62 = tpu.memref_slice %arg6[%add3A_14, %dma_wait3A_61] : memref<10240x128xf32, #tpu.memory_space<vmem_shared>> -> memref<80x128xf32, #tpu.memory_space<vmem_shared>>
      %dma_wait3A_63 = arith.constant 0 : i32
      %dma_wait3A_64 = tpu.memref_slice %arg6[%add3A_14, %dma_wait3A_63] : memref<10240x128xf32, #tpu.memory_space<vmem_shared>> -> memref<80x128xf32, #tpu.memory_space<vmem_shared>>
      tpu.wait_dma2 semaphore(%run_scoped3A : memref<!tpu.dma_semaphore, #tpu.memory_space<semaphore_mem>>) src(%arg11 : memref<80x128xf32, #tpu.memory_space<vmem>>) dst(%dma_wait3A_64 : memref<80x128xf32, #tpu.memory_space<vmem_shared>>)
      tpu.yield
    }) : () -> ()
    %add3A_15 = arith.constant 240 : i32
    %add3A_16 = arith.addi %mul3A_8, %add3A_15 : i32
    "tpu.region"() ({
      %run_scoped3A = tpu.sem_alloc : memref<!tpu.dma_semaphore, #tpu.memory_space<semaphore_mem>>
      %dma_start3A_57 = arith.constant 0 : i32
      %dma_start3A_58 = tpu.memref_slice %arg6[%add3A_16, %dma_start3A_57] : memref<10240x128xf32, #tpu.memory_space<vmem_shared>> -> memref<80x128xf32, #tpu.memory_space<vmem_shared>>
      %dma_start3A_59 = arith.constant 0 : i32
      %dma_start3A_60 = tpu.memref_slice %arg6[%add3A_16, %dma_start3A_59] : memref<10240x128xf32, #tpu.memory_space<vmem_shared>> -> memref<80x128xf32, #tpu.memory_space<vmem_shared>>
      tpu.enqueue_dma source(%arg11 : memref<80x128xf32, #tpu.memory_space<vmem>>) target(%dma_start3A_60 : memref<80x128xf32, #tpu.memory_space<vmem_shared>>) target_semaphore(%run_scoped3A : memref<!tpu.dma_semaphore, #tpu.memory_space<semaphore_mem>>)
      %dma_wait3A_61 = arith.constant 0 : i32
      %dma_wait3A_62 = tpu.memref_slice %arg6[%add3A_16, %dma_wait3A_61] : memref<10240x128xf32, #tpu.memory_space<vmem_shared>> -> memref<80x128xf32, #tpu.memory_space<vmem_shared>>
      %dma_wait3A_63 = arith.constant 0 : i32
      %dma_wait3A_64 = tpu.memref_slice %arg6[%add3A_16, %dma_wait3A_63] : memref<10240x128xf32, #tpu.memory_space<vmem_shared>> -> memref<80x128xf32, #tpu.memory_space<vmem_shared>>
      tpu.wait_dma2 semaphore(%run_scoped3A : memref<!tpu.dma_semaphore, #tpu.memory_space<semaphore_mem>>) src(%arg11 : memref<80x128xf32, #tpu.memory_space<vmem>>) dst(%dma_wait3A_64 : memref<80x128xf32, #tpu.memory_space<vmem_shared>>)
      tpu.yield
    }) : () -> ()
    %add3A_17 = arith.constant 320 : i32
    %add3A_18 = arith.addi %mul3A_8, %add3A_17 : i32
    "tpu.region"() ({
      %run_scoped3A = tpu.sem_alloc : memref<!tpu.dma_semaphore, #tpu.memory_space<semaphore_mem>>
      %dma_start3A_57 = arith.constant 0 : i32
      %dma_start3A_58 = tpu.memref_slice %arg6[%add3A_18, %dma_start3A_57] : memref<10240x128xf32, #tpu.memory_space<vmem_shared>> -> memref<80x128xf32, #tpu.memory_space<vmem_shared>>
      %dma_start3A_59 = arith.constant 0 : i32
      %dma_start3A_60 = tpu.memref_slice %arg6[%add3A_18, %dma_start3A_59] : memref<10240x128xf32, #tpu.memory_space<vmem_shared>> -> memref<80x128xf32, #tpu.memory_space<vmem_shared>>
      tpu.enqueue_dma source(%arg11 : memref<80x128xf32, #tpu.memory_space<vmem>>) target(%dma_start3A_60 : memref<80x128xf32, #tpu.memory_space<vmem_shared>>) target_semaphore(%run_scoped3A : memref<!tpu.dma_semaphore, #tpu.memory_space<semaphore_mem>>)
      %dma_wait3A_61 = arith.constant 0 : i32
      %dma_wait3A_62 = tpu.memref_slice %arg6[%add3A_18, %dma_wait3A_61] : memref<10240x128xf32, #tpu.memory_space<vmem_shared>> -> memref<80x128xf32, #tpu.memory_space<vmem_shared>>
      %dma_wait3A_63 = arith.constant 0 : i32
      %dma_wait3A_64 = tpu.memref_slice %arg6[%add3A_18, %dma_wait3A_63] : memref<10240x128xf32, #tpu.memory_space<vmem_shared>> -> memref<80x128xf32, #tpu.memory_space<vmem_shared>>
      tpu.wait_dma2 semaphore(%run_scoped3A : memref<!tpu.dma_semaphore, #tpu.memory_space<semaphore_mem>>) src(%arg11 : memref<80x128xf32, #tpu.memory_space<vmem>>) dst(%dma_wait3A_64 : memref<80x128xf32, #tpu.memory_space<vmem_shared>>)
      tpu.yield
    }) : () -> ()
    %add3A_19 = arith.constant 400 : i32
    %add3A_20 = arith.addi %mul3A_8, %add3A_19 : i32
    "tpu.region"() ({
      %run_scoped3A = tpu.sem_alloc : memref<!tpu.dma_semaphore, #tpu.memory_space<semaphore_mem>>
      %dma_start3A_57 = arith.constant 0 : i32
      %dma_start3A_58 = tpu.memref_slice %arg6[%add3A_20, %dma_start3A_57] : memref<10240x128xf32, #tpu.memory_space<vmem_shared>> -> memref<80x128xf32, #tpu.memory_space<vmem_shared>>
      %dma_start3A_59 = arith.constant 0 : i32
      %dma_start3A_60 = tpu.memref_slice %arg6[%add3A_20, %dma_start3A_59] : memref<10240x128xf32, #tpu.memory_space<vmem_shared>> -> memref<80x128xf32, #tpu.memory_space<vmem_shared>>
      tpu.enqueue_dma source(%arg11 : memref<80x128xf32, #tpu.memory_space<vmem>>) target(%dma_start3A_60 : memref<80x128xf32, #tpu.memory_space<vmem_shared>>) target_semaphore(%run_scoped3A : memref<!tpu.dma_semaphore, #tpu.memory_space<semaphore_mem>>)
      %dma_wait3A_61 = arith.constant 0 : i32
      %dma_wait3A_62 = tpu.memref_slice %arg6[%add3A_20, %dma_wait3A_61] : memref<10240x128xf32, #tpu.memory_space<vmem_shared>> -> memref<80x128xf32, #tpu.memory_space<vmem_shared>>
      %dma_wait3A_63 = arith.constant 0 : i32
      %dma_wait3A_64 = tpu.memref_slice %arg6[%add3A_20, %dma_wait3A_63] : memref<10240x128xf32, #tpu.memory_space<vmem_shared>> -> memref<80x128xf32, #tpu.memory_space<vmem_shared>>
      tpu.wait_dma2 semaphore(%run_scoped3A : memref<!tpu.dma_semaphore, #tpu.memory_space<semaphore_mem>>) src(%arg11 : memref<80x128xf32, #tpu.memory_space<vmem>>) dst(%dma_wait3A_64 : memref<80x128xf32, #tpu.memory_space<vmem_shared>>)
      tpu.yield
    }) : () -> ()
    %add3A_21 = arith.constant 480 : i32
    %add3A_22 = arith.addi %mul3A_8, %add3A_21 : i32
    "tpu.region"() ({
      %run_scoped3A = tpu.sem_alloc : memref<!tpu.dma_semaphore, #tpu.memory_space<semaphore_mem>>
      %dma_start3A_57 = arith.constant 0 : i32
      %dma_start3A_58 = tpu.memref_slice %arg6[%add3A_22, %dma_start3A_57] : memref<10240x128xf32, #tpu.memory_space<vmem_shared>> -> memref<80x128xf32, #tpu.memory_space<vmem_shared>>
      %dma_start3A_59 = arith.constant 0 : i32
      %dma_start3A_60 = tpu.memref_slice %arg6[%add3A_22, %dma_start3A_59] : memref<10240x128xf32, #tpu.memory_space<vmem_shared>> -> memref<80x128xf32, #tpu.memory_space<vmem_shared>>
      tpu.enqueue_dma source(%arg11 : memref<80x128xf32, #tpu.memory_space<vmem>>) target(%dma_start3A_60 : memref<80x128xf32, #tpu.memory_space<vmem_shared>>) target_semaphore(%run_scoped3A : memref<!tpu.dma_semaphore, #tpu.memory_space<semaphore_mem>>)
      %dma_wait3A_61 = arith.constant 0 : i32
      %dma_wait3A_62 = tpu.memref_slice %arg6[%add3A_22, %dma_wait3A_61] : memref<10240x128xf32, #tpu.memory_space<vmem_shared>> -> memref<80x128xf32, #tpu.memory_space<vmem_shared>>
      %dma_wait3A_63 = arith.constant 0 : i32
      %dma_wait3A_64 = tpu.memref_slice %arg6[%add3A_22, %dma_wait3A_63] : memref<10240x128xf32, #tpu.memory_space<vmem_shared>> -> memref<80x128xf32, #tpu.memory_space<vmem_shared>>
      tpu.wait_dma2 semaphore(%run_scoped3A : memref<!tpu.dma_semaphore, #tpu.memory_space<semaphore_mem>>) src(%arg11 : memref<80x128xf32, #tpu.memory_space<vmem>>) dst(%dma_wait3A_64 : memref<80x128xf32, #tpu.memory_space<vmem_shared>>)
      tpu.yield
    }) : () -> ()
    %add3A_23 = arith.constant 560 : i32
    %add3A_24 = arith.addi %mul3A_8, %add3A_23 : i32
    "tpu.region"() ({
      %run_scoped3A = tpu.sem_alloc : memref<!tpu.dma_semaphore, #tpu.memory_space<semaphore_mem>>
      %dma_start3A_57 = arith.constant 0 : i32
      %dma_start3A_58 = tpu.memref_slice %arg6[%add3A_24, %dma_start3A_57] : memref<10240x128xf32, #tpu.memory_space<vmem_shared>> -> memref<80x128xf32, #tpu.memory_space<vmem_shared>>
      %dma_start3A_59 = arith.constant 0 : i32
      %dma_start3A_60 = tpu.memref_slice %arg6[%add3A_24, %dma_start3A_59] : memref<10240x128xf32, #tpu.memory_space<vmem_shared>> -> memref<80x128xf32, #tpu.memory_space<vmem_shared>>
      tpu.enqueue_dma source(%arg11 : memref<80x128xf32, #tpu.memory_space<vmem>>) target(%dma_start3A_60 : memref<80x128xf32, #tpu.memory_space<vmem_shared>>) target_semaphore(%run_scoped3A : memref<!tpu.dma_semaphore, #tpu.memory_space<semaphore_mem>>)
      %dma_wait3A_61 = arith.constant 0 : i32
      %dma_wait3A_62 = tpu.memref_slice %arg6[%add3A_24, %dma_wait3A_61] : memref<10240x128xf32, #tpu.memory_space<vmem_shared>> -> memref<80x128xf32, #tpu.memory_space<vmem_shared>>
      %dma_wait3A_63 = arith.constant 0 : i32
      %dma_wait3A_64 = tpu.memref_slice %arg6[%add3A_24, %dma_wait3A_63] : memref<10240x128xf32, #tpu.memory_space<vmem_shared>> -> memref<80x128xf32, #tpu.memory_space<vmem_shared>>
      tpu.wait_dma2 semaphore(%run_scoped3A : memref<!tpu.dma_semaphore, #tpu.memory_space<semaphore_mem>>) src(%arg11 : memref<80x128xf32, #tpu.memory_space<vmem>>) dst(%dma_wait3A_64 : memref<80x128xf32, #tpu.memory_space<vmem_shared>>)
      tpu.yield
    }) : () -> ()
    %barrier3A = arith.constant 0 : index
    tpu.barrier barrier_id(%barrier3A)
    %mul3A_25 = arith.constant 10000 : i32
    %mul3A_26 = arith.muli %add3A, %mul3A_25 : i32
    %scan3A_27 = arith.constant 0 : i32
    %scan3A_28 = arith.constant 0 : i32
    %scan3A_29 = arith.constant 62 : i32
    %scan3A_30 = arith.addi %scan3A_28, %scan3A_29 : i32
    %scan3A_31 = arith.constant 1 : i32
    %scan3A_32 = scf.for %scan3A_57 = %scan3A_28 to %scan3A_30 step %scan3A_31 iter_args(%scan3A_58 = %scan3A_27) -> (i32)  : i32 {
      %mul3A_59 = arith.constant 2 : i32
      %mul3A_60 = arith.muli %mul3A_59, %scan3A_57 : i32
      %mul3A_61 = arith.constant 80 : i32
      %mul3A_62 = arith.muli %mul3A_60, %mul3A_61 : i32
      %add3A_63 = arith.addi %mul3A_26, %mul3A_62 : i32
      %add3A_64 = arith.constant 80 : i32
      %add3A_65 = arith.addi %add3A_63, %add3A_64 : i32
      "tpu.region"() ({
        %run_scoped3A = tpu.sem_alloc : memref<!tpu.dma_semaphore, #tpu.memory_space<semaphore_mem>>
        %dma_start3A_85 = tpu.memref_slice %arg3[%add3A_63] : memref<320000xi32, #tpu.memory_space<hbm>> -> memref<80xi32, #tpu.memory_space<hbm>>
        %dma_start3A_86 = tpu.memref_slice %arg3[%add3A_63] : memref<320000xi32, #tpu.memory_space<hbm>> -> memref<80xi32, #tpu.memory_space<hbm>>
        tpu.enqueue_dma source(%dma_start3A_86 : memref<80xi32, #tpu.memory_space<hbm>>) target(%arg7 : memref<80xi32, #tpu.memory_space<vmem>>) target_semaphore(%run_scoped3A : memref<!tpu.dma_semaphore, #tpu.memory_space<semaphore_mem>>)
        %dma_wait3A_87 = tpu.memref_slice %arg3[%add3A_63] : memref<320000xi32, #tpu.memory_space<hbm>> -> memref<80xi32, #tpu.memory_space<hbm>>
        %dma_wait3A_88 = tpu.memref_slice %arg3[%add3A_63] : memref<320000xi32, #tpu.memory_space<hbm>> -> memref<80xi32, #tpu.memory_space<hbm>>
        tpu.wait_dma2 semaphore(%run_scoped3A : memref<!tpu.dma_semaphore, #tpu.memory_space<semaphore_mem>>) src(%dma_wait3A_88 : memref<80xi32, #tpu.memory_space<hbm>>) dst(%arg7 : memref<80xi32, #tpu.memory_space<vmem>>)
        tpu.yield
      }) : () -> ()
      %dma_start3A_66 = arith.constant 0 : i32
      %dma_start3A_67 = arith.constant 0 : i32
      %dma_start3A_68 = tpu.memref_slice %arg2[%dma_start3A_66, %dma_start3A_67] : memref<10000x128xf32, #tpu.memory_space<hbm>> -> memref<10000x128xf32, #tpu.memory_space<hbm>>
      tpu.enqueue_indirect_dma source(%dma_start3A_68 : memref<10000x128xf32, #tpu.memory_space<hbm>>) target(%arg11 : memref<80x128xf32, #tpu.memory_space<vmem>>) offsets(%arg7 : memref<80xi32, #tpu.memory_space<vmem>>) semaphore(%arg13 : memref<!tpu.dma_semaphore, #tpu.memory_space<semaphore_mem>>)
      "tpu.region"() ({
        %run_scoped3A = tpu.sem_alloc : memref<!tpu.dma_semaphore, #tpu.memory_space<semaphore_mem>>
        %dma_start3A_85 = tpu.memref_slice %arg3[%add3A_65] : memref<320000xi32, #tpu.memory_space<hbm>> -> memref<80xi32, #tpu.memory_space<hbm>>
        %dma_start3A_86 = tpu.memref_slice %arg3[%add3A_65] : memref<320000xi32, #tpu.memory_space<hbm>> -> memref<80xi32, #tpu.memory_space<hbm>>
        tpu.enqueue_dma source(%dma_start3A_86 : memref<80xi32, #tpu.memory_space<hbm>>) target(%arg8 : memref<80xi32, #tpu.memory_space<vmem>>) target_semaphore(%run_scoped3A : memref<!tpu.dma_semaphore, #tpu.memory_space<semaphore_mem>>)
        %dma_wait3A_87 = tpu.memref_slice %arg3[%add3A_65] : memref<320000xi32, #tpu.memory_space<hbm>> -> memref<80xi32, #tpu.memory_space<hbm>>
        %dma_wait3A_88 = tpu.memref_slice %arg3[%add3A_65] : memref<320000xi32, #tpu.memory_space<hbm>> -> memref<80xi32, #tpu.memory_space<hbm>>
        tpu.wait_dma2 semaphore(%run_scoped3A : memref<!tpu.dma_semaphore, #tpu.memory_space<semaphore_mem>>) src(%dma_wait3A_88 : memref<80xi32, #tpu.memory_space<hbm>>) dst(%arg8 : memref<80xi32, #tpu.memory_space<vmem>>)
        tpu.yield
      }) : () -> ()
      "tpu.region"() ({
        %run_scoped3A = tpu.sem_alloc : memref<!tpu.dma_semaphore, #tpu.memory_space<semaphore_mem>>
        %dma_start3A_85 = tpu.memref_slice %arg4[%add3A_63] : memref<320000xi32, #tpu.memory_space<hbm>> -> memref<80xi32, #tpu.memory_space<hbm>>
        %dma_start3A_86 = tpu.memref_slice %arg4[%add3A_63] : memref<320000xi32, #tpu.memory_space<hbm>> -> memref<80xi32, #tpu.memory_space<hbm>>
        tpu.enqueue_dma source(%dma_start3A_86 : memref<80xi32, #tpu.memory_space<hbm>>) target(%arg9 : memref<80xi32, #tpu.memory_space<vmem>>) target_semaphore(%run_scoped3A : memref<!tpu.dma_semaphore, #tpu.memory_space<semaphore_mem>>)
        %dma_wait3A_87 = tpu.memref_slice %arg4[%add3A_63] : memref<320000xi32, #tpu.memory_space<hbm>> -> memref<80xi32, #tpu.memory_space<hbm>>
        %dma_wait3A_88 = tpu.memref_slice %arg4[%add3A_63] : memref<320000xi32, #tpu.memory_space<hbm>> -> memref<80xi32, #tpu.memory_space<hbm>>
        tpu.wait_dma2 semaphore(%run_scoped3A : memref<!tpu.dma_semaphore, #tpu.memory_space<semaphore_mem>>) src(%dma_wait3A_88 : memref<80xi32, #tpu.memory_space<hbm>>) dst(%arg9 : memref<80xi32, #tpu.memory_space<vmem>>)
        tpu.yield
      }) : () -> ()
      %dma_wait3A_69 = arith.constant 0 : i32
      %dma_wait3A_70 = arith.constant 0 : i32
      %dma_wait3A_71 = tpu.memref_slice %arg2[%dma_wait3A_69, %dma_wait3A_70] : memref<10000x128xf32, #tpu.memory_space<hbm>> -> memref<10000x128xf32, #tpu.memory_space<hbm>>
      tpu.wait_indirect_dma semaphore(%arg13 : memref<!tpu.dma_semaphore, #tpu.memory_space<semaphore_mem>>) src(%dma_wait3A_71 : memref<10000x128xf32, #tpu.memory_space<hbm>>) dst(%arg11 : memref<80x128xf32, #tpu.memory_space<vmem>>)
      %dma_start3A_72 = arith.constant 0 : i32
      %dma_start3A_73 = arith.constant 0 : i32
      %dma_start3A_74 = tpu.memref_slice %arg2[%dma_start3A_72, %dma_start3A_73] : memref<10000x128xf32, #tpu.memory_space<hbm>> -> memref<10000x128xf32, #tpu.memory_space<hbm>>
      tpu.enqueue_indirect_dma source(%dma_start3A_74 : memref<10000x128xf32, #tpu.memory_space<hbm>>) target(%arg12 : memref<80x128xf32, #tpu.memory_space<vmem>>) offsets(%arg8 : memref<80xi32, #tpu.memory_space<vmem>>) semaphore(%arg13 : memref<!tpu.dma_semaphore, #tpu.memory_space<semaphore_mem>>)
      %dma_start3A_75 = arith.constant 0 : i32
      %dma_start3A_76 = arith.constant 0 : i32
      %dma_start3A_77 = tpu.memref_slice %arg6[%dma_start3A_75, %dma_start3A_76] : memref<10240x128xf32, #tpu.memory_space<vmem_shared>> -> memref<10240x128xf32, #tpu.memory_space<vmem_shared>>
      tpu.enqueue_indirect_dma source(%arg11 : memref<80x128xf32, #tpu.memory_space<vmem>>) target(%dma_start3A_77 : memref<10240x128xf32, #tpu.memory_space<vmem_shared>>) offsets(%arg9 : memref<80xi32, #tpu.memory_space<vmem>>) semaphore(%arg14 : memref<!tpu.dma_semaphore, #tpu.memory_space<semaphore_mem>>) {add = true}
      "tpu.region"() ({
        %run_scoped3A = tpu.sem_alloc : memref<!tpu.dma_semaphore, #tpu.memory_space<semaphore_mem>>
        %dma_start3A_85 = tpu.memref_slice %arg4[%add3A_65] : memref<320000xi32, #tpu.memory_space<hbm>> -> memref<80xi32, #tpu.memory_space<hbm>>
        %dma_start3A_86 = tpu.memref_slice %arg4[%add3A_65] : memref<320000xi32, #tpu.memory_space<hbm>> -> memref<80xi32, #tpu.memory_space<hbm>>
        tpu.enqueue_dma source(%dma_start3A_86 : memref<80xi32, #tpu.memory_space<hbm>>) target(%arg10 : memref<80xi32, #tpu.memory_space<vmem>>) target_semaphore(%run_scoped3A : memref<!tpu.dma_semaphore, #tpu.memory_space<semaphore_mem>>)
        %dma_wait3A_87 = tpu.memref_slice %arg4[%add3A_65] : memref<320000xi32, #tpu.memory_space<hbm>> -> memref<80xi32, #tpu.memory_space<hbm>>
        %dma_wait3A_88 = tpu.memref_slice %arg4[%add3A_65] : memref<320000xi32, #tpu.memory_space<hbm>> -> memref<80xi32, #tpu.memory_space<hbm>>
        tpu.wait_dma2 semaphore(%run_scoped3A : memref<!tpu.dma_semaphore, #tpu.memory_space<semaphore_mem>>) src(%dma_wait3A_88 : memref<80xi32, #tpu.memory_space<hbm>>) dst(%arg10 : memref<80xi32, #tpu.memory_space<vmem>>)
        tpu.yield
      }) : () -> ()
      %dma_wait3A_78 = arith.constant 0 : i32
      %dma_wait3A_79 = arith.constant 0 : i32
      %dma_wait3A_80 = tpu.memref_slice %arg2[%dma_wait3A_78, %dma_wait3A_79] : memref<10000x128xf32, #tpu.memory_space<hbm>> -> memref<10000x128xf32, #tpu.memory_space<hbm>>
      tpu.wait_indirect_dma semaphore(%arg13 : memref<!tpu.dma_semaphore, #tpu.memory_space<semaphore_mem>>) src(%dma_wait3A_80 : memref<10000x128xf32, #tpu.memory_space<hbm>>) dst(%arg12 : memref<80x128xf32, #tpu.memory_space<vmem>>)
      %dma_wait3A_81 = arith.constant 0 : i32
      %dma_wait3A_82 = arith.constant 0 : i32
      %dma_wait3A_83 = tpu.memref_slice %arg6[%dma_wait3A_81, %dma_wait3A_82] : memref<10240x128xf32, #tpu.memory_space<vmem_shared>> -> memref<10240x128xf32, #tpu.memory_space<vmem_shared>>
      tpu.wait_indirect_dma semaphore(%arg14 : memref<!tpu.dma_semaphore, #tpu.memory_space<semaphore_mem>>) src(%arg11 : memref<80x128xf32, #tpu.memory_space<vmem>>) dst(%dma_wait3A_83 : memref<10240x128xf32, #tpu.memory_space<vmem_shared>>)
      "tpu.region"() ({
        %run_scoped3A = tpu.sem_alloc : memref<!tpu.dma_semaphore, #tpu.memory_space<semaphore_mem>>
        %dma_start3A_85 = arith.constant 0 : i32
        %dma_start3A_86 = arith.constant 0 : i32
        %dma_start3A_87 = tpu.memref_slice %arg6[%dma_start3A_85, %dma_start3A_86] : memref<10240x128xf32, #tpu.memory_space<vmem_shared>> -> memref<10240x128xf32, #tpu.memory_space<vmem_shared>>
        tpu.enqueue_indirect_dma source(%arg12 : memref<80x128xf32, #tpu.memory_space<vmem>>) target(%dma_start3A_87 : memref<10240x128xf32, #tpu.memory_space<vmem_shared>>) offsets(%arg10 : memref<80xi32, #tpu.memory_space<vmem>>) semaphore(%run_scoped3A : memref<!tpu.dma_semaphore, #tpu.memory_space<semaphore_mem>>) {add = true}
        %dma_wait3A_88 = arith.constant 0 : i32
        %dma_wait3A_89 = arith.constant 0 : i32
        %dma_wait3A_90 = tpu.memref_slice %arg6[%dma_wait3A_88, %dma_wait3A_89] : memref<10240x128xf32, #tpu.memory_space<vmem_shared>> -> memref<10240x128xf32, #tpu.memory_space<vmem_shared>>
        tpu.wait_indirect_dma semaphore(%run_scoped3A : memref<!tpu.dma_semaphore, #tpu.memory_space<semaphore_mem>>) src(%arg12 : memref<80x128xf32, #tpu.memory_space<vmem>>) dst(%dma_wait3A_90 : memref<10240x128xf32, #tpu.memory_space<vmem_shared>>)
        tpu.yield
      }) : () -> ()
      %scan3A_84 = arith.constant 0 : i32
      scf.yield %scan3A_84 : i32
    }
    %scan3A_33 = arith.constant 62 : i32
    %add3A_34 = arith.constant 9920 : i32
    %add3A_35 = arith.addi %mul3A_26, %add3A_34 : i32
    "tpu.region"() ({
      %run_scoped3A = tpu.sem_alloc : memref<!tpu.dma_semaphore, #tpu.memory_space<semaphore_mem>>
      %dma_start3A_57 = tpu.memref_slice %arg3[%add3A_35] : memref<320000xi32, #tpu.memory_space<hbm>> -> memref<80xi32, #tpu.memory_space<hbm>>
      %dma_start3A_58 = tpu.memref_slice %arg3[%add3A_35] : memref<320000xi32, #tpu.memory_space<hbm>> -> memref<80xi32, #tpu.memory_space<hbm>>
      tpu.enqueue_dma source(%dma_start3A_58 : memref<80xi32, #tpu.memory_space<hbm>>) target(%arg7 : memref<80xi32, #tpu.memory_space<vmem>>) target_semaphore(%run_scoped3A : memref<!tpu.dma_semaphore, #tpu.memory_space<semaphore_mem>>)
      %dma_wait3A_59 = tpu.memref_slice %arg3[%add3A_35] : memref<320000xi32, #tpu.memory_space<hbm>> -> memref<80xi32, #tpu.memory_space<hbm>>
      %dma_wait3A_60 = tpu.memref_slice %arg3[%add3A_35] : memref<320000xi32, #tpu.memory_space<hbm>> -> memref<80xi32, #tpu.memory_space<hbm>>
      tpu.wait_dma2 semaphore(%run_scoped3A : memref<!tpu.dma_semaphore, #tpu.memory_space<semaphore_mem>>) src(%dma_wait3A_60 : memref<80xi32, #tpu.memory_space<hbm>>) dst(%arg7 : memref<80xi32, #tpu.memory_space<vmem>>)
      tpu.yield
    }) : () -> ()
    %dma_start3A = arith.constant 0 : i32
    %dma_start3A_36 = arith.constant 0 : i32
    %dma_start3A_37 = tpu.memref_slice %arg2[%dma_start3A, %dma_start3A_36] : memref<10000x128xf32, #tpu.memory_space<hbm>> -> memref<10000x128xf32, #tpu.memory_space<hbm>>
    tpu.enqueue_indirect_dma source(%dma_start3A_37 : memref<10000x128xf32, #tpu.memory_space<hbm>>) target(%arg11 : memref<80x128xf32, #tpu.memory_space<vmem>>) offsets(%arg7 : memref<80xi32, #tpu.memory_space<vmem>>) semaphore(%arg13 : memref<!tpu.dma_semaphore, #tpu.memory_space<semaphore_mem>>)
    %dma_wait3A = arith.constant 0 : i32
    %dma_wait3A_38 = arith.constant 0 : i32
    %dma_wait3A_39 = tpu.memref_slice %arg2[%dma_wait3A, %dma_wait3A_38] : memref<10000x128xf32, #tpu.memory_space<hbm>> -> memref<10000x128xf32, #tpu.memory_space<hbm>>
    tpu.wait_indirect_dma semaphore(%arg13 : memref<!tpu.dma_semaphore, #tpu.memory_space<semaphore_mem>>) src(%dma_wait3A_39 : memref<10000x128xf32, #tpu.memory_space<hbm>>) dst(%arg11 : memref<80x128xf32, #tpu.memory_space<vmem>>)
    "tpu.region"() ({
      %run_scoped3A = tpu.sem_alloc : memref<!tpu.dma_semaphore, #tpu.memory_space<semaphore_mem>>
      %dma_start3A_57 = tpu.memref_slice %arg4[%add3A_35] : memref<320000xi32, #tpu.memory_space<hbm>> -> memref<80xi32, #tpu.memory_space<hbm>>
      %dma_start3A_58 = tpu.memref_slice %arg4[%add3A_35] : memref<320000xi32, #tpu.memory_space<hbm>> -> memref<80xi32, #tpu.memory_space<hbm>>
      tpu.enqueue_dma source(%dma_start3A_58 : memref<80xi32, #tpu.memory_space<hbm>>) target(%arg9 : memref<80xi32, #tpu.memory_space<vmem>>) target_semaphore(%run_scoped3A : memref<!tpu.dma_semaphore, #tpu.memory_space<semaphore_mem>>)
      %dma_wait3A_59 = tpu.memref_slice %arg4[%add3A_35] : memref<320000xi32, #tpu.memory_space<hbm>> -> memref<80xi32, #tpu.memory_space<hbm>>
      %dma_wait3A_60 = tpu.memref_slice %arg4[%add3A_35] : memref<320000xi32, #tpu.memory_space<hbm>> -> memref<80xi32, #tpu.memory_space<hbm>>
      tpu.wait_dma2 semaphore(%run_scoped3A : memref<!tpu.dma_semaphore, #tpu.memory_space<semaphore_mem>>) src(%dma_wait3A_60 : memref<80xi32, #tpu.memory_space<hbm>>) dst(%arg9 : memref<80xi32, #tpu.memory_space<vmem>>)
      tpu.yield
    }) : () -> ()
    "tpu.region"() ({
      %run_scoped3A = tpu.sem_alloc : memref<!tpu.dma_semaphore, #tpu.memory_space<semaphore_mem>>
      %dma_start3A_57 = arith.constant 0 : i32
      %dma_start3A_58 = arith.constant 0 : i32
      %dma_start3A_59 = tpu.memref_slice %arg6[%dma_start3A_57, %dma_start3A_58] : memref<10240x128xf32, #tpu.memory_space<vmem_shared>> -> memref<10240x128xf32, #tpu.memory_space<vmem_shared>>
      tpu.enqueue_indirect_dma source(%arg11 : memref<80x128xf32, #tpu.memory_space<vmem>>) target(%dma_start3A_59 : memref<10240x128xf32, #tpu.memory_space<vmem_shared>>) offsets(%arg9 : memref<80xi32, #tpu.memory_space<vmem>>) semaphore(%run_scoped3A : memref<!tpu.dma_semaphore, #tpu.memory_space<semaphore_mem>>) {add = true}
      %dma_wait3A_60 = arith.constant 0 : i32
      %dma_wait3A_61 = arith.constant 0 : i32
      %dma_wait3A_62 = tpu.memref_slice %arg6[%dma_wait3A_60, %dma_wait3A_61] : memref<10240x128xf32, #tpu.memory_space<vmem_shared>> -> memref<10240x128xf32, #tpu.memory_space<vmem_shared>>
      tpu.wait_indirect_dma semaphore(%run_scoped3A : memref<!tpu.dma_semaphore, #tpu.memory_space<semaphore_mem>>) src(%arg11 : memref<80x128xf32, #tpu.memory_space<vmem>>) dst(%dma_wait3A_62 : memref<10240x128xf32, #tpu.memory_space<vmem_shared>>)
      tpu.yield
    }) : () -> ()
    %barrier3A_40 = arith.constant 0 : index
    tpu.barrier barrier_id(%barrier3A_40)
    %add3A_41 = arith.constant 0 : i32
    %add3A_42 = arith.addi %mul3A_8, %add3A_41 : i32
    "tpu.region"() ({
      %run_scoped3A = tpu.sem_alloc : memref<!tpu.dma_semaphore, #tpu.memory_space<semaphore_mem>>
      %dma_start3A_57 = arith.constant 0 : i32
      %dma_start3A_58 = tpu.memref_slice %arg5[%arg0, %add3A_42, %dma_start3A_57] : memref<2x10240x128xf32, #tpu.memory_space<hbm>> -> memref<1x80x128xf32, #tpu.memory_space<hbm>>
      %dma_start3A_59 = tpu.memref_squeeze %dma_start3A_58 : memref<1x80x128xf32, #tpu.memory_space<hbm>> -> memref<80x128xf32, #tpu.memory_space<hbm>>
      %dma_start3A_60 = arith.constant 0 : i32
      %dma_start3A_61 = tpu.memref_slice %arg6[%add3A_42, %dma_start3A_60] : memref<10240x128xf32, #tpu.memory_space<vmem_shared>> -> memref<80x128xf32, #tpu.memory_space<vmem_shared>>
      tpu.enqueue_dma source(%dma_start3A_61 : memref<80x128xf32, #tpu.memory_space<vmem_shared>>) target(%dma_start3A_59 : memref<80x128xf32, #tpu.memory_space<hbm>>) target_semaphore(%run_scoped3A : memref<!tpu.dma_semaphore, #tpu.memory_space<semaphore_mem>>)
      %dma_wait3A_62 = arith.constant 0 : i32
      %dma_wait3A_63 = tpu.memref_slice %arg5[%arg0, %add3A_42, %dma_wait3A_62] : memref<2x10240x128xf32, #tpu.memory_space<hbm>> -> memref<1x80x128xf32, #tpu.memory_space<hbm>>
      %dma_wait3A_64 = tpu.memref_squeeze %dma_wait3A_63 : memref<1x80x128xf32, #tpu.memory_space<hbm>> -> memref<80x128xf32, #tpu.memory_space<hbm>>
      %dma_wait3A_65 = arith.constant 0 : i32
      %dma_wait3A_66 = tpu.memref_slice %arg6[%add3A_42, %dma_wait3A_65] : memref<10240x128xf32, #tpu.memory_space<vmem_shared>> -> memref<80x128xf32, #tpu.memory_space<vmem_shared>>
      tpu.wait_dma2 semaphore(%run_scoped3A : memref<!tpu.dma_semaphore, #tpu.memory_space<semaphore_mem>>) src(%dma_wait3A_66 : memref<80x128xf32, #tpu.memory_space<vmem_shared>>) dst(%dma_wait3A_64 : memref<80x128xf32, #tpu.memory_space<hbm>>)
      tpu.yield
    }) : () -> ()
    %add3A_43 = arith.constant 80 : i32
    %add3A_44 = arith.addi %mul3A_8, %add3A_43 : i32
    "tpu.region"() ({
      %run_scoped3A = tpu.sem_alloc : memref<!tpu.dma_semaphore, #tpu.memory_space<semaphore_mem>>
      %dma_start3A_57 = arith.constant 0 : i32
      %dma_start3A_58 = tpu.memref_slice %arg5[%arg0, %add3A_44, %dma_start3A_57] : memref<2x10240x128xf32, #tpu.memory_space<hbm>> -> memref<1x80x128xf32, #tpu.memory_space<hbm>>
      %dma_start3A_59 = tpu.memref_squeeze %dma_start3A_58 : memref<1x80x128xf32, #tpu.memory_space<hbm>> -> memref<80x128xf32, #tpu.memory_space<hbm>>
      %dma_start3A_60 = arith.constant 0 : i32
      %dma_start3A_61 = tpu.memref_slice %arg6[%add3A_44, %dma_start3A_60] : memref<10240x128xf32, #tpu.memory_space<vmem_shared>> -> memref<80x128xf32, #tpu.memory_space<vmem_shared>>
      tpu.enqueue_dma source(%dma_start3A_61 : memref<80x128xf32, #tpu.memory_space<vmem_shared>>) target(%dma_start3A_59 : memref<80x128xf32, #tpu.memory_space<hbm>>) target_semaphore(%run_scoped3A : memref<!tpu.dma_semaphore, #tpu.memory_space<semaphore_mem>>)
      %dma_wait3A_62 = arith.constant 0 : i32
      %dma_wait3A_63 = tpu.memref_slice %arg5[%arg0, %add3A_44, %dma_wait3A_62] : memref<2x10240x128xf32, #tpu.memory_space<hbm>> -> memref<1x80x128xf32, #tpu.memory_space<hbm>>
      %dma_wait3A_64 = tpu.memref_squeeze %dma_wait3A_63 : memref<1x80x128xf32, #tpu.memory_space<hbm>> -> memref<80x128xf32, #tpu.memory_space<hbm>>
      %dma_wait3A_65 = arith.constant 0 : i32
      %dma_wait3A_66 = tpu.memref_slice %arg6[%add3A_44, %dma_wait3A_65] : memref<10240x128xf32, #tpu.memory_space<vmem_shared>> -> memref<80x128xf32, #tpu.memory_space<vmem_shared>>
      tpu.wait_dma2 semaphore(%run_scoped3A : memref<!tpu.dma_semaphore, #tpu.memory_space<semaphore_mem>>) src(%dma_wait3A_66 : memref<80x128xf32, #tpu.memory_space<vmem_shared>>) dst(%dma_wait3A_64 : memref<80x128xf32, #tpu.memory_space<hbm>>)
      tpu.yield
    }) : () -> ()
    %add3A_45 = arith.constant 160 : i32
    %add3A_46 = arith.addi %mul3A_8, %add3A_45 : i32
    "tpu.region"() ({
      %run_scoped3A = tpu.sem_alloc : memref<!tpu.dma_semaphore, #tpu.memory_space<semaphore_mem>>
      %dma_start3A_57 = arith.constant 0 : i32
      %dma_start3A_58 = tpu.memref_slice %arg5[%arg0, %add3A_46, %dma_start3A_57] : memref<2x10240x128xf32, #tpu.memory_space<hbm>> -> memref<1x80x128xf32, #tpu.memory_space<hbm>>
      %dma_start3A_59 = tpu.memref_squeeze %dma_start3A_58 : memref<1x80x128xf32, #tpu.memory_space<hbm>> -> memref<80x128xf32, #tpu.memory_space<hbm>>
      %dma_start3A_60 = arith.constant 0 : i32
      %dma_start3A_61 = tpu.memref_slice %arg6[%add3A_46, %dma_start3A_60] : memref<10240x128xf32, #tpu.memory_space<vmem_shared>> -> memref<80x128xf32, #tpu.memory_space<vmem_shared>>
      tpu.enqueue_dma source(%dma_start3A_61 : memref<80x128xf32, #tpu.memory_space<vmem_shared>>) target(%dma_start3A_59 : memref<80x128xf32, #tpu.memory_space<hbm>>) target_semaphore(%run_scoped3A : memref<!tpu.dma_semaphore, #tpu.memory_space<semaphore_mem>>)
      %dma_wait3A_62 = arith.constant 0 : i32
      %dma_wait3A_63 = tpu.memref_slice %arg5[%arg0, %add3A_46, %dma_wait3A_62] : memref<2x10240x128xf32, #tpu.memory_space<hbm>> -> memref<1x80x128xf32, #tpu.memory_space<hbm>>
      %dma_wait3A_64 = tpu.memref_squeeze %dma_wait3A_63 : memref<1x80x128xf32, #tpu.memory_space<hbm>> -> memref<80x128xf32, #tpu.memory_space<hbm>>
      %dma_wait3A_65 = arith.constant 0 : i32
      %dma_wait3A_66 = tpu.memref_slice %arg6[%add3A_46, %dma_wait3A_65] : memref<10240x128xf32, #tpu.memory_space<vmem_shared>> -> memref<80x128xf32, #tpu.memory_space<vmem_shared>>
      tpu.wait_dma2 semaphore(%run_scoped3A : memref<!tpu.dma_semaphore, #tpu.memory_space<semaphore_mem>>) src(%dma_wait3A_66 : memref<80x128xf32, #tpu.memory_space<vmem_shared>>) dst(%dma_wait3A_64 : memref<80x128xf32, #tpu.memory_space<hbm>>)
      tpu.yield
    }) : () -> ()
    %add3A_47 = arith.constant 240 : i32
    %add3A_48 = arith.addi %mul3A_8, %add3A_47 : i32
    "tpu.region"() ({
      %run_scoped3A = tpu.sem_alloc : memref<!tpu.dma_semaphore, #tpu.memory_space<semaphore_mem>>
      %dma_start3A_57 = arith.constant 0 : i32
      %dma_start3A_58 = tpu.memref_slice %arg5[%arg0, %add3A_48, %dma_start3A_57] : memref<2x10240x128xf32, #tpu.memory_space<hbm>> -> memref<1x80x128xf32, #tpu.memory_space<hbm>>
      %dma_start3A_59 = tpu.memref_squeeze %dma_start3A_58 : memref<1x80x128xf32, #tpu.memory_space<hbm>> -> memref<80x128xf32, #tpu.memory_space<hbm>>
      %dma_start3A_60 = arith.constant 0 : i32
      %dma_start3A_61 = tpu.memref_slice %arg6[%add3A_48, %dma_start3A_60] : memref<10240x128xf32, #tpu.memory_space<vmem_shared>> -> memref<80x128xf32, #tpu.memory_space<vmem_shared>>
      tpu.enqueue_dma source(%dma_start3A_61 : memref<80x128xf32, #tpu.memory_space<vmem_shared>>) target(%dma_start3A_59 : memref<80x128xf32, #tpu.memory_space<hbm>>) target_semaphore(%run_scoped3A : memref<!tpu.dma_semaphore, #tpu.memory_space<semaphore_mem>>)
      %dma_wait3A_62 = arith.constant 0 : i32
      %dma_wait3A_63 = tpu.memref_slice %arg5[%arg0, %add3A_48, %dma_wait3A_62] : memref<2x10240x128xf32, #tpu.memory_space<hbm>> -> memref<1x80x128xf32, #tpu.memory_space<hbm>>
      %dma_wait3A_64 = tpu.memref_squeeze %dma_wait3A_63 : memref<1x80x128xf32, #tpu.memory_space<hbm>> -> memref<80x128xf32, #tpu.memory_space<hbm>>
      %dma_wait3A_65 = arith.constant 0 : i32
      %dma_wait3A_66 = tpu.memref_slice %arg6[%add3A_48, %dma_wait3A_65] : memref<10240x128xf32, #tpu.memory_space<vmem_shared>> -> memref<80x128xf32, #tpu.memory_space<vmem_shared>>
      tpu.wait_dma2 semaphore(%run_scoped3A : memref<!tpu.dma_semaphore, #tpu.memory_space<semaphore_mem>>) src(%dma_wait3A_66 : memref<80x128xf32, #tpu.memory_space<vmem_shared>>) dst(%dma_wait3A_64 : memref<80x128xf32, #tpu.memory_space<hbm>>)
      tpu.yield
    }) : () -> ()
    %add3A_49 = arith.constant 320 : i32
    %add3A_50 = arith.addi %mul3A_8, %add3A_49 : i32
    "tpu.region"() ({
      %run_scoped3A = tpu.sem_alloc : memref<!tpu.dma_semaphore, #tpu.memory_space<semaphore_mem>>
      %dma_start3A_57 = arith.constant 0 : i32
      %dma_start3A_58 = tpu.memref_slice %arg5[%arg0, %add3A_50, %dma_start3A_57] : memref<2x10240x128xf32, #tpu.memory_space<hbm>> -> memref<1x80x128xf32, #tpu.memory_space<hbm>>
      %dma_start3A_59 = tpu.memref_squeeze %dma_start3A_58 : memref<1x80x128xf32, #tpu.memory_space<hbm>> -> memref<80x128xf32, #tpu.memory_space<hbm>>
      %dma_start3A_60 = arith.constant 0 : i32
      %dma_start3A_61 = tpu.memref_slice %arg6[%add3A_50, %dma_start3A_60] : memref<10240x128xf32, #tpu.memory_space<vmem_shared>> -> memref<80x128xf32, #tpu.memory_space<vmem_shared>>
      tpu.enqueue_dma source(%dma_start3A_61 : memref<80x128xf32, #tpu.memory_space<vmem_shared>>) target(%dma_start3A_59 : memref<80x128xf32, #tpu.memory_space<hbm>>) target_semaphore(%run_scoped3A : memref<!tpu.dma_semaphore, #tpu.memory_space<semaphore_mem>>)
      %dma_wait3A_62 = arith.constant 0 : i32
      %dma_wait3A_63 = tpu.memref_slice %arg5[%arg0, %add3A_50, %dma_wait3A_62] : memref<2x10240x128xf32, #tpu.memory_space<hbm>> -> memref<1x80x128xf32, #tpu.memory_space<hbm>>
      %dma_wait3A_64 = tpu.memref_squeeze %dma_wait3A_63 : memref<1x80x128xf32, #tpu.memory_space<hbm>> -> memref<80x128xf32, #tpu.memory_space<hbm>>
      %dma_wait3A_65 = arith.constant 0 : i32
      %dma_wait3A_66 = tpu.memref_slice %arg6[%add3A_50, %dma_wait3A_65] : memref<10240x128xf32, #tpu.memory_space<vmem_shared>> -> memref<80x128xf32, #tpu.memory_space<vmem_shared>>
      tpu.wait_dma2 semaphore(%run_scoped3A : memref<!tpu.dma_semaphore, #tpu.memory_space<semaphore_mem>>) src(%dma_wait3A_66 : memref<80x128xf32, #tpu.memory_space<vmem_shared>>) dst(%dma_wait3A_64 : memref<80x128xf32, #tpu.memory_space<hbm>>)
      tpu.yield
    }) : () -> ()
    %add3A_51 = arith.constant 400 : i32
    %add3A_52 = arith.addi %mul3A_8, %add3A_51 : i32
    "tpu.region"() ({
      %run_scoped3A = tpu.sem_alloc : memref<!tpu.dma_semaphore, #tpu.memory_space<semaphore_mem>>
      %dma_start3A_57 = arith.constant 0 : i32
      %dma_start3A_58 = tpu.memref_slice %arg5[%arg0, %add3A_52, %dma_start3A_57] : memref<2x10240x128xf32, #tpu.memory_space<hbm>> -> memref<1x80x128xf32, #tpu.memory_space<hbm>>
      %dma_start3A_59 = tpu.memref_squeeze %dma_start3A_58 : memref<1x80x128xf32, #tpu.memory_space<hbm>> -> memref<80x128xf32, #tpu.memory_space<hbm>>
      %dma_start3A_60 = arith.constant 0 : i32
      %dma_start3A_61 = tpu.memref_slice %arg6[%add3A_52, %dma_start3A_60] : memref<10240x128xf32, #tpu.memory_space<vmem_shared>> -> memref<80x128xf32, #tpu.memory_space<vmem_shared>>
      tpu.enqueue_dma source(%dma_start3A_61 : memref<80x128xf32, #tpu.memory_space<vmem_shared>>) target(%dma_start3A_59 : memref<80x128xf32, #tpu.memory_space<hbm>>) target_semaphore(%run_scoped3A : memref<!tpu.dma_semaphore, #tpu.memory_space<semaphore_mem>>)
      %dma_wait3A_62 = arith.constant 0 : i32
      %dma_wait3A_63 = tpu.memref_slice %arg5[%arg0, %add3A_52, %dma_wait3A_62] : memref<2x10240x128xf32, #tpu.memory_space<hbm>> -> memref<1x80x128xf32, #tpu.memory_space<hbm>>
      %dma_wait3A_64 = tpu.memref_squeeze %dma_wait3A_63 : memref<1x80x128xf32, #tpu.memory_space<hbm>> -> memref<80x128xf32, #tpu.memory_space<hbm>>
      %dma_wait3A_65 = arith.constant 0 : i32
      %dma_wait3A_66 = tpu.memref_slice %arg6[%add3A_52, %dma_wait3A_65] : memref<10240x128xf32, #tpu.memory_space<vmem_shared>> -> memref<80x128xf32, #tpu.memory_space<vmem_shared>>
      tpu.wait_dma2 semaphore(%run_scoped3A : memref<!tpu.dma_semaphore, #tpu.memory_space<semaphore_mem>>) src(%dma_wait3A_66 : memref<80x128xf32, #tpu.memory_space<vmem_shared>>) dst(%dma_wait3A_64 : memref<80x128xf32, #tpu.memory_space<hbm>>)
      tpu.yield
    }) : () -> ()
    %add3A_53 = arith.constant 480 : i32
    %add3A_54 = arith.addi %mul3A_8, %add3A_53 : i32
    "tpu.region"() ({
      %run_scoped3A = tpu.sem_alloc : memref<!tpu.dma_semaphore, #tpu.memory_space<semaphore_mem>>
      %dma_start3A_57 = arith.constant 0 : i32
      %dma_start3A_58 = tpu.memref_slice %arg5[%arg0, %add3A_54, %dma_start3A_57] : memref<2x10240x128xf32, #tpu.memory_space<hbm>> -> memref<1x80x128xf32, #tpu.memory_space<hbm>>
      %dma_start3A_59 = tpu.memref_squeeze %dma_start3A_58 : memref<1x80x128xf32, #tpu.memory_space<hbm>> -> memref<80x128xf32, #tpu.memory_space<hbm>>
      %dma_start3A_60 = arith.constant 0 : i32
      %dma_start3A_61 = tpu.memref_slice %arg6[%add3A_54, %dma_start3A_60] : memref<10240x128xf32, #tpu.memory_space<vmem_shared>> -> memref<80x128xf32, #tpu.memory_space<vmem_shared>>
      tpu.enqueue_dma source(%dma_start3A_61 : memref<80x128xf32, #tpu.memory_space<vmem_shared>>) target(%dma_start3A_59 : memref<80x128xf32, #tpu.memory_space<hbm>>) target_semaphore(%run_scoped3A : memref<!tpu.dma_semaphore, #tpu.memory_space<semaphore_mem>>)
      %dma_wait3A_62 = arith.constant 0 : i32
      %dma_wait3A_63 = tpu.memref_slice %arg5[%arg0, %add3A_54, %dma_wait3A_62] : memref<2x10240x128xf32, #tpu.memory_space<hbm>> -> memref<1x80x128xf32, #tpu.memory_space<hbm>>
      %dma_wait3A_64 = tpu.memref_squeeze %dma_wait3A_63 : memref<1x80x128xf32, #tpu.memory_space<hbm>> -> memref<80x128xf32, #tpu.memory_space<hbm>>
      %dma_wait3A_65 = arith.constant 0 : i32
      %dma_wait3A_66 = tpu.memref_slice %arg6[%add3A_54, %dma_wait3A_65] : memref<10240x128xf32, #tpu.memory_space<vmem_shared>> -> memref<80x128xf32, #tpu.memory_space<vmem_shared>>
      tpu.wait_dma2 semaphore(%run_scoped3A : memref<!tpu.dma_semaphore, #tpu.memory_space<semaphore_mem>>) src(%dma_wait3A_66 : memref<80x128xf32, #tpu.memory_space<vmem_shared>>) dst(%dma_wait3A_64 : memref<80x128xf32, #tpu.memory_space<hbm>>)
      tpu.yield
    }) : () -> ()
    %add3A_55 = arith.constant 560 : i32
    %add3A_56 = arith.addi %mul3A_8, %add3A_55 : i32
    "tpu.region"() ({
      %run_scoped3A = tpu.sem_alloc : memref<!tpu.dma_semaphore, #tpu.memory_space<semaphore_mem>>
      %dma_start3A_57 = arith.constant 0 : i32
      %dma_start3A_58 = tpu.memref_slice %arg5[%arg0, %add3A_56, %dma_start3A_57] : memref<2x10240x128xf32, #tpu.memory_space<hbm>> -> memref<1x80x128xf32, #tpu.memory_space<hbm>>
      %dma_start3A_59 = tpu.memref_squeeze %dma_start3A_58 : memref<1x80x128xf32, #tpu.memory_space<hbm>> -> memref<80x128xf32, #tpu.memory_space<hbm>>
      %dma_start3A_60 = arith.constant 0 : i32
      %dma_start3A_61 = tpu.memref_slice %arg6[%add3A_56, %dma_start3A_60] : memref<10240x128xf32, #tpu.memory_space<vmem_shared>> -> memref<80x128xf32, #tpu.memory_space<vmem_shared>>
      tpu.enqueue_dma source(%dma_start3A_61 : memref<80x128xf32, #tpu.memory_space<vmem_shared>>) target(%dma_start3A_59 : memref<80x128xf32, #tpu.memory_space<hbm>>) target_semaphore(%run_scoped3A : memref<!tpu.dma_semaphore, #tpu.memory_space<semaphore_mem>>)
      %dma_wait3A_62 = arith.constant 0 : i32
      %dma_wait3A_63 = tpu.memref_slice %arg5[%arg0, %add3A_56, %dma_wait3A_62] : memref<2x10240x128xf32, #tpu.memory_space<hbm>> -> memref<1x80x128xf32, #tpu.memory_space<hbm>>
      %dma_wait3A_64 = tpu.memref_squeeze %dma_wait3A_63 : memref<1x80x128xf32, #tpu.memory_space<hbm>> -> memref<80x128xf32, #tpu.memory_space<hbm>>
      %dma_wait3A_65 = arith.constant 0 : i32
      %dma_wait3A_66 = tpu.memref_slice %arg6[%add3A_56, %dma_wait3A_65] : memref<10240x128xf32, #tpu.memory_space<vmem_shared>> -> memref<80x128xf32, #tpu.memory_space<vmem_shared>>
      tpu.wait_dma2 semaphore(%run_scoped3A : memref<!tpu.dma_semaphore, #tpu.memory_space<semaphore_mem>>) src(%dma_wait3A_66 : memref<80x128xf32, #tpu.memory_space<vmem_shared>>) dst(%dma_wait3A_64 : memref<80x128xf32, #tpu.memory_space<hbm>>)
      tpu.yield
    }) : () -> ()
    return
  }
}

#map = affine_map<(d0, d1) -> (0)>
#map1 = affine_map<(d0, d1) -> (0, 0, 0)>
module attributes {stable_mosaic.version = 14 : i64} {
  func.func @_deg_body(%arg0: i32, %arg1: i32, %arg2: memref<320000xi32, #tpu.memory_space<hbm>>, %arg3: memref<2x10240x16xf32, #tpu.memory_space<hbm>>, %arg4: memref<10240x16xf32, #tpu.memory_space<vmem_shared>>, %arg5: memref<80xi32, #tpu.memory_space<vmem>>, %arg6: memref<80xi32, #tpu.memory_space<vmem>>, %arg7: memref<80x16xf32, #tpu.memory_space<vmem>>, %arg8: memref<640x16xf32, #tpu.memory_space<vmem>>, %arg9: memref<!tpu.dma_semaphore, #tpu.memory_space<semaphore_mem>>) attributes {dimension_semantics = [#tpu.dimension_semantics<core_parallel>, #tpu.dimension_semantics<subcore_parallel>], iteration_bounds = array<i64: 2, 16>, scalar_prefetch = 0 : i64, scratch_operands = 6 : i64, tpu.core_type = #tpu.core_type<sc_vector_subcore>, window_params = [{transform_indices = #map}, {transform_indices = #map1}]} {
    %mul3A = arith.constant 2 : i32
    %mul3A_0 = arith.muli %arg1, %mul3A : i32
    %add3A = arith.addi %mul3A_0, %arg0 : i32
    %scan3A = arith.constant 0 : i32
    %scan3A_1 = arith.constant 0 : i32
    %scan3A_2 = arith.constant 80 : i32
    %scan3A_3 = arith.addi %scan3A_1, %scan3A_2 : i32
    %scan3A_4 = arith.constant 1 : i32
    %scan3A_5 = scf.for %scan3A_28 = %scan3A_1 to %scan3A_3 step %scan3A_4 iter_args(%scan3A_29 = %scan3A) -> (i32)  : i32 {
      %broadcast_in_dim3A = arith.constant 1.000000e+00 : f32
      %broadcast_in_dim3A_30 = vector.broadcast %broadcast_in_dim3A : f32 to vector<16xf32>
      %swap3A = arith.index_cast %scan3A_28 : i32 to index
      %swap3A_31 = arith.constant 0 : index
      %swap3A_32 = tpu.vector_load %arg7[%swap3A, %swap3A_31] {strides = array<i32>} : memref<80x16xf32, #tpu.memory_space<vmem>>, vector<1x16xf32>,
      %swap3A_33 = vector.shape_cast %swap3A_32 : vector<1x16xf32> to vector<16xf32>
      %swap3A_34 = vector.shape_cast %broadcast_in_dim3A_30 : vector<16xf32> to vector<1x16xf32>
      tpu.vector_store %arg7[%swap3A, %swap3A_31], %swap3A_34 {strides = array<i32>} : memref<80x16xf32, #tpu.memory_space<vmem>>, vector<1x16xf32>,
      %scan3A_35 = arith.constant 0 : i32
      scf.yield %scan3A_35 : i32
    }
    %scan3A_6 = arith.constant 80 : i32
    %scan3A_7 = arith.constant 0 : i32
    %scan3A_8 = arith.constant 0 : i32
    %scan3A_9 = arith.constant 640 : i32
    %scan3A_10 = arith.addi %scan3A_8, %scan3A_9 : i32
    %scan3A_11 = arith.constant 1 : i32
    %scan3A_12 = scf.for %scan3A_28 = %scan3A_8 to %scan3A_10 step %scan3A_11 iter_args(%scan3A_29 = %scan3A_7) -> (i32)  : i32 {
      %broadcast_in_dim3A = arith.constant 0.000000e+00 : f32
      %broadcast_in_dim3A_30 = vector.broadcast %broadcast_in_dim3A : f32 to vector<16xf32>
      %swap3A = arith.index_cast %scan3A_28 : i32 to index
      %swap3A_31 = arith.constant 0 : index
      %swap3A_32 = tpu.vector_load %arg8[%swap3A, %swap3A_31] {strides = array<i32>} : memref<640x16xf32, #tpu.memory_space<vmem>>, vector<1x16xf32>,
      %swap3A_33 = vector.shape_cast %swap3A_32 : vector<1x16xf32> to vector<16xf32>
      %swap3A_34 = vector.shape_cast %broadcast_in_dim3A_30 : vector<16xf32> to vector<1x16xf32>
      tpu.vector_store %arg8[%swap3A, %swap3A_31], %swap3A_34 {strides = array<i32>} : memref<640x16xf32, #tpu.memory_space<vmem>>, vector<1x16xf32>,
      %scan3A_35 = arith.constant 0 : i32
      scf.yield %scan3A_35 : i32
    }
    %scan3A_13 = arith.constant 640 : i32
    %mul3A_14 = arith.constant 640 : i32
    %mul3A_15 = arith.muli %arg1, %mul3A_14 : i32
    "tpu.region"() ({
      %run_scoped3A = tpu.sem_alloc : memref<!tpu.dma_semaphore, #tpu.memory_space<semaphore_mem>>
      %dma_start3A = arith.constant 0 : i32
      %dma_start3A_28 = tpu.memref_slice %arg4[%mul3A_15, %dma_start3A] : memref<10240x16xf32, #tpu.memory_space<vmem_shared>> -> memref<640x16xf32, #tpu.memory_space<vmem_shared>>
      %dma_start3A_29 = arith.constant 0 : i32
      %dma_start3A_30 = tpu.memref_slice %arg4[%mul3A_15, %dma_start3A_29] : memref<10240x16xf32, #tpu.memory_space<vmem_shared>> -> memref<640x16xf32, #tpu.memory_space<vmem_shared>>
      tpu.enqueue_dma source(%arg8 : memref<640x16xf32, #tpu.memory_space<vmem>>) target(%dma_start3A_30 : memref<640x16xf32, #tpu.memory_space<vmem_shared>>) target_semaphore(%run_scoped3A : memref<!tpu.dma_semaphore, #tpu.memory_space<semaphore_mem>>)
      %dma_wait3A = arith.constant 0 : i32
      %dma_wait3A_31 = tpu.memref_slice %arg4[%mul3A_15, %dma_wait3A] : memref<10240x16xf32, #tpu.memory_space<vmem_shared>> -> memref<640x16xf32, #tpu.memory_space<vmem_shared>>
      %dma_wait3A_32 = arith.constant 0 : i32
      %dma_wait3A_33 = tpu.memref_slice %arg4[%mul3A_15, %dma_wait3A_32] : memref<10240x16xf32, #tpu.memory_space<vmem_shared>> -> memref<640x16xf32, #tpu.memory_space<vmem_shared>>
      tpu.wait_dma2 semaphore(%run_scoped3A : memref<!tpu.dma_semaphore, #tpu.memory_space<semaphore_mem>>) src(%arg8 : memref<640x16xf32, #tpu.memory_space<vmem>>) dst(%dma_wait3A_33 : memref<640x16xf32, #tpu.memory_space<vmem_shared>>)
      tpu.yield
    }) : () -> ()
    %barrier3A = arith.constant 0 : index
    tpu.barrier barrier_id(%barrier3A)
    %mul3A_16 = arith.constant 10000 : i32
    %mul3A_17 = arith.muli %add3A, %mul3A_16 : i32
    %scan3A_18 = arith.constant 0 : i32
    %scan3A_19 = arith.constant 0 : i32
    %scan3A_20 = arith.constant 62 : i32
    %scan3A_21 = arith.addi %scan3A_19, %scan3A_20 : i32
    %scan3A_22 = arith.constant 1 : i32
    %scan3A_23 = scf.for %scan3A_28 = %scan3A_19 to %scan3A_21 step %scan3A_22 iter_args(%scan3A_29 = %scan3A_18) -> (i32)  : i32 {
      %mul3A_30 = arith.constant 2 : i32
      %mul3A_31 = arith.muli %mul3A_30, %scan3A_28 : i32
      %mul3A_32 = arith.constant 80 : i32
      %mul3A_33 = arith.muli %mul3A_31, %mul3A_32 : i32
      %add3A_34 = arith.addi %mul3A_17, %mul3A_33 : i32
      %add3A_35 = arith.constant 80 : i32
      %add3A_36 = arith.addi %add3A_34, %add3A_35 : i32
      "tpu.region"() ({
        %run_scoped3A = tpu.sem_alloc : memref<!tpu.dma_semaphore, #tpu.memory_space<semaphore_mem>>
        %dma_start3A_42 = tpu.memref_slice %arg2[%add3A_34] : memref<320000xi32, #tpu.memory_space<hbm>> -> memref<80xi32, #tpu.memory_space<hbm>>
        %dma_start3A_43 = tpu.memref_slice %arg2[%add3A_34] : memref<320000xi32, #tpu.memory_space<hbm>> -> memref<80xi32, #tpu.memory_space<hbm>>
        tpu.enqueue_dma source(%dma_start3A_43 : memref<80xi32, #tpu.memory_space<hbm>>) target(%arg5 : memref<80xi32, #tpu.memory_space<vmem>>) target_semaphore(%run_scoped3A : memref<!tpu.dma_semaphore, #tpu.memory_space<semaphore_mem>>)
        %dma_wait3A_44 = tpu.memref_slice %arg2[%add3A_34] : memref<320000xi32, #tpu.memory_space<hbm>> -> memref<80xi32, #tpu.memory_space<hbm>>
        %dma_wait3A_45 = tpu.memref_slice %arg2[%add3A_34] : memref<320000xi32, #tpu.memory_space<hbm>> -> memref<80xi32, #tpu.memory_space<hbm>>
        tpu.wait_dma2 semaphore(%run_scoped3A : memref<!tpu.dma_semaphore, #tpu.memory_space<semaphore_mem>>) src(%dma_wait3A_45 : memref<80xi32, #tpu.memory_space<hbm>>) dst(%arg5 : memref<80xi32, #tpu.memory_space<vmem>>)
        tpu.yield
      }) : () -> ()
      %dma_start3A = arith.constant 0 : i32
      %dma_start3A_37 = arith.constant 0 : i32
      %dma_start3A_38 = tpu.memref_slice %arg4[%dma_start3A, %dma_start3A_37] : memref<10240x16xf32, #tpu.memory_space<vmem_shared>> -> memref<10240x16xf32, #tpu.memory_space<vmem_shared>>
      tpu.enqueue_indirect_dma source(%arg7 : memref<80x16xf32, #tpu.memory_space<vmem>>) target(%dma_start3A_38 : memref<10240x16xf32, #tpu.memory_space<vmem_shared>>) offsets(%arg5 : memref<80xi32, #tpu.memory_space<vmem>>) semaphore(%arg9 : memref<!tpu.dma_semaphore, #tpu.memory_space<semaphore_mem>>) {add = true}
      "tpu.region"() ({
        %run_scoped3A = tpu.sem_alloc : memref<!tpu.dma_semaphore, #tpu.memory_space<semaphore_mem>>
        %dma_start3A_42 = tpu.memref_slice %arg2[%add3A_36] : memref<320000xi32, #tpu.memory_space<hbm>> -> memref<80xi32, #tpu.memory_space<hbm>>
        %dma_start3A_43 = tpu.memref_slice %arg2[%add3A_36] : memref<320000xi32, #tpu.memory_space<hbm>> -> memref<80xi32, #tpu.memory_space<hbm>>
        tpu.enqueue_dma source(%dma_start3A_43 : memref<80xi32, #tpu.memory_space<hbm>>) target(%arg6 : memref<80xi32, #tpu.memory_space<vmem>>) target_semaphore(%run_scoped3A : memref<!tpu.dma_semaphore, #tpu.memory_space<semaphore_mem>>)
        %dma_wait3A_44 = tpu.memref_slice %arg2[%add3A_36] : memref<320000xi32, #tpu.memory_space<hbm>> -> memref<80xi32, #tpu.memory_space<hbm>>
        %dma_wait3A_45 = tpu.memref_slice %arg2[%add3A_36] : memref<320000xi32, #tpu.memory_space<hbm>> -> memref<80xi32, #tpu.memory_space<hbm>>
        tpu.wait_dma2 semaphore(%run_scoped3A : memref<!tpu.dma_semaphore, #tpu.memory_space<semaphore_mem>>) src(%dma_wait3A_45 : memref<80xi32, #tpu.memory_space<hbm>>) dst(%arg6 : memref<80xi32, #tpu.memory_space<vmem>>)
        tpu.yield
      }) : () -> ()
      %dma_wait3A = arith.constant 0 : i32
      %dma_wait3A_39 = arith.constant 0 : i32
      %dma_wait3A_40 = tpu.memref_slice %arg4[%dma_wait3A, %dma_wait3A_39] : memref<10240x16xf32, #tpu.memory_space<vmem_shared>> -> memref<10240x16xf32, #tpu.memory_space<vmem_shared>>
      tpu.wait_indirect_dma semaphore(%arg9 : memref<!tpu.dma_semaphore, #tpu.memory_space<semaphore_mem>>) src(%arg7 : memref<80x16xf32, #tpu.memory_space<vmem>>) dst(%dma_wait3A_40 : memref<10240x16xf32, #tpu.memory_space<vmem_shared>>)
      "tpu.region"() ({
        %run_scoped3A = tpu.sem_alloc : memref<!tpu.dma_semaphore, #tpu.memory_space<semaphore_mem>>
        %dma_start3A_42 = arith.constant 0 : i32
        %dma_start3A_43 = arith.constant 0 : i32
        %dma_start3A_44 = tpu.memref_slice %arg4[%dma_start3A_42, %dma_start3A_43] : memref<10240x16xf32, #tpu.memory_space<vmem_shared>> -> memref<10240x16xf32, #tpu.memory_space<vmem_shared>>
        tpu.enqueue_indirect_dma source(%arg7 : memref<80x16xf32, #tpu.memory_space<vmem>>) target(%dma_start3A_44 : memref<10240x16xf32, #tpu.memory_space<vmem_shared>>) offsets(%arg6 : memref<80xi32, #tpu.memory_space<vmem>>) semaphore(%run_scoped3A : memref<!tpu.dma_semaphore, #tpu.memory_space<semaphore_mem>>) {add = true}
        %dma_wait3A_45 = arith.constant 0 : i32
        %dma_wait3A_46 = arith.constant 0 : i32
        %dma_wait3A_47 = tpu.memref_slice %arg4[%dma_wait3A_45, %dma_wait3A_46] : memref<10240x16xf32, #tpu.memory_space<vmem_shared>> -> memref<10240x16xf32, #tpu.memory_space<vmem_shared>>
        tpu.wait_indirect_dma semaphore(%run_scoped3A : memref<!tpu.dma_semaphore, #tpu.memory_space<semaphore_mem>>) src(%arg7 : memref<80x16xf32, #tpu.memory_space<vmem>>) dst(%dma_wait3A_47 : memref<10240x16xf32, #tpu.memory_space<vmem_shared>>)
        tpu.yield
      }) : () -> ()
      %scan3A_41 = arith.constant 0 : i32
      scf.yield %scan3A_41 : i32
    }
    %scan3A_24 = arith.constant 62 : i32
    %add3A_25 = arith.constant 9920 : i32
    %add3A_26 = arith.addi %mul3A_17, %add3A_25 : i32
    "tpu.region"() ({
      %run_scoped3A = tpu.sem_alloc : memref<!tpu.dma_semaphore, #tpu.memory_space<semaphore_mem>>
      %dma_start3A = tpu.memref_slice %arg2[%add3A_26] : memref<320000xi32, #tpu.memory_space<hbm>> -> memref<80xi32, #tpu.memory_space<hbm>>
      %dma_start3A_28 = tpu.memref_slice %arg2[%add3A_26] : memref<320000xi32, #tpu.memory_space<hbm>> -> memref<80xi32, #tpu.memory_space<hbm>>
      tpu.enqueue_dma source(%dma_start3A_28 : memref<80xi32, #tpu.memory_space<hbm>>) target(%arg5 : memref<80xi32, #tpu.memory_space<vmem>>) target_semaphore(%run_scoped3A : memref<!tpu.dma_semaphore, #tpu.memory_space<semaphore_mem>>)
      %dma_wait3A = tpu.memref_slice %arg2[%add3A_26] : memref<320000xi32, #tpu.memory_space<hbm>> -> memref<80xi32, #tpu.memory_space<hbm>>
      %dma_wait3A_29 = tpu.memref_slice %arg2[%add3A_26] : memref<320000xi32, #tpu.memory_space<hbm>> -> memref<80xi32, #tpu.memory_space<hbm>>
      tpu.wait_dma2 semaphore(%run_scoped3A : memref<!tpu.dma_semaphore, #tpu.memory_space<semaphore_mem>>) src(%dma_wait3A_29 : memref<80xi32, #tpu.memory_space<hbm>>) dst(%arg5 : memref<80xi32, #tpu.memory_space<vmem>>)
      tpu.yield
    }) : () -> ()
    "tpu.region"() ({
      %run_scoped3A = tpu.sem_alloc : memref<!tpu.dma_semaphore, #tpu.memory_space<semaphore_mem>>
      %dma_start3A = arith.constant 0 : i32
      %dma_start3A_28 = arith.constant 0 : i32
      %dma_start3A_29 = tpu.memref_slice %arg4[%dma_start3A, %dma_start3A_28] : memref<10240x16xf32, #tpu.memory_space<vmem_shared>> -> memref<10240x16xf32, #tpu.memory_space<vmem_shared>>
      tpu.enqueue_indirect_dma source(%arg7 : memref<80x16xf32, #tpu.memory_space<vmem>>) target(%dma_start3A_29 : memref<10240x16xf32, #tpu.memory_space<vmem_shared>>) offsets(%arg5 : memref<80xi32, #tpu.memory_space<vmem>>) semaphore(%run_scoped3A : memref<!tpu.dma_semaphore, #tpu.memory_space<semaphore_mem>>) {add = true}
      %dma_wait3A = arith.constant 0 : i32
      %dma_wait3A_30 = arith.constant 0 : i32
      %dma_wait3A_31 = tpu.memref_slice %arg4[%dma_wait3A, %dma_wait3A_30] : memref<10240x16xf32, #tpu.memory_space<vmem_shared>> -> memref<10240x16xf32, #tpu.memory_space<vmem_shared>>
      tpu.wait_indirect_dma semaphore(%run_scoped3A : memref<!tpu.dma_semaphore, #tpu.memory_space<semaphore_mem>>) src(%arg7 : memref<80x16xf32, #tpu.memory_space<vmem>>) dst(%dma_wait3A_31 : memref<10240x16xf32, #tpu.memory_space<vmem_shared>>)
      tpu.yield
    }) : () -> ()
    %barrier3A_27 = arith.constant 0 : index
    tpu.barrier barrier_id(%barrier3A_27)
    "tpu.region"() ({
      %run_scoped3A = tpu.sem_alloc : memref<!tpu.dma_semaphore, #tpu.memory_space<semaphore_mem>>
      %dma_start3A = arith.constant 0 : i32
      %dma_start3A_28 = tpu.memref_slice %arg3[%arg0, %mul3A_15, %dma_start3A] : memref<2x10240x16xf32, #tpu.memory_space<hbm>> -> memref<1x640x16xf32, #tpu.memory_space<hbm>>
      %dma_start3A_29 = tpu.memref_squeeze %dma_start3A_28 : memref<1x640x16xf32, #tpu.memory_space<hbm>> -> memref<640x16xf32, #tpu.memory_space<hbm>>
      %dma_start3A_30 = arith.constant 0 : i32
      %dma_start3A_31 = tpu.memref_slice %arg4[%mul3A_15, %dma_start3A_30] : memref<10240x16xf32, #tpu.memory_space<vmem_shared>> -> memref<640x16xf32, #tpu.memory_space<vmem_shared>>
      tpu.enqueue_dma source(%dma_start3A_31 : memref<640x16xf32, #tpu.memory_space<vmem_shared>>) target(%dma_start3A_29 : memref<640x16xf32, #tpu.memory_space<hbm>>) target_semaphore(%run_scoped3A : memref<!tpu.dma_semaphore, #tpu.memory_space<semaphore_mem>>)
      %dma_wait3A = arith.constant 0 : i32
      %dma_wait3A_32 = tpu.memref_slice %arg3[%arg0, %mul3A_15, %dma_wait3A] : memref<2x10240x16xf32, #tpu.memory_space<hbm>> -> memref<1x640x16xf32, #tpu.memory_space<hbm>>
      %dma_wait3A_33 = tpu.memref_squeeze %dma_wait3A_32 : memref<1x640x16xf32, #tpu.memory_space<hbm>> -> memref<640x16xf32, #tpu.memory_space<hbm>>
      %dma_wait3A_34 = arith.constant 0 : i32
      %dma_wait3A_35 = tpu.memref_slice %arg4[%mul3A_15, %dma_wait3A_34] : memref<10240x16xf32, #tpu.memory_space<vmem_shared>> -> memref<640x16xf32, #tpu.memory_space<vmem_shared>>
      tpu.wait_dma2 semaphore(%run_scoped3A : memref<!tpu.dma_semaphore, #tpu.memory_space<semaphore_mem>>) src(%dma_wait3A_35 : memref<640x16xf32, #tpu.memory_space<vmem_shared>>) dst(%dma_wait3A_33 : memref<640x16xf32, #tpu.memory_space<hbm>>)
      tpu.yield
    }) : () -> ()
    return
  }
}

#map = affine_map<(d0, d1) -> (0, 0)>
#map1 = affine_map<(d0, d1) -> (0)>
#map2 = affine_map<(d0, d1) -> (0, 0, 0)>
module attributes {stable_mosaic.version = 14 : i64} {
  func.func @_agg_body(%arg0: i32, %arg1: i32, %arg2: memref<10000x128xf32, #tpu.memory_space<hbm>>, %arg3: memref<320000xi32, #tpu.memory_space<hbm>>, %arg4: memref<320000xi32, #tpu.memory_space<hbm>>, %arg5: memref<2x10240x128xf32, #tpu.memory_space<hbm>>, %arg6: memref<10240x128xf32, #tpu.memory_space<vmem_shared>>, %arg7: memref<80xi32, #tpu.memory_space<vmem>>, %arg8: memref<80xi32, #tpu.memory_space<vmem>>, %arg9: memref<80xi32, #tpu.memory_space<vmem>>, %arg10: memref<80xi32, #tpu.memory_space<vmem>>, %arg11: memref<80x128xf32, #tpu.memory_space<vmem>>, %arg12: memref<80x128xf32, #tpu.memory_space<vmem>>, %arg13: memref<!tpu.dma_semaphore, #tpu.memory_space<semaphore_mem>>, %arg14: memref<!tpu.dma_semaphore, #tpu.memory_space<semaphore_mem>>) attributes {dimension_semantics = [#tpu.dimension_semantics<core_parallel>, #tpu.dimension_semantics<subcore_parallel>], iteration_bounds = array<i64: 2, 16>, scalar_prefetch = 0 : i64, scratch_operands = 9 : i64, tpu.core_type = #tpu.core_type<sc_vector_subcore>, window_params = [{transform_indices = #map}, {transform_indices = #map1}, {transform_indices = #map1}, {transform_indices = #map2}]} {
    %mul3A = arith.constant 2 : i32
    %mul3A_0 = arith.muli %arg1, %mul3A : i32
    %add3A = arith.addi %mul3A_0, %arg0 : i32
    %scan3A = arith.constant 0 : i32
    %scan3A_1 = arith.constant 0 : i32
    %scan3A_2 = arith.constant 640 : i32
    %scan3A_3 = arith.addi %scan3A_1, %scan3A_2 : i32
    %scan3A_4 = arith.constant 1 : i32
    %scan3A_5 = scf.for %scan3A_57 = %scan3A_1 to %scan3A_3 step %scan3A_4 iter_args(%scan3A_58 = %scan3A) -> (i32)  : i32 {
      %jit3A = arith.constant 8 : i32
      %div3A = arith.divsi %scan3A_57, %jit3A : i32
      %sign3A = arith.constant 0 : i32
      %sign3A_59 = arith.cmpi sgt, %scan3A_57, %sign3A : i32
      %sign3A_60 = arith.extui %sign3A_59 : i1 to i32
      %sign3A_61 = arith.constant 0 : i32
      %sign3A_62 = arith.cmpi slt, %scan3A_57, %sign3A_61 : i32
      %sign3A_63 = arith.extui %sign3A_62 : i1 to i32
      %sign3A_64 = arith.subi %sign3A_60, %sign3A_63 : i32
      %sign3A_65 = arith.constant 0 : i32
      %sign3A_66 = arith.cmpi sgt, %jit3A, %sign3A_65 : i32
      %sign3A_67 = arith.extui %sign3A_66 : i1 to i32
      %sign3A_68 = arith.constant 0 : i32
      %sign3A_69 = arith.cmpi slt, %jit3A, %sign3A_68 : i32
      %sign3A_70 = arith.extui %sign3A_69 : i1 to i32
      %sign3A_71 = arith.subi %sign3A_67, %sign3A_70 : i32
      %ne3A = arith.cmpi ne, %sign3A_64, %sign3A_71 : i32
      %rem3A = arith.remsi %scan3A_57, %jit3A : i32
      %ne3A_72 = arith.constant 0 : i32
      %ne3A_73 = arith.cmpi ne, %rem3A, %ne3A_72 : i32
      %and3A = arith.andi %ne3A, %ne3A_73 : i1
      %sub3A = arith.constant 1 : i32
      %sub3A_74 = arith.subi %div3A, %sub3A : i32
      %select_n3A = arith.select %and3A, %sub3A_74, %div3A : i32
      %jit3A_75 = arith.constant 8 : i32
      %eq3A = arith.constant 0 : i32
      %eq3A_76 = arith.cmpi eq, %jit3A_75, %eq3A : i32
      %jit3A_77 = arith.constant 1 : i32
      %select_n3A_78 = arith.select %eq3A_76, %jit3A_77, %jit3A_75 : i32
      %rem3A_79 = arith.remsi %scan3A_57, %select_n3A_78 : i32
      %ne3A_80 = arith.constant 0 : i32
      %ne3A_81 = arith.cmpi ne, %rem3A_79, %ne3A_80 : i32
      %lt3A = arith.constant 0 : i32
      %lt3A_82 = arith.cmpi slt, %rem3A_79, %lt3A : i32
      %lt3A_83 = arith.constant 0 : i32
      %lt3A_84 = arith.cmpi slt, %select_n3A_78, %lt3A_83 : i32
      %ne3A_85 = arith.xori %lt3A_82, %lt3A_84 : i1
      %and3A_86 = arith.andi %ne3A_85, %ne3A_81 : i1
      %add3A_87 = arith.addi %rem3A_79, %select_n3A_78 : i32
      %select_n3A_88 = arith.select %and3A_86, %add3A_87, %rem3A_79 : i32
      %broadcast_in_dim3A = arith.constant 0.000000e+00 : f32
      %broadcast_in_dim3A_89 = vector.broadcast %broadcast_in_dim3A : f32 to vector<16xf32>
      %mul3A_90 = arith.constant 16 : i32
      %mul3A_91 = arith.muli %select_n3A_88, %mul3A_90 : i32
      %swap3A = arith.index_cast %select_n3A : i32 to index
      %swap3A_92 = arith.index_cast %mul3A_91 : i32 to index
      %swap3A_93 = tpu.vector_load %arg11[%swap3A, %swap3A_92] {strides = array<i32>} : memref<80x128xf32, #tpu.memory_space<vmem>>, vector<1x16xf32>,
      %swap3A_94 = vector.shape_cast %swap3A_93 : vector<1x16xf32> to vector<16xf32>
      %swap3A_95 = vector.shape_cast %broadcast_in_dim3A_89 : vector<16xf32> to vector<1x16xf32>
      tpu.vector_store %arg11[%swap3A, %swap3A_92], %swap3A_95 {strides = array<i32>} : memref<80x128xf32, #tpu.memory_space<vmem>>, vector<1x16xf32>,
      %scan3A_96 = arith.constant 0 : i32
      scf.yield %scan3A_96 : i32
    }
    %scan3A_6 = arith.constant 640 : i32
    %mul3A_7 = arith.constant 640 : i32
    %mul3A_8 = arith.muli %arg1, %mul3A_7 : i32
    %add3A_9 = arith.constant 0 : i32
    %add3A_10 = arith.addi %mul3A_8, %add3A_9 : i32
    "tpu.region"() ({
      %run_scoped3A = tpu.sem_alloc : memref<!tpu.dma_semaphore, #tpu.memory_space<semaphore_mem>>
      %dma_start3A_57 = arith.constant 0 : i32
      %dma_start3A_58 = tpu.memref_slice %arg6[%add3A_10, %dma_start3A_57] : memref<10240x128xf32, #tpu.memory_space<vmem_shared>> -> memref<80x128xf32, #tpu.memory_space<vmem_shared>>
      %dma_start3A_59 = arith.constant 0 : i32
      %dma_start3A_60 = tpu.memref_slice %arg6[%add3A_10, %dma_start3A_59] : memref<10240x128xf32, #tpu.memory_space<vmem_shared>> -> memref<80x128xf32, #tpu.memory_space<vmem_shared>>
      tpu.enqueue_dma source(%arg11 : memref<80x128xf32, #tpu.memory_space<vmem>>) target(%dma_start3A_60 : memref<80x128xf32, #tpu.memory_space<vmem_shared>>) target_semaphore(%run_scoped3A : memref<!tpu.dma_semaphore, #tpu.memory_space<semaphore_mem>>)
      %dma_wait3A_61 = arith.constant 0 : i32
      %dma_wait3A_62 = tpu.memref_slice %arg6[%add3A_10, %dma_wait3A_61] : memref<10240x128xf32, #tpu.memory_space<vmem_shared>> -> memref<80x128xf32, #tpu.memory_space<vmem_shared>>
      %dma_wait3A_63 = arith.constant 0 : i32
      %dma_wait3A_64 = tpu.memref_slice %arg6[%add3A_10, %dma_wait3A_63] : memref<10240x128xf32, #tpu.memory_space<vmem_shared>> -> memref<80x128xf32, #tpu.memory_space<vmem_shared>>
      tpu.wait_dma2 semaphore(%run_scoped3A : memref<!tpu.dma_semaphore, #tpu.memory_space<semaphore_mem>>) src(%arg11 : memref<80x128xf32, #tpu.memory_space<vmem>>) dst(%dma_wait3A_64 : memref<80x128xf32, #tpu.memory_space<vmem_shared>>)
      tpu.yield
    }) : () -> ()
    %add3A_11 = arith.constant 80 : i32
    %add3A_12 = arith.addi %mul3A_8, %add3A_11 : i32
    "tpu.region"() ({
      %run_scoped3A = tpu.sem_alloc : memref<!tpu.dma_semaphore, #tpu.memory_space<semaphore_mem>>
      %dma_start3A_57 = arith.constant 0 : i32
      %dma_start3A_58 = tpu.memref_slice %arg6[%add3A_12, %dma_start3A_57] : memref<10240x128xf32, #tpu.memory_space<vmem_shared>> -> memref<80x128xf32, #tpu.memory_space<vmem_shared>>
      %dma_start3A_59 = arith.constant 0 : i32
      %dma_start3A_60 = tpu.memref_slice %arg6[%add3A_12, %dma_start3A_59] : memref<10240x128xf32, #tpu.memory_space<vmem_shared>> -> memref<80x128xf32, #tpu.memory_space<vmem_shared>>
      tpu.enqueue_dma source(%arg11 : memref<80x128xf32, #tpu.memory_space<vmem>>) target(%dma_start3A_60 : memref<80x128xf32, #tpu.memory_space<vmem_shared>>) target_semaphore(%run_scoped3A : memref<!tpu.dma_semaphore, #tpu.memory_space<semaphore_mem>>)
      %dma_wait3A_61 = arith.constant 0 : i32
      %dma_wait3A_62 = tpu.memref_slice %arg6[%add3A_12, %dma_wait3A_61] : memref<10240x128xf32, #tpu.memory_space<vmem_shared>> -> memref<80x128xf32, #tpu.memory_space<vmem_shared>>
      %dma_wait3A_63 = arith.constant 0 : i32
      %dma_wait3A_64 = tpu.memref_slice %arg6[%add3A_12, %dma_wait3A_63] : memref<10240x128xf32, #tpu.memory_space<vmem_shared>> -> memref<80x128xf32, #tpu.memory_space<vmem_shared>>
      tpu.wait_dma2 semaphore(%run_scoped3A : memref<!tpu.dma_semaphore, #tpu.memory_space<semaphore_mem>>) src(%arg11 : memref<80x128xf32, #tpu.memory_space<vmem>>) dst(%dma_wait3A_64 : memref<80x128xf32, #tpu.memory_space<vmem_shared>>)
      tpu.yield
    }) : () -> ()
    %add3A_13 = arith.constant 160 : i32
    %add3A_14 = arith.addi %mul3A_8, %add3A_13 : i32
    "tpu.region"() ({
      %run_scoped3A = tpu.sem_alloc : memref<!tpu.dma_semaphore, #tpu.memory_space<semaphore_mem>>
      %dma_start3A_57 = arith.constant 0 : i32
      %dma_start3A_58 = tpu.memref_slice %arg6[%add3A_14, %dma_start3A_57] : memref<10240x128xf32, #tpu.memory_space<vmem_shared>> -> memref<80x128xf32, #tpu.memory_space<vmem_shared>>
      %dma_start3A_59 = arith.constant 0 : i32
      %dma_start3A_60 = tpu.memref_slice %arg6[%add3A_14, %dma_start3A_59] : memref<10240x128xf32, #tpu.memory_space<vmem_shared>> -> memref<80x128xf32, #tpu.memory_space<vmem_shared>>
      tpu.enqueue_dma source(%arg11 : memref<80x128xf32, #tpu.memory_space<vmem>>) target(%dma_start3A_60 : memref<80x128xf32, #tpu.memory_space<vmem_shared>>) target_semaphore(%run_scoped3A : memref<!tpu.dma_semaphore, #tpu.memory_space<semaphore_mem>>)
      %dma_wait3A_61 = arith.constant 0 : i32
      %dma_wait3A_62 = tpu.memref_slice %arg6[%add3A_14, %dma_wait3A_61] : memref<10240x128xf32, #tpu.memory_space<vmem_shared>> -> memref<80x128xf32, #tpu.memory_space<vmem_shared>>
      %dma_wait3A_63 = arith.constant 0 : i32
      %dma_wait3A_64 = tpu.memref_slice %arg6[%add3A_14, %dma_wait3A_63] : memref<10240x128xf32, #tpu.memory_space<vmem_shared>> -> memref<80x128xf32, #tpu.memory_space<vmem_shared>>
      tpu.wait_dma2 semaphore(%run_scoped3A : memref<!tpu.dma_semaphore, #tpu.memory_space<semaphore_mem>>) src(%arg11 : memref<80x128xf32, #tpu.memory_space<vmem>>) dst(%dma_wait3A_64 : memref<80x128xf32, #tpu.memory_space<vmem_shared>>)
      tpu.yield
    }) : () -> ()
    %add3A_15 = arith.constant 240 : i32
    %add3A_16 = arith.addi %mul3A_8, %add3A_15 : i32
    "tpu.region"() ({
      %run_scoped3A = tpu.sem_alloc : memref<!tpu.dma_semaphore, #tpu.memory_space<semaphore_mem>>
      %dma_start3A_57 = arith.constant 0 : i32
      %dma_start3A_58 = tpu.memref_slice %arg6[%add3A_16, %dma_start3A_57] : memref<10240x128xf32, #tpu.memory_space<vmem_shared>> -> memref<80x128xf32, #tpu.memory_space<vmem_shared>>
      %dma_start3A_59 = arith.constant 0 : i32
      %dma_start3A_60 = tpu.memref_slice %arg6[%add3A_16, %dma_start3A_59] : memref<10240x128xf32, #tpu.memory_space<vmem_shared>> -> memref<80x128xf32, #tpu.memory_space<vmem_shared>>
      tpu.enqueue_dma source(%arg11 : memref<80x128xf32, #tpu.memory_space<vmem>>) target(%dma_start3A_60 : memref<80x128xf32, #tpu.memory_space<vmem_shared>>) target_semaphore(%run_scoped3A : memref<!tpu.dma_semaphore, #tpu.memory_space<semaphore_mem>>)
      %dma_wait3A_61 = arith.constant 0 : i32
      %dma_wait3A_62 = tpu.memref_slice %arg6[%add3A_16, %dma_wait3A_61] : memref<10240x128xf32, #tpu.memory_space<vmem_shared>> -> memref<80x128xf32, #tpu.memory_space<vmem_shared>>
      %dma_wait3A_63 = arith.constant 0 : i32
      %dma_wait3A_64 = tpu.memref_slice %arg6[%add3A_16, %dma_wait3A_63] : memref<10240x128xf32, #tpu.memory_space<vmem_shared>> -> memref<80x128xf32, #tpu.memory_space<vmem_shared>>
      tpu.wait_dma2 semaphore(%run_scoped3A : memref<!tpu.dma_semaphore, #tpu.memory_space<semaphore_mem>>) src(%arg11 : memref<80x128xf32, #tpu.memory_space<vmem>>) dst(%dma_wait3A_64 : memref<80x128xf32, #tpu.memory_space<vmem_shared>>)
      tpu.yield
    }) : () -> ()
    %add3A_17 = arith.constant 320 : i32
    %add3A_18 = arith.addi %mul3A_8, %add3A_17 : i32
    "tpu.region"() ({
      %run_scoped3A = tpu.sem_alloc : memref<!tpu.dma_semaphore, #tpu.memory_space<semaphore_mem>>
      %dma_start3A_57 = arith.constant 0 : i32
      %dma_start3A_58 = tpu.memref_slice %arg6[%add3A_18, %dma_start3A_57] : memref<10240x128xf32, #tpu.memory_space<vmem_shared>> -> memref<80x128xf32, #tpu.memory_space<vmem_shared>>
      %dma_start3A_59 = arith.constant 0 : i32
      %dma_start3A_60 = tpu.memref_slice %arg6[%add3A_18, %dma_start3A_59] : memref<10240x128xf32, #tpu.memory_space<vmem_shared>> -> memref<80x128xf32, #tpu.memory_space<vmem_shared>>
      tpu.enqueue_dma source(%arg11 : memref<80x128xf32, #tpu.memory_space<vmem>>) target(%dma_start3A_60 : memref<80x128xf32, #tpu.memory_space<vmem_shared>>) target_semaphore(%run_scoped3A : memref<!tpu.dma_semaphore, #tpu.memory_space<semaphore_mem>>)
      %dma_wait3A_61 = arith.constant 0 : i32
      %dma_wait3A_62 = tpu.memref_slice %arg6[%add3A_18, %dma_wait3A_61] : memref<10240x128xf32, #tpu.memory_space<vmem_shared>> -> memref<80x128xf32, #tpu.memory_space<vmem_shared>>
      %dma_wait3A_63 = arith.constant 0 : i32
      %dma_wait3A_64 = tpu.memref_slice %arg6[%add3A_18, %dma_wait3A_63] : memref<10240x128xf32, #tpu.memory_space<vmem_shared>> -> memref<80x128xf32, #tpu.memory_space<vmem_shared>>
      tpu.wait_dma2 semaphore(%run_scoped3A : memref<!tpu.dma_semaphore, #tpu.memory_space<semaphore_mem>>) src(%arg11 : memref<80x128xf32, #tpu.memory_space<vmem>>) dst(%dma_wait3A_64 : memref<80x128xf32, #tpu.memory_space<vmem_shared>>)
      tpu.yield
    }) : () -> ()
    %add3A_19 = arith.constant 400 : i32
    %add3A_20 = arith.addi %mul3A_8, %add3A_19 : i32
    "tpu.region"() ({
      %run_scoped3A = tpu.sem_alloc : memref<!tpu.dma_semaphore, #tpu.memory_space<semaphore_mem>>
      %dma_start3A_57 = arith.constant 0 : i32
      %dma_start3A_58 = tpu.memref_slice %arg6[%add3A_20, %dma_start3A_57] : memref<10240x128xf32, #tpu.memory_space<vmem_shared>> -> memref<80x128xf32, #tpu.memory_space<vmem_shared>>
      %dma_start3A_59 = arith.constant 0 : i32
      %dma_start3A_60 = tpu.memref_slice %arg6[%add3A_20, %dma_start3A_59] : memref<10240x128xf32, #tpu.memory_space<vmem_shared>> -> memref<80x128xf32, #tpu.memory_space<vmem_shared>>
      tpu.enqueue_dma source(%arg11 : memref<80x128xf32, #tpu.memory_space<vmem>>) target(%dma_start3A_60 : memref<80x128xf32, #tpu.memory_space<vmem_shared>>) target_semaphore(%run_scoped3A : memref<!tpu.dma_semaphore, #tpu.memory_space<semaphore_mem>>)
      %dma_wait3A_61 = arith.constant 0 : i32
      %dma_wait3A_62 = tpu.memref_slice %arg6[%add3A_20, %dma_wait3A_61] : memref<10240x128xf32, #tpu.memory_space<vmem_shared>> -> memref<80x128xf32, #tpu.memory_space<vmem_shared>>
      %dma_wait3A_63 = arith.constant 0 : i32
      %dma_wait3A_64 = tpu.memref_slice %arg6[%add3A_20, %dma_wait3A_63] : memref<10240x128xf32, #tpu.memory_space<vmem_shared>> -> memref<80x128xf32, #tpu.memory_space<vmem_shared>>
      tpu.wait_dma2 semaphore(%run_scoped3A : memref<!tpu.dma_semaphore, #tpu.memory_space<semaphore_mem>>) src(%arg11 : memref<80x128xf32, #tpu.memory_space<vmem>>) dst(%dma_wait3A_64 : memref<80x128xf32, #tpu.memory_space<vmem_shared>>)
      tpu.yield
    }) : () -> ()
    %add3A_21 = arith.constant 480 : i32
    %add3A_22 = arith.addi %mul3A_8, %add3A_21 : i32
    "tpu.region"() ({
      %run_scoped3A = tpu.sem_alloc : memref<!tpu.dma_semaphore, #tpu.memory_space<semaphore_mem>>
      %dma_start3A_57 = arith.constant 0 : i32
      %dma_start3A_58 = tpu.memref_slice %arg6[%add3A_22, %dma_start3A_57] : memref<10240x128xf32, #tpu.memory_space<vmem_shared>> -> memref<80x128xf32, #tpu.memory_space<vmem_shared>>
      %dma_start3A_59 = arith.constant 0 : i32
      %dma_start3A_60 = tpu.memref_slice %arg6[%add3A_22, %dma_start3A_59] : memref<10240x128xf32, #tpu.memory_space<vmem_shared>> -> memref<80x128xf32, #tpu.memory_space<vmem_shared>>
      tpu.enqueue_dma source(%arg11 : memref<80x128xf32, #tpu.memory_space<vmem>>) target(%dma_start3A_60 : memref<80x128xf32, #tpu.memory_space<vmem_shared>>) target_semaphore(%run_scoped3A : memref<!tpu.dma_semaphore, #tpu.memory_space<semaphore_mem>>)
      %dma_wait3A_61 = arith.constant 0 : i32
      %dma_wait3A_62 = tpu.memref_slice %arg6[%add3A_22, %dma_wait3A_61] : memref<10240x128xf32, #tpu.memory_space<vmem_shared>> -> memref<80x128xf32, #tpu.memory_space<vmem_shared>>
      %dma_wait3A_63 = arith.constant 0 : i32
      %dma_wait3A_64 = tpu.memref_slice %arg6[%add3A_22, %dma_wait3A_63] : memref<10240x128xf32, #tpu.memory_space<vmem_shared>> -> memref<80x128xf32, #tpu.memory_space<vmem_shared>>
      tpu.wait_dma2 semaphore(%run_scoped3A : memref<!tpu.dma_semaphore, #tpu.memory_space<semaphore_mem>>) src(%arg11 : memref<80x128xf32, #tpu.memory_space<vmem>>) dst(%dma_wait3A_64 : memref<80x128xf32, #tpu.memory_space<vmem_shared>>)
      tpu.yield
    }) : () -> ()
    %add3A_23 = arith.constant 560 : i32
    %add3A_24 = arith.addi %mul3A_8, %add3A_23 : i32
    "tpu.region"() ({
      %run_scoped3A = tpu.sem_alloc : memref<!tpu.dma_semaphore, #tpu.memory_space<semaphore_mem>>
      %dma_start3A_57 = arith.constant 0 : i32
      %dma_start3A_58 = tpu.memref_slice %arg6[%add3A_24, %dma_start3A_57] : memref<10240x128xf32, #tpu.memory_space<vmem_shared>> -> memref<80x128xf32, #tpu.memory_space<vmem_shared>>
      %dma_start3A_59 = arith.constant 0 : i32
      %dma_start3A_60 = tpu.memref_slice %arg6[%add3A_24, %dma_start3A_59] : memref<10240x128xf32, #tpu.memory_space<vmem_shared>> -> memref<80x128xf32, #tpu.memory_space<vmem_shared>>
      tpu.enqueue_dma source(%arg11 : memref<80x128xf32, #tpu.memory_space<vmem>>) target(%dma_start3A_60 : memref<80x128xf32, #tpu.memory_space<vmem_shared>>) target_semaphore(%run_scoped3A : memref<!tpu.dma_semaphore, #tpu.memory_space<semaphore_mem>>)
      %dma_wait3A_61 = arith.constant 0 : i32
      %dma_wait3A_62 = tpu.memref_slice %arg6[%add3A_24, %dma_wait3A_61] : memref<10240x128xf32, #tpu.memory_space<vmem_shared>> -> memref<80x128xf32, #tpu.memory_space<vmem_shared>>
      %dma_wait3A_63 = arith.constant 0 : i32
      %dma_wait3A_64 = tpu.memref_slice %arg6[%add3A_24, %dma_wait3A_63] : memref<10240x128xf32, #tpu.memory_space<vmem_shared>> -> memref<80x128xf32, #tpu.memory_space<vmem_shared>>
      tpu.wait_dma2 semaphore(%run_scoped3A : memref<!tpu.dma_semaphore, #tpu.memory_space<semaphore_mem>>) src(%arg11 : memref<80x128xf32, #tpu.memory_space<vmem>>) dst(%dma_wait3A_64 : memref<80x128xf32, #tpu.memory_space<vmem_shared>>)
      tpu.yield
    }) : () -> ()
    %barrier3A = arith.constant 0 : index
    tpu.barrier barrier_id(%barrier3A)
    %mul3A_25 = arith.constant 10000 : i32
    %mul3A_26 = arith.muli %add3A, %mul3A_25 : i32
    %scan3A_27 = arith.constant 0 : i32
    %scan3A_28 = arith.constant 0 : i32
    %scan3A_29 = arith.constant 62 : i32
    %scan3A_30 = arith.addi %scan3A_28, %scan3A_29 : i32
    %scan3A_31 = arith.constant 1 : i32
    %scan3A_32 = scf.for %scan3A_57 = %scan3A_28 to %scan3A_30 step %scan3A_31 iter_args(%scan3A_58 = %scan3A_27) -> (i32)  : i32 {
      %mul3A_59 = arith.constant 2 : i32
      %mul3A_60 = arith.muli %mul3A_59, %scan3A_57 : i32
      %mul3A_61 = arith.constant 80 : i32
      %mul3A_62 = arith.muli %mul3A_60, %mul3A_61 : i32
      %add3A_63 = arith.addi %mul3A_26, %mul3A_62 : i32
      %add3A_64 = arith.constant 80 : i32
      %add3A_65 = arith.addi %add3A_63, %add3A_64 : i32
      "tpu.region"() ({
        %run_scoped3A = tpu.sem_alloc : memref<!tpu.dma_semaphore, #tpu.memory_space<semaphore_mem>>
        %dma_start3A_85 = tpu.memref_slice %arg3[%add3A_63] : memref<320000xi32, #tpu.memory_space<hbm>> -> memref<80xi32, #tpu.memory_space<hbm>>
        %dma_start3A_86 = tpu.memref_slice %arg3[%add3A_63] : memref<320000xi32, #tpu.memory_space<hbm>> -> memref<80xi32, #tpu.memory_space<hbm>>
        tpu.enqueue_dma source(%dma_start3A_86 : memref<80xi32, #tpu.memory_space<hbm>>) target(%arg7 : memref<80xi32, #tpu.memory_space<vmem>>) target_semaphore(%run_scoped3A : memref<!tpu.dma_semaphore, #tpu.memory_space<semaphore_mem>>)
        %dma_wait3A_87 = tpu.memref_slice %arg3[%add3A_63] : memref<320000xi32, #tpu.memory_space<hbm>> -> memref<80xi32, #tpu.memory_space<hbm>>
        %dma_wait3A_88 = tpu.memref_slice %arg3[%add3A_63] : memref<320000xi32, #tpu.memory_space<hbm>> -> memref<80xi32, #tpu.memory_space<hbm>>
        tpu.wait_dma2 semaphore(%run_scoped3A : memref<!tpu.dma_semaphore, #tpu.memory_space<semaphore_mem>>) src(%dma_wait3A_88 : memref<80xi32, #tpu.memory_space<hbm>>) dst(%arg7 : memref<80xi32, #tpu.memory_space<vmem>>)
        tpu.yield
      }) : () -> ()
      %dma_start3A_66 = arith.constant 0 : i32
      %dma_start3A_67 = arith.constant 0 : i32
      %dma_start3A_68 = tpu.memref_slice %arg2[%dma_start3A_66, %dma_start3A_67] : memref<10000x128xf32, #tpu.memory_space<hbm>> -> memref<10000x128xf32, #tpu.memory_space<hbm>>
      tpu.enqueue_indirect_dma source(%dma_start3A_68 : memref<10000x128xf32, #tpu.memory_space<hbm>>) target(%arg11 : memref<80x128xf32, #tpu.memory_space<vmem>>) offsets(%arg7 : memref<80xi32, #tpu.memory_space<vmem>>) semaphore(%arg13 : memref<!tpu.dma_semaphore, #tpu.memory_space<semaphore_mem>>)
      "tpu.region"() ({
        %run_scoped3A = tpu.sem_alloc : memref<!tpu.dma_semaphore, #tpu.memory_space<semaphore_mem>>
        %dma_start3A_85 = tpu.memref_slice %arg3[%add3A_65] : memref<320000xi32, #tpu.memory_space<hbm>> -> memref<80xi32, #tpu.memory_space<hbm>>
        %dma_start3A_86 = tpu.memref_slice %arg3[%add3A_65] : memref<320000xi32, #tpu.memory_space<hbm>> -> memref<80xi32, #tpu.memory_space<hbm>>
        tpu.enqueue_dma source(%dma_start3A_86 : memref<80xi32, #tpu.memory_space<hbm>>) target(%arg8 : memref<80xi32, #tpu.memory_space<vmem>>) target_semaphore(%run_scoped3A : memref<!tpu.dma_semaphore, #tpu.memory_space<semaphore_mem>>)
        %dma_wait3A_87 = tpu.memref_slice %arg3[%add3A_65] : memref<320000xi32, #tpu.memory_space<hbm>> -> memref<80xi32, #tpu.memory_space<hbm>>
        %dma_wait3A_88 = tpu.memref_slice %arg3[%add3A_65] : memref<320000xi32, #tpu.memory_space<hbm>> -> memref<80xi32, #tpu.memory_space<hbm>>
        tpu.wait_dma2 semaphore(%run_scoped3A : memref<!tpu.dma_semaphore, #tpu.memory_space<semaphore_mem>>) src(%dma_wait3A_88 : memref<80xi32, #tpu.memory_space<hbm>>) dst(%arg8 : memref<80xi32, #tpu.memory_space<vmem>>)
        tpu.yield
      }) : () -> ()
      "tpu.region"() ({
        %run_scoped3A = tpu.sem_alloc : memref<!tpu.dma_semaphore, #tpu.memory_space<semaphore_mem>>
        %dma_start3A_85 = tpu.memref_slice %arg4[%add3A_63] : memref<320000xi32, #tpu.memory_space<hbm>> -> memref<80xi32, #tpu.memory_space<hbm>>
        %dma_start3A_86 = tpu.memref_slice %arg4[%add3A_63] : memref<320000xi32, #tpu.memory_space<hbm>> -> memref<80xi32, #tpu.memory_space<hbm>>
        tpu.enqueue_dma source(%dma_start3A_86 : memref<80xi32, #tpu.memory_space<hbm>>) target(%arg9 : memref<80xi32, #tpu.memory_space<vmem>>) target_semaphore(%run_scoped3A : memref<!tpu.dma_semaphore, #tpu.memory_space<semaphore_mem>>)
        %dma_wait3A_87 = tpu.memref_slice %arg4[%add3A_63] : memref<320000xi32, #tpu.memory_space<hbm>> -> memref<80xi32, #tpu.memory_space<hbm>>
        %dma_wait3A_88 = tpu.memref_slice %arg4[%add3A_63] : memref<320000xi32, #tpu.memory_space<hbm>> -> memref<80xi32, #tpu.memory_space<hbm>>
        tpu.wait_dma2 semaphore(%run_scoped3A : memref<!tpu.dma_semaphore, #tpu.memory_space<semaphore_mem>>) src(%dma_wait3A_88 : memref<80xi32, #tpu.memory_space<hbm>>) dst(%arg9 : memref<80xi32, #tpu.memory_space<vmem>>)
        tpu.yield
      }) : () -> ()
      %dma_wait3A_69 = arith.constant 0 : i32
      %dma_wait3A_70 = arith.constant 0 : i32
      %dma_wait3A_71 = tpu.memref_slice %arg2[%dma_wait3A_69, %dma_wait3A_70] : memref<10000x128xf32, #tpu.memory_space<hbm>> -> memref<10000x128xf32, #tpu.memory_space<hbm>>
      tpu.wait_indirect_dma semaphore(%arg13 : memref<!tpu.dma_semaphore, #tpu.memory_space<semaphore_mem>>) src(%dma_wait3A_71 : memref<10000x128xf32, #tpu.memory_space<hbm>>) dst(%arg11 : memref<80x128xf32, #tpu.memory_space<vmem>>)
      %dma_start3A_72 = arith.constant 0 : i32
      %dma_start3A_73 = arith.constant 0 : i32
      %dma_start3A_74 = tpu.memref_slice %arg2[%dma_start3A_72, %dma_start3A_73] : memref<10000x128xf32, #tpu.memory_space<hbm>> -> memref<10000x128xf32, #tpu.memory_space<hbm>>
      tpu.enqueue_indirect_dma source(%dma_start3A_74 : memref<10000x128xf32, #tpu.memory_space<hbm>>) target(%arg12 : memref<80x128xf32, #tpu.memory_space<vmem>>) offsets(%arg8 : memref<80xi32, #tpu.memory_space<vmem>>) semaphore(%arg13 : memref<!tpu.dma_semaphore, #tpu.memory_space<semaphore_mem>>)
      %dma_start3A_75 = arith.constant 0 : i32
      %dma_start3A_76 = arith.constant 0 : i32
      %dma_start3A_77 = tpu.memref_slice %arg6[%dma_start3A_75, %dma_start3A_76] : memref<10240x128xf32, #tpu.memory_space<vmem_shared>> -> memref<10240x128xf32, #tpu.memory_space<vmem_shared>>
      tpu.enqueue_indirect_dma source(%arg11 : memref<80x128xf32, #tpu.memory_space<vmem>>) target(%dma_start3A_77 : memref<10240x128xf32, #tpu.memory_space<vmem_shared>>) offsets(%arg9 : memref<80xi32, #tpu.memory_space<vmem>>) semaphore(%arg14 : memref<!tpu.dma_semaphore, #tpu.memory_space<semaphore_mem>>) {add = true}
      "tpu.region"() ({
        %run_scoped3A = tpu.sem_alloc : memref<!tpu.dma_semaphore, #tpu.memory_space<semaphore_mem>>
        %dma_start3A_85 = tpu.memref_slice %arg4[%add3A_65] : memref<320000xi32, #tpu.memory_space<hbm>> -> memref<80xi32, #tpu.memory_space<hbm>>
        %dma_start3A_86 = tpu.memref_slice %arg4[%add3A_65] : memref<320000xi32, #tpu.memory_space<hbm>> -> memref<80xi32, #tpu.memory_space<hbm>>
        tpu.enqueue_dma source(%dma_start3A_86 : memref<80xi32, #tpu.memory_space<hbm>>) target(%arg10 : memref<80xi32, #tpu.memory_space<vmem>>) target_semaphore(%run_scoped3A : memref<!tpu.dma_semaphore, #tpu.memory_space<semaphore_mem>>)
        %dma_wait3A_87 = tpu.memref_slice %arg4[%add3A_65] : memref<320000xi32, #tpu.memory_space<hbm>> -> memref<80xi32, #tpu.memory_space<hbm>>
        %dma_wait3A_88 = tpu.memref_slice %arg4[%add3A_65] : memref<320000xi32, #tpu.memory_space<hbm>> -> memref<80xi32, #tpu.memory_space<hbm>>
        tpu.wait_dma2 semaphore(%run_scoped3A : memref<!tpu.dma_semaphore, #tpu.memory_space<semaphore_mem>>) src(%dma_wait3A_88 : memref<80xi32, #tpu.memory_space<hbm>>) dst(%arg10 : memref<80xi32, #tpu.memory_space<vmem>>)
        tpu.yield
      }) : () -> ()
      %dma_wait3A_78 = arith.constant 0 : i32
      %dma_wait3A_79 = arith.constant 0 : i32
      %dma_wait3A_80 = tpu.memref_slice %arg2[%dma_wait3A_78, %dma_wait3A_79] : memref<10000x128xf32, #tpu.memory_space<hbm>> -> memref<10000x128xf32, #tpu.memory_space<hbm>>
      tpu.wait_indirect_dma semaphore(%arg13 : memref<!tpu.dma_semaphore, #tpu.memory_space<semaphore_mem>>) src(%dma_wait3A_80 : memref<10000x128xf32, #tpu.memory_space<hbm>>) dst(%arg12 : memref<80x128xf32, #tpu.memory_space<vmem>>)
      %dma_wait3A_81 = arith.constant 0 : i32
      %dma_wait3A_82 = arith.constant 0 : i32
      %dma_wait3A_83 = tpu.memref_slice %arg6[%dma_wait3A_81, %dma_wait3A_82] : memref<10240x128xf32, #tpu.memory_space<vmem_shared>> -> memref<10240x128xf32, #tpu.memory_space<vmem_shared>>
      tpu.wait_indirect_dma semaphore(%arg14 : memref<!tpu.dma_semaphore, #tpu.memory_space<semaphore_mem>>) src(%arg11 : memref<80x128xf32, #tpu.memory_space<vmem>>) dst(%dma_wait3A_83 : memref<10240x128xf32, #tpu.memory_space<vmem_shared>>)
      "tpu.region"() ({
        %run_scoped3A = tpu.sem_alloc : memref<!tpu.dma_semaphore, #tpu.memory_space<semaphore_mem>>
        %dma_start3A_85 = arith.constant 0 : i32
        %dma_start3A_86 = arith.constant 0 : i32
        %dma_start3A_87 = tpu.memref_slice %arg6[%dma_start3A_85, %dma_start3A_86] : memref<10240x128xf32, #tpu.memory_space<vmem_shared>> -> memref<10240x128xf32, #tpu.memory_space<vmem_shared>>
        tpu.enqueue_indirect_dma source(%arg12 : memref<80x128xf32, #tpu.memory_space<vmem>>) target(%dma_start3A_87 : memref<10240x128xf32, #tpu.memory_space<vmem_shared>>) offsets(%arg10 : memref<80xi32, #tpu.memory_space<vmem>>) semaphore(%run_scoped3A : memref<!tpu.dma_semaphore, #tpu.memory_space<semaphore_mem>>) {add = true}
        %dma_wait3A_88 = arith.constant 0 : i32
        %dma_wait3A_89 = arith.constant 0 : i32
        %dma_wait3A_90 = tpu.memref_slice %arg6[%dma_wait3A_88, %dma_wait3A_89] : memref<10240x128xf32, #tpu.memory_space<vmem_shared>> -> memref<10240x128xf32, #tpu.memory_space<vmem_shared>>
        tpu.wait_indirect_dma semaphore(%run_scoped3A : memref<!tpu.dma_semaphore, #tpu.memory_space<semaphore_mem>>) src(%arg12 : memref<80x128xf32, #tpu.memory_space<vmem>>) dst(%dma_wait3A_90 : memref<10240x128xf32, #tpu.memory_space<vmem_shared>>)
        tpu.yield
      }) : () -> ()
      %scan3A_84 = arith.constant 0 : i32
      scf.yield %scan3A_84 : i32
    }
    %scan3A_33 = arith.constant 62 : i32
    %add3A_34 = arith.constant 9920 : i32
    %add3A_35 = arith.addi %mul3A_26, %add3A_34 : i32
    "tpu.region"() ({
      %run_scoped3A = tpu.sem_alloc : memref<!tpu.dma_semaphore, #tpu.memory_space<semaphore_mem>>
      %dma_start3A_57 = tpu.memref_slice %arg3[%add3A_35] : memref<320000xi32, #tpu.memory_space<hbm>> -> memref<80xi32, #tpu.memory_space<hbm>>
      %dma_start3A_58 = tpu.memref_slice %arg3[%add3A_35] : memref<320000xi32, #tpu.memory_space<hbm>> -> memref<80xi32, #tpu.memory_space<hbm>>
      tpu.enqueue_dma source(%dma_start3A_58 : memref<80xi32, #tpu.memory_space<hbm>>) target(%arg7 : memref<80xi32, #tpu.memory_space<vmem>>) target_semaphore(%run_scoped3A : memref<!tpu.dma_semaphore, #tpu.memory_space<semaphore_mem>>)
      %dma_wait3A_59 = tpu.memref_slice %arg3[%add3A_35] : memref<320000xi32, #tpu.memory_space<hbm>> -> memref<80xi32, #tpu.memory_space<hbm>>
      %dma_wait3A_60 = tpu.memref_slice %arg3[%add3A_35] : memref<320000xi32, #tpu.memory_space<hbm>> -> memref<80xi32, #tpu.memory_space<hbm>>
      tpu.wait_dma2 semaphore(%run_scoped3A : memref<!tpu.dma_semaphore, #tpu.memory_space<semaphore_mem>>) src(%dma_wait3A_60 : memref<80xi32, #tpu.memory_space<hbm>>) dst(%arg7 : memref<80xi32, #tpu.memory_space<vmem>>)
      tpu.yield
    }) : () -> ()
    %dma_start3A = arith.constant 0 : i32
    %dma_start3A_36 = arith.constant 0 : i32
    %dma_start3A_37 = tpu.memref_slice %arg2[%dma_start3A, %dma_start3A_36] : memref<10000x128xf32, #tpu.memory_space<hbm>> -> memref<10000x128xf32, #tpu.memory_space<hbm>>
    tpu.enqueue_indirect_dma source(%dma_start3A_37 : memref<10000x128xf32, #tpu.memory_space<hbm>>) target(%arg11 : memref<80x128xf32, #tpu.memory_space<vmem>>) offsets(%arg7 : memref<80xi32, #tpu.memory_space<vmem>>) semaphore(%arg13 : memref<!tpu.dma_semaphore, #tpu.memory_space<semaphore_mem>>)
    %dma_wait3A = arith.constant 0 : i32
    %dma_wait3A_38 = arith.constant 0 : i32
    %dma_wait3A_39 = tpu.memref_slice %arg2[%dma_wait3A, %dma_wait3A_38] : memref<10000x128xf32, #tpu.memory_space<hbm>> -> memref<10000x128xf32, #tpu.memory_space<hbm>>
    tpu.wait_indirect_dma semaphore(%arg13 : memref<!tpu.dma_semaphore, #tpu.memory_space<semaphore_mem>>) src(%dma_wait3A_39 : memref<10000x128xf32, #tpu.memory_space<hbm>>) dst(%arg11 : memref<80x128xf32, #tpu.memory_space<vmem>>)
    "tpu.region"() ({
      %run_scoped3A = tpu.sem_alloc : memref<!tpu.dma_semaphore, #tpu.memory_space<semaphore_mem>>
      %dma_start3A_57 = tpu.memref_slice %arg4[%add3A_35] : memref<320000xi32, #tpu.memory_space<hbm>> -> memref<80xi32, #tpu.memory_space<hbm>>
      %dma_start3A_58 = tpu.memref_slice %arg4[%add3A_35] : memref<320000xi32, #tpu.memory_space<hbm>> -> memref<80xi32, #tpu.memory_space<hbm>>
      tpu.enqueue_dma source(%dma_start3A_58 : memref<80xi32, #tpu.memory_space<hbm>>) target(%arg9 : memref<80xi32, #tpu.memory_space<vmem>>) target_semaphore(%run_scoped3A : memref<!tpu.dma_semaphore, #tpu.memory_space<semaphore_mem>>)
      %dma_wait3A_59 = tpu.memref_slice %arg4[%add3A_35] : memref<320000xi32, #tpu.memory_space<hbm>> -> memref<80xi32, #tpu.memory_space<hbm>>
      %dma_wait3A_60 = tpu.memref_slice %arg4[%add3A_35] : memref<320000xi32, #tpu.memory_space<hbm>> -> memref<80xi32, #tpu.memory_space<hbm>>
      tpu.wait_dma2 semaphore(%run_scoped3A : memref<!tpu.dma_semaphore, #tpu.memory_space<semaphore_mem>>) src(%dma_wait3A_60 : memref<80xi32, #tpu.memory_space<hbm>>) dst(%arg9 : memref<80xi32, #tpu.memory_space<vmem>>)
      tpu.yield
    }) : () -> ()
    "tpu.region"() ({
      %run_scoped3A = tpu.sem_alloc : memref<!tpu.dma_semaphore, #tpu.memory_space<semaphore_mem>>
      %dma_start3A_57 = arith.constant 0 : i32
      %dma_start3A_58 = arith.constant 0 : i32
      %dma_start3A_59 = tpu.memref_slice %arg6[%dma_start3A_57, %dma_start3A_58] : memref<10240x128xf32, #tpu.memory_space<vmem_shared>> -> memref<10240x128xf32, #tpu.memory_space<vmem_shared>>
      tpu.enqueue_indirect_dma source(%arg11 : memref<80x128xf32, #tpu.memory_space<vmem>>) target(%dma_start3A_59 : memref<10240x128xf32, #tpu.memory_space<vmem_shared>>) offsets(%arg9 : memref<80xi32, #tpu.memory_space<vmem>>) semaphore(%run_scoped3A : memref<!tpu.dma_semaphore, #tpu.memory_space<semaphore_mem>>) {add = true}
      %dma_wait3A_60 = arith.constant 0 : i32
      %dma_wait3A_61 = arith.constant 0 : i32
      %dma_wait3A_62 = tpu.memref_slice %arg6[%dma_wait3A_60, %dma_wait3A_61] : memref<10240x128xf32, #tpu.memory_space<vmem_shared>> -> memref<10240x128xf32, #tpu.memory_space<vmem_shared>>
      tpu.wait_indirect_dma semaphore(%run_scoped3A : memref<!tpu.dma_semaphore, #tpu.memory_space<semaphore_mem>>) src(%arg11 : memref<80x128xf32, #tpu.memory_space<vmem>>) dst(%dma_wait3A_62 : memref<10240x128xf32, #tpu.memory_space<vmem_shared>>)
      tpu.yield
    }) : () -> ()
    %barrier3A_40 = arith.constant 0 : index
    tpu.barrier barrier_id(%barrier3A_40)
    %add3A_41 = arith.constant 0 : i32
    %add3A_42 = arith.addi %mul3A_8, %add3A_41 : i32
    "tpu.region"() ({
      %run_scoped3A = tpu.sem_alloc : memref<!tpu.dma_semaphore, #tpu.memory_space<semaphore_mem>>
      %dma_start3A_57 = arith.constant 0 : i32
      %dma_start3A_58 = tpu.memref_slice %arg5[%arg0, %add3A_42, %dma_start3A_57] : memref<2x10240x128xf32, #tpu.memory_space<hbm>> -> memref<1x80x128xf32, #tpu.memory_space<hbm>>
      %dma_start3A_59 = tpu.memref_squeeze %dma_start3A_58 : memref<1x80x128xf32, #tpu.memory_space<hbm>> -> memref<80x128xf32, #tpu.memory_space<hbm>>
      %dma_start3A_60 = arith.constant 0 : i32
      %dma_start3A_61 = tpu.memref_slice %arg6[%add3A_42, %dma_start3A_60] : memref<10240x128xf32, #tpu.memory_space<vmem_shared>> -> memref<80x128xf32, #tpu.memory_space<vmem_shared>>
      tpu.enqueue_dma source(%dma_start3A_61 : memref<80x128xf32, #tpu.memory_space<vmem_shared>>) target(%dma_start3A_59 : memref<80x128xf32, #tpu.memory_space<hbm>>) target_semaphore(%run_scoped3A : memref<!tpu.dma_semaphore, #tpu.memory_space<semaphore_mem>>)
      %dma_wait3A_62 = arith.constant 0 : i32
      %dma_wait3A_63 = tpu.memref_slice %arg5[%arg0, %add3A_42, %dma_wait3A_62] : memref<2x10240x128xf32, #tpu.memory_space<hbm>> -> memref<1x80x128xf32, #tpu.memory_space<hbm>>
      %dma_wait3A_64 = tpu.memref_squeeze %dma_wait3A_63 : memref<1x80x128xf32, #tpu.memory_space<hbm>> -> memref<80x128xf32, #tpu.memory_space<hbm>>
      %dma_wait3A_65 = arith.constant 0 : i32
      %dma_wait3A_66 = tpu.memref_slice %arg6[%add3A_42, %dma_wait3A_65] : memref<10240x128xf32, #tpu.memory_space<vmem_shared>> -> memref<80x128xf32, #tpu.memory_space<vmem_shared>>
      tpu.wait_dma2 semaphore(%run_scoped3A : memref<!tpu.dma_semaphore, #tpu.memory_space<semaphore_mem>>) src(%dma_wait3A_66 : memref<80x128xf32, #tpu.memory_space<vmem_shared>>) dst(%dma_wait3A_64 : memref<80x128xf32, #tpu.memory_space<hbm>>)
      tpu.yield
    }) : () -> ()
    %add3A_43 = arith.constant 80 : i32
    %add3A_44 = arith.addi %mul3A_8, %add3A_43 : i32
    "tpu.region"() ({
      %run_scoped3A = tpu.sem_alloc : memref<!tpu.dma_semaphore, #tpu.memory_space<semaphore_mem>>
      %dma_start3A_57 = arith.constant 0 : i32
      %dma_start3A_58 = tpu.memref_slice %arg5[%arg0, %add3A_44, %dma_start3A_57] : memref<2x10240x128xf32, #tpu.memory_space<hbm>> -> memref<1x80x128xf32, #tpu.memory_space<hbm>>
      %dma_start3A_59 = tpu.memref_squeeze %dma_start3A_58 : memref<1x80x128xf32, #tpu.memory_space<hbm>> -> memref<80x128xf32, #tpu.memory_space<hbm>>
      %dma_start3A_60 = arith.constant 0 : i32
      %dma_start3A_61 = tpu.memref_slice %arg6[%add3A_44, %dma_start3A_60] : memref<10240x128xf32, #tpu.memory_space<vmem_shared>> -> memref<80x128xf32, #tpu.memory_space<vmem_shared>>
      tpu.enqueue_dma source(%dma_start3A_61 : memref<80x128xf32, #tpu.memory_space<vmem_shared>>) target(%dma_start3A_59 : memref<80x128xf32, #tpu.memory_space<hbm>>) target_semaphore(%run_scoped3A : memref<!tpu.dma_semaphore, #tpu.memory_space<semaphore_mem>>)
      %dma_wait3A_62 = arith.constant 0 : i32
      %dma_wait3A_63 = tpu.memref_slice %arg5[%arg0, %add3A_44, %dma_wait3A_62] : memref<2x10240x128xf32, #tpu.memory_space<hbm>> -> memref<1x80x128xf32, #tpu.memory_space<hbm>>
      %dma_wait3A_64 = tpu.memref_squeeze %dma_wait3A_63 : memref<1x80x128xf32, #tpu.memory_space<hbm>> -> memref<80x128xf32, #tpu.memory_space<hbm>>
      %dma_wait3A_65 = arith.constant 0 : i32
      %dma_wait3A_66 = tpu.memref_slice %arg6[%add3A_44, %dma_wait3A_65] : memref<10240x128xf32, #tpu.memory_space<vmem_shared>> -> memref<80x128xf32, #tpu.memory_space<vmem_shared>>
      tpu.wait_dma2 semaphore(%run_scoped3A : memref<!tpu.dma_semaphore, #tpu.memory_space<semaphore_mem>>) src(%dma_wait3A_66 : memref<80x128xf32, #tpu.memory_space<vmem_shared>>) dst(%dma_wait3A_64 : memref<80x128xf32, #tpu.memory_space<hbm>>)
      tpu.yield
    }) : () -> ()
    %add3A_45 = arith.constant 160 : i32
    %add3A_46 = arith.addi %mul3A_8, %add3A_45 : i32
    "tpu.region"() ({
      %run_scoped3A = tpu.sem_alloc : memref<!tpu.dma_semaphore, #tpu.memory_space<semaphore_mem>>
      %dma_start3A_57 = arith.constant 0 : i32
      %dma_start3A_58 = tpu.memref_slice %arg5[%arg0, %add3A_46, %dma_start3A_57] : memref<2x10240x128xf32, #tpu.memory_space<hbm>> -> memref<1x80x128xf32, #tpu.memory_space<hbm>>
      %dma_start3A_59 = tpu.memref_squeeze %dma_start3A_58 : memref<1x80x128xf32, #tpu.memory_space<hbm>> -> memref<80x128xf32, #tpu.memory_space<hbm>>
      %dma_start3A_60 = arith.constant 0 : i32
      %dma_start3A_61 = tpu.memref_slice %arg6[%add3A_46, %dma_start3A_60] : memref<10240x128xf32, #tpu.memory_space<vmem_shared>> -> memref<80x128xf32, #tpu.memory_space<vmem_shared>>
      tpu.enqueue_dma source(%dma_start3A_61 : memref<80x128xf32, #tpu.memory_space<vmem_shared>>) target(%dma_start3A_59 : memref<80x128xf32, #tpu.memory_space<hbm>>) target_semaphore(%run_scoped3A : memref<!tpu.dma_semaphore, #tpu.memory_space<semaphore_mem>>)
      %dma_wait3A_62 = arith.constant 0 : i32
      %dma_wait3A_63 = tpu.memref_slice %arg5[%arg0, %add3A_46, %dma_wait3A_62] : memref<2x10240x128xf32, #tpu.memory_space<hbm>> -> memref<1x80x128xf32, #tpu.memory_space<hbm>>
      %dma_wait3A_64 = tpu.memref_squeeze %dma_wait3A_63 : memref<1x80x128xf32, #tpu.memory_space<hbm>> -> memref<80x128xf32, #tpu.memory_space<hbm>>
      %dma_wait3A_65 = arith.constant 0 : i32
      %dma_wait3A_66 = tpu.memref_slice %arg6[%add3A_46, %dma_wait3A_65] : memref<10240x128xf32, #tpu.memory_space<vmem_shared>> -> memref<80x128xf32, #tpu.memory_space<vmem_shared>>
      tpu.wait_dma2 semaphore(%run_scoped3A : memref<!tpu.dma_semaphore, #tpu.memory_space<semaphore_mem>>) src(%dma_wait3A_66 : memref<80x128xf32, #tpu.memory_space<vmem_shared>>) dst(%dma_wait3A_64 : memref<80x128xf32, #tpu.memory_space<hbm>>)
      tpu.yield
    }) : () -> ()
    %add3A_47 = arith.constant 240 : i32
    %add3A_48 = arith.addi %mul3A_8, %add3A_47 : i32
    "tpu.region"() ({
      %run_scoped3A = tpu.sem_alloc : memref<!tpu.dma_semaphore, #tpu.memory_space<semaphore_mem>>
      %dma_start3A_57 = arith.constant 0 : i32
      %dma_start3A_58 = tpu.memref_slice %arg5[%arg0, %add3A_48, %dma_start3A_57] : memref<2x10240x128xf32, #tpu.memory_space<hbm>> -> memref<1x80x128xf32, #tpu.memory_space<hbm>>
      %dma_start3A_59 = tpu.memref_squeeze %dma_start3A_58 : memref<1x80x128xf32, #tpu.memory_space<hbm>> -> memref<80x128xf32, #tpu.memory_space<hbm>>
      %dma_start3A_60 = arith.constant 0 : i32
      %dma_start3A_61 = tpu.memref_slice %arg6[%add3A_48, %dma_start3A_60] : memref<10240x128xf32, #tpu.memory_space<vmem_shared>> -> memref<80x128xf32, #tpu.memory_space<vmem_shared>>
      tpu.enqueue_dma source(%dma_start3A_61 : memref<80x128xf32, #tpu.memory_space<vmem_shared>>) target(%dma_start3A_59 : memref<80x128xf32, #tpu.memory_space<hbm>>) target_semaphore(%run_scoped3A : memref<!tpu.dma_semaphore, #tpu.memory_space<semaphore_mem>>)
      %dma_wait3A_62 = arith.constant 0 : i32
      %dma_wait3A_63 = tpu.memref_slice %arg5[%arg0, %add3A_48, %dma_wait3A_62] : memref<2x10240x128xf32, #tpu.memory_space<hbm>> -> memref<1x80x128xf32, #tpu.memory_space<hbm>>
      %dma_wait3A_64 = tpu.memref_squeeze %dma_wait3A_63 : memref<1x80x128xf32, #tpu.memory_space<hbm>> -> memref<80x128xf32, #tpu.memory_space<hbm>>
      %dma_wait3A_65 = arith.constant 0 : i32
      %dma_wait3A_66 = tpu.memref_slice %arg6[%add3A_48, %dma_wait3A_65] : memref<10240x128xf32, #tpu.memory_space<vmem_shared>> -> memref<80x128xf32, #tpu.memory_space<vmem_shared>>
      tpu.wait_dma2 semaphore(%run_scoped3A : memref<!tpu.dma_semaphore, #tpu.memory_space<semaphore_mem>>) src(%dma_wait3A_66 : memref<80x128xf32, #tpu.memory_space<vmem_shared>>) dst(%dma_wait3A_64 : memref<80x128xf32, #tpu.memory_space<hbm>>)
      tpu.yield
    }) : () -> ()
    %add3A_49 = arith.constant 320 : i32
    %add3A_50 = arith.addi %mul3A_8, %add3A_49 : i32
    "tpu.region"() ({
      %run_scoped3A = tpu.sem_alloc : memref<!tpu.dma_semaphore, #tpu.memory_space<semaphore_mem>>
      %dma_start3A_57 = arith.constant 0 : i32
      %dma_start3A_58 = tpu.memref_slice %arg5[%arg0, %add3A_50, %dma_start3A_57] : memref<2x10240x128xf32, #tpu.memory_space<hbm>> -> memref<1x80x128xf32, #tpu.memory_space<hbm>>
      %dma_start3A_59 = tpu.memref_squeeze %dma_start3A_58 : memref<1x80x128xf32, #tpu.memory_space<hbm>> -> memref<80x128xf32, #tpu.memory_space<hbm>>
      %dma_start3A_60 = arith.constant 0 : i32
      %dma_start3A_61 = tpu.memref_slice %arg6[%add3A_50, %dma_start3A_60] : memref<10240x128xf32, #tpu.memory_space<vmem_shared>> -> memref<80x128xf32, #tpu.memory_space<vmem_shared>>
      tpu.enqueue_dma source(%dma_start3A_61 : memref<80x128xf32, #tpu.memory_space<vmem_shared>>) target(%dma_start3A_59 : memref<80x128xf32, #tpu.memory_space<hbm>>) target_semaphore(%run_scoped3A : memref<!tpu.dma_semaphore, #tpu.memory_space<semaphore_mem>>)
      %dma_wait3A_62 = arith.constant 0 : i32
      %dma_wait3A_63 = tpu.memref_slice %arg5[%arg0, %add3A_50, %dma_wait3A_62] : memref<2x10240x128xf32, #tpu.memory_space<hbm>> -> memref<1x80x128xf32, #tpu.memory_space<hbm>>
      %dma_wait3A_64 = tpu.memref_squeeze %dma_wait3A_63 : memref<1x80x128xf32, #tpu.memory_space<hbm>> -> memref<80x128xf32, #tpu.memory_space<hbm>>
      %dma_wait3A_65 = arith.constant 0 : i32
      %dma_wait3A_66 = tpu.memref_slice %arg6[%add3A_50, %dma_wait3A_65] : memref<10240x128xf32, #tpu.memory_space<vmem_shared>> -> memref<80x128xf32, #tpu.memory_space<vmem_shared>>
      tpu.wait_dma2 semaphore(%run_scoped3A : memref<!tpu.dma_semaphore, #tpu.memory_space<semaphore_mem>>) src(%dma_wait3A_66 : memref<80x128xf32, #tpu.memory_space<vmem_shared>>) dst(%dma_wait3A_64 : memref<80x128xf32, #tpu.memory_space<hbm>>)
      tpu.yield
    }) : () -> ()
    %add3A_51 = arith.constant 400 : i32
    %add3A_52 = arith.addi %mul3A_8, %add3A_51 : i32
    "tpu.region"() ({
      %run_scoped3A = tpu.sem_alloc : memref<!tpu.dma_semaphore, #tpu.memory_space<semaphore_mem>>
      %dma_start3A_57 = arith.constant 0 : i32
      %dma_start3A_58 = tpu.memref_slice %arg5[%arg0, %add3A_52, %dma_start3A_57] : memref<2x10240x128xf32, #tpu.memory_space<hbm>> -> memref<1x80x128xf32, #tpu.memory_space<hbm>>
      %dma_start3A_59 = tpu.memref_squeeze %dma_start3A_58 : memref<1x80x128xf32, #tpu.memory_space<hbm>> -> memref<80x128xf32, #tpu.memory_space<hbm>>
      %dma_start3A_60 = arith.constant 0 : i32
      %dma_start3A_61 = tpu.memref_slice %arg6[%add3A_52, %dma_start3A_60] : memref<10240x128xf32, #tpu.memory_space<vmem_shared>> -> memref<80x128xf32, #tpu.memory_space<vmem_shared>>
      tpu.enqueue_dma source(%dma_start3A_61 : memref<80x128xf32, #tpu.memory_space<vmem_shared>>) target(%dma_start3A_59 : memref<80x128xf32, #tpu.memory_space<hbm>>) target_semaphore(%run_scoped3A : memref<!tpu.dma_semaphore, #tpu.memory_space<semaphore_mem>>)
      %dma_wait3A_62 = arith.constant 0 : i32
      %dma_wait3A_63 = tpu.memref_slice %arg5[%arg0, %add3A_52, %dma_wait3A_62] : memref<2x10240x128xf32, #tpu.memory_space<hbm>> -> memref<1x80x128xf32, #tpu.memory_space<hbm>>
      %dma_wait3A_64 = tpu.memref_squeeze %dma_wait3A_63 : memref<1x80x128xf32, #tpu.memory_space<hbm>> -> memref<80x128xf32, #tpu.memory_space<hbm>>
      %dma_wait3A_65 = arith.constant 0 : i32
      %dma_wait3A_66 = tpu.memref_slice %arg6[%add3A_52, %dma_wait3A_65] : memref<10240x128xf32, #tpu.memory_space<vmem_shared>> -> memref<80x128xf32, #tpu.memory_space<vmem_shared>>
      tpu.wait_dma2 semaphore(%run_scoped3A : memref<!tpu.dma_semaphore, #tpu.memory_space<semaphore_mem>>) src(%dma_wait3A_66 : memref<80x128xf32, #tpu.memory_space<vmem_shared>>) dst(%dma_wait3A_64 : memref<80x128xf32, #tpu.memory_space<hbm>>)
      tpu.yield
    }) : () -> ()
    %add3A_53 = arith.constant 480 : i32
    %add3A_54 = arith.addi %mul3A_8, %add3A_53 : i32
    "tpu.region"() ({
      %run_scoped3A = tpu.sem_alloc : memref<!tpu.dma_semaphore, #tpu.memory_space<semaphore_mem>>
      %dma_start3A_57 = arith.constant 0 : i32
      %dma_start3A_58 = tpu.memref_slice %arg5[%arg0, %add3A_54, %dma_start3A_57] : memref<2x10240x128xf32, #tpu.memory_space<hbm>> -> memref<1x80x128xf32, #tpu.memory_space<hbm>>
      %dma_start3A_59 = tpu.memref_squeeze %dma_start3A_58 : memref<1x80x128xf32, #tpu.memory_space<hbm>> -> memref<80x128xf32, #tpu.memory_space<hbm>>
      %dma_start3A_60 = arith.constant 0 : i32
      %dma_start3A_61 = tpu.memref_slice %arg6[%add3A_54, %dma_start3A_60] : memref<10240x128xf32, #tpu.memory_space<vmem_shared>> -> memref<80x128xf32, #tpu.memory_space<vmem_shared>>
      tpu.enqueue_dma source(%dma_start3A_61 : memref<80x128xf32, #tpu.memory_space<vmem_shared>>) target(%dma_start3A_59 : memref<80x128xf32, #tpu.memory_space<hbm>>) target_semaphore(%run_scoped3A : memref<!tpu.dma_semaphore, #tpu.memory_space<semaphore_mem>>)
      %dma_wait3A_62 = arith.constant 0 : i32
      %dma_wait3A_63 = tpu.memref_slice %arg5[%arg0, %add3A_54, %dma_wait3A_62] : memref<2x10240x128xf32, #tpu.memory_space<hbm>> -> memref<1x80x128xf32, #tpu.memory_space<hbm>>
      %dma_wait3A_64 = tpu.memref_squeeze %dma_wait3A_63 : memref<1x80x128xf32, #tpu.memory_space<hbm>> -> memref<80x128xf32, #tpu.memory_space<hbm>>
      %dma_wait3A_65 = arith.constant 0 : i32
      %dma_wait3A_66 = tpu.memref_slice %arg6[%add3A_54, %dma_wait3A_65] : memref<10240x128xf32, #tpu.memory_space<vmem_shared>> -> memref<80x128xf32, #tpu.memory_space<vmem_shared>>
      tpu.wait_dma2 semaphore(%run_scoped3A : memref<!tpu.dma_semaphore, #tpu.memory_space<semaphore_mem>>) src(%dma_wait3A_66 : memref<80x128xf32, #tpu.memory_space<vmem_shared>>) dst(%dma_wait3A_64 : memref<80x128xf32, #tpu.memory_space<hbm>>)
      tpu.yield
    }) : () -> ()
    %add3A_55 = arith.constant 560 : i32
    %add3A_56 = arith.addi %mul3A_8, %add3A_55 : i32
    "tpu.region"() ({
      %run_scoped3A = tpu.sem_alloc : memref<!tpu.dma_semaphore, #tpu.memory_space<semaphore_mem>>
      %dma_start3A_57 = arith.constant 0 : i32
      %dma_start3A_58 = tpu.memref_slice %arg5[%arg0, %add3A_56, %dma_start3A_57] : memref<2x10240x128xf32, #tpu.memory_space<hbm>> -> memref<1x80x128xf32, #tpu.memory_space<hbm>>
      %dma_start3A_59 = tpu.memref_squeeze %dma_start3A_58 : memref<1x80x128xf32, #tpu.memory_space<hbm>> -> memref<80x128xf32, #tpu.memory_space<hbm>>
      %dma_start3A_60 = arith.constant 0 : i32
      %dma_start3A_61 = tpu.memref_slice %arg6[%add3A_56, %dma_start3A_60] : memref<10240x128xf32, #tpu.memory_space<vmem_shared>> -> memref<80x128xf32, #tpu.memory_space<vmem_shared>>
      tpu.enqueue_dma source(%dma_start3A_61 : memref<80x128xf32, #tpu.memory_space<vmem_shared>>) target(%dma_start3A_59 : memref<80x128xf32, #tpu.memory_space<hbm>>) target_semaphore(%run_scoped3A : memref<!tpu.dma_semaphore, #tpu.memory_space<semaphore_mem>>)
      %dma_wait3A_62 = arith.constant 0 : i32
      %dma_wait3A_63 = tpu.memref_slice %arg5[%arg0, %add3A_56, %dma_wait3A_62] : memref<2x10240x128xf32, #tpu.memory_space<hbm>> -> memref<1x80x128xf32, #tpu.memory_space<hbm>>
      %dma_wait3A_64 = tpu.memref_squeeze %dma_wait3A_63 : memref<1x80x128xf32, #tpu.memory_space<hbm>> -> memref<80x128xf32, #tpu.memory_space<hbm>>
      %dma_wait3A_65 = arith.constant 0 : i32
      %dma_wait3A_66 = tpu.memref_slice %arg6[%add3A_56, %dma_wait3A_65] : memref<10240x128xf32, #tpu.memory_space<vmem_shared>> -> memref<80x128xf32, #tpu.memory_space<vmem_shared>>
      tpu.wait_dma2 semaphore(%run_scoped3A : memref<!tpu.dma_semaphore, #tpu.memory_space<semaphore_mem>>) src(%dma_wait3A_66 : memref<80x128xf32, #tpu.memory_space<vmem_shared>>) dst(%dma_wait3A_64 : memref<80x128xf32, #tpu.memory_space<hbm>>)
      tpu.yield
    }) : () -> ()
    return
  }
}

#map = affine_map<(d0, d1) -> (0, 0)>
#map1 = affine_map<(d0, d1) -> (0)>
#map2 = affine_map<(d0, d1) -> (0, 0, 0)>
module attributes {stable_mosaic.version = 14 : i64} {
  func.func @_agg_body(%arg0: i32, %arg1: i32, %arg2: memref<10000x128xf32, #tpu.memory_space<hbm>>, %arg3: memref<320000xi32, #tpu.memory_space<hbm>>, %arg4: memref<320000xi32, #tpu.memory_space<hbm>>, %arg5: memref<2x10240x128xf32, #tpu.memory_space<hbm>>, %arg6: memref<10240x128xf32, #tpu.memory_space<vmem_shared>>, %arg7: memref<80xi32, #tpu.memory_space<vmem>>, %arg8: memref<80xi32, #tpu.memory_space<vmem>>, %arg9: memref<80xi32, #tpu.memory_space<vmem>>, %arg10: memref<80xi32, #tpu.memory_space<vmem>>, %arg11: memref<80x128xf32, #tpu.memory_space<vmem>>, %arg12: memref<80x128xf32, #tpu.memory_space<vmem>>, %arg13: memref<!tpu.dma_semaphore, #tpu.memory_space<semaphore_mem>>, %arg14: memref<!tpu.dma_semaphore, #tpu.memory_space<semaphore_mem>>) attributes {dimension_semantics = [#tpu.dimension_semantics<core_parallel>, #tpu.dimension_semantics<subcore_parallel>], iteration_bounds = array<i64: 2, 16>, scalar_prefetch = 0 : i64, scratch_operands = 9 : i64, tpu.core_type = #tpu.core_type<sc_vector_subcore>, window_params = [{transform_indices = #map}, {transform_indices = #map1}, {transform_indices = #map1}, {transform_indices = #map2}]} {
    %mul3A = arith.constant 2 : i32
    %mul3A_0 = arith.muli %arg1, %mul3A : i32
    %add3A = arith.addi %mul3A_0, %arg0 : i32
    %scan3A = arith.constant 0 : i32
    %scan3A_1 = arith.constant 0 : i32
    %scan3A_2 = arith.constant 640 : i32
    %scan3A_3 = arith.addi %scan3A_1, %scan3A_2 : i32
    %scan3A_4 = arith.constant 1 : i32
    %scan3A_5 = scf.for %scan3A_57 = %scan3A_1 to %scan3A_3 step %scan3A_4 iter_args(%scan3A_58 = %scan3A) -> (i32)  : i32 {
      %jit3A = arith.constant 8 : i32
      %div3A = arith.divsi %scan3A_57, %jit3A : i32
      %sign3A = arith.constant 0 : i32
      %sign3A_59 = arith.cmpi sgt, %scan3A_57, %sign3A : i32
      %sign3A_60 = arith.extui %sign3A_59 : i1 to i32
      %sign3A_61 = arith.constant 0 : i32
      %sign3A_62 = arith.cmpi slt, %scan3A_57, %sign3A_61 : i32
      %sign3A_63 = arith.extui %sign3A_62 : i1 to i32
      %sign3A_64 = arith.subi %sign3A_60, %sign3A_63 : i32
      %sign3A_65 = arith.constant 0 : i32
      %sign3A_66 = arith.cmpi sgt, %jit3A, %sign3A_65 : i32
      %sign3A_67 = arith.extui %sign3A_66 : i1 to i32
      %sign3A_68 = arith.constant 0 : i32
      %sign3A_69 = arith.cmpi slt, %jit3A, %sign3A_68 : i32
      %sign3A_70 = arith.extui %sign3A_69 : i1 to i32
      %sign3A_71 = arith.subi %sign3A_67, %sign3A_70 : i32
      %ne3A = arith.cmpi ne, %sign3A_64, %sign3A_71 : i32
      %rem3A = arith.remsi %scan3A_57, %jit3A : i32
      %ne3A_72 = arith.constant 0 : i32
      %ne3A_73 = arith.cmpi ne, %rem3A, %ne3A_72 : i32
      %and3A = arith.andi %ne3A, %ne3A_73 : i1
      %sub3A = arith.constant 1 : i32
      %sub3A_74 = arith.subi %div3A, %sub3A : i32
      %select_n3A = arith.select %and3A, %sub3A_74, %div3A : i32
      %jit3A_75 = arith.constant 8 : i32
      %eq3A = arith.constant 0 : i32
      %eq3A_76 = arith.cmpi eq, %jit3A_75, %eq3A : i32
      %jit3A_77 = arith.constant 1 : i32
      %select_n3A_78 = arith.select %eq3A_76, %jit3A_77, %jit3A_75 : i32
      %rem3A_79 = arith.remsi %scan3A_57, %select_n3A_78 : i32
      %ne3A_80 = arith.constant 0 : i32
      %ne3A_81 = arith.cmpi ne, %rem3A_79, %ne3A_80 : i32
      %lt3A = arith.constant 0 : i32
      %lt3A_82 = arith.cmpi slt, %rem3A_79, %lt3A : i32
      %lt3A_83 = arith.constant 0 : i32
      %lt3A_84 = arith.cmpi slt, %select_n3A_78, %lt3A_83 : i32
      %ne3A_85 = arith.xori %lt3A_82, %lt3A_84 : i1
      %and3A_86 = arith.andi %ne3A_85, %ne3A_81 : i1
      %add3A_87 = arith.addi %rem3A_79, %select_n3A_78 : i32
      %select_n3A_88 = arith.select %and3A_86, %add3A_87, %rem3A_79 : i32
      %broadcast_in_dim3A = arith.constant 0.000000e+00 : f32
      %broadcast_in_dim3A_89 = vector.broadcast %broadcast_in_dim3A : f32 to vector<16xf32>
      %mul3A_90 = arith.constant 16 : i32
      %mul3A_91 = arith.muli %select_n3A_88, %mul3A_90 : i32
      %swap3A = arith.index_cast %select_n3A : i32 to index
      %swap3A_92 = arith.index_cast %mul3A_91 : i32 to index
      %swap3A_93 = tpu.vector_load %arg11[%swap3A, %swap3A_92] {strides = array<i32>} : memref<80x128xf32, #tpu.memory_space<vmem>>, vector<1x16xf32>,
      %swap3A_94 = vector.shape_cast %swap3A_93 : vector<1x16xf32> to vector<16xf32>
      %swap3A_95 = vector.shape_cast %broadcast_in_dim3A_89 : vector<16xf32> to vector<1x16xf32>
      tpu.vector_store %arg11[%swap3A, %swap3A_92], %swap3A_95 {strides = array<i32>} : memref<80x128xf32, #tpu.memory_space<vmem>>, vector<1x16xf32>,
      %scan3A_96 = arith.constant 0 : i32
      scf.yield %scan3A_96 : i32
    }
    %scan3A_6 = arith.constant 640 : i32
    %mul3A_7 = arith.constant 640 : i32
    %mul3A_8 = arith.muli %arg1, %mul3A_7 : i32
    %add3A_9 = arith.constant 0 : i32
    %add3A_10 = arith.addi %mul3A_8, %add3A_9 : i32
    "tpu.region"() ({
      %run_scoped3A = tpu.sem_alloc : memref<!tpu.dma_semaphore, #tpu.memory_space<semaphore_mem>>
      %dma_start3A_57 = arith.constant 0 : i32
      %dma_start3A_58 = tpu.memref_slice %arg6[%add3A_10, %dma_start3A_57] : memref<10240x128xf32, #tpu.memory_space<vmem_shared>> -> memref<80x128xf32, #tpu.memory_space<vmem_shared>>
      %dma_start3A_59 = arith.constant 0 : i32
      %dma_start3A_60 = tpu.memref_slice %arg6[%add3A_10, %dma_start3A_59] : memref<10240x128xf32, #tpu.memory_space<vmem_shared>> -> memref<80x128xf32, #tpu.memory_space<vmem_shared>>
      tpu.enqueue_dma source(%arg11 : memref<80x128xf32, #tpu.memory_space<vmem>>) target(%dma_start3A_60 : memref<80x128xf32, #tpu.memory_space<vmem_shared>>) target_semaphore(%run_scoped3A : memref<!tpu.dma_semaphore, #tpu.memory_space<semaphore_mem>>)
      %dma_wait3A_61 = arith.constant 0 : i32
      %dma_wait3A_62 = tpu.memref_slice %arg6[%add3A_10, %dma_wait3A_61] : memref<10240x128xf32, #tpu.memory_space<vmem_shared>> -> memref<80x128xf32, #tpu.memory_space<vmem_shared>>
      %dma_wait3A_63 = arith.constant 0 : i32
      %dma_wait3A_64 = tpu.memref_slice %arg6[%add3A_10, %dma_wait3A_63] : memref<10240x128xf32, #tpu.memory_space<vmem_shared>> -> memref<80x128xf32, #tpu.memory_space<vmem_shared>>
      tpu.wait_dma2 semaphore(%run_scoped3A : memref<!tpu.dma_semaphore, #tpu.memory_space<semaphore_mem>>) src(%arg11 : memref<80x128xf32, #tpu.memory_space<vmem>>) dst(%dma_wait3A_64 : memref<80x128xf32, #tpu.memory_space<vmem_shared>>)
      tpu.yield
    }) : () -> ()
    %add3A_11 = arith.constant 80 : i32
    %add3A_12 = arith.addi %mul3A_8, %add3A_11 : i32
    "tpu.region"() ({
      %run_scoped3A = tpu.sem_alloc : memref<!tpu.dma_semaphore, #tpu.memory_space<semaphore_mem>>
      %dma_start3A_57 = arith.constant 0 : i32
      %dma_start3A_58 = tpu.memref_slice %arg6[%add3A_12, %dma_start3A_57] : memref<10240x128xf32, #tpu.memory_space<vmem_shared>> -> memref<80x128xf32, #tpu.memory_space<vmem_shared>>
      %dma_start3A_59 = arith.constant 0 : i32
      %dma_start3A_60 = tpu.memref_slice %arg6[%add3A_12, %dma_start3A_59] : memref<10240x128xf32, #tpu.memory_space<vmem_shared>> -> memref<80x128xf32, #tpu.memory_space<vmem_shared>>
      tpu.enqueue_dma source(%arg11 : memref<80x128xf32, #tpu.memory_space<vmem>>) target(%dma_start3A_60 : memref<80x128xf32, #tpu.memory_space<vmem_shared>>) target_semaphore(%run_scoped3A : memref<!tpu.dma_semaphore, #tpu.memory_space<semaphore_mem>>)
      %dma_wait3A_61 = arith.constant 0 : i32
      %dma_wait3A_62 = tpu.memref_slice %arg6[%add3A_12, %dma_wait3A_61] : memref<10240x128xf32, #tpu.memory_space<vmem_shared>> -> memref<80x128xf32, #tpu.memory_space<vmem_shared>>
      %dma_wait3A_63 = arith.constant 0 : i32
      %dma_wait3A_64 = tpu.memref_slice %arg6[%add3A_12, %dma_wait3A_63] : memref<10240x128xf32, #tpu.memory_space<vmem_shared>> -> memref<80x128xf32, #tpu.memory_space<vmem_shared>>
      tpu.wait_dma2 semaphore(%run_scoped3A : memref<!tpu.dma_semaphore, #tpu.memory_space<semaphore_mem>>) src(%arg11 : memref<80x128xf32, #tpu.memory_space<vmem>>) dst(%dma_wait3A_64 : memref<80x128xf32, #tpu.memory_space<vmem_shared>>)
      tpu.yield
    }) : () -> ()
    %add3A_13 = arith.constant 160 : i32
    %add3A_14 = arith.addi %mul3A_8, %add3A_13 : i32
    "tpu.region"() ({
      %run_scoped3A = tpu.sem_alloc : memref<!tpu.dma_semaphore, #tpu.memory_space<semaphore_mem>>
      %dma_start3A_57 = arith.constant 0 : i32
      %dma_start3A_58 = tpu.memref_slice %arg6[%add3A_14, %dma_start3A_57] : memref<10240x128xf32, #tpu.memory_space<vmem_shared>> -> memref<80x128xf32, #tpu.memory_space<vmem_shared>>
      %dma_start3A_59 = arith.constant 0 : i32
      %dma_start3A_60 = tpu.memref_slice %arg6[%add3A_14, %dma_start3A_59] : memref<10240x128xf32, #tpu.memory_space<vmem_shared>> -> memref<80x128xf32, #tpu.memory_space<vmem_shared>>
      tpu.enqueue_dma source(%arg11 : memref<80x128xf32, #tpu.memory_space<vmem>>) target(%dma_start3A_60 : memref<80x128xf32, #tpu.memory_space<vmem_shared>>) target_semaphore(%run_scoped3A : memref<!tpu.dma_semaphore, #tpu.memory_space<semaphore_mem>>)
      %dma_wait3A_61 = arith.constant 0 : i32
      %dma_wait3A_62 = tpu.memref_slice %arg6[%add3A_14, %dma_wait3A_61] : memref<10240x128xf32, #tpu.memory_space<vmem_shared>> -> memref<80x128xf32, #tpu.memory_space<vmem_shared>>
      %dma_wait3A_63 = arith.constant 0 : i32
      %dma_wait3A_64 = tpu.memref_slice %arg6[%add3A_14, %dma_wait3A_63] : memref<10240x128xf32, #tpu.memory_space<vmem_shared>> -> memref<80x128xf32, #tpu.memory_space<vmem_shared>>
      tpu.wait_dma2 semaphore(%run_scoped3A : memref<!tpu.dma_semaphore, #tpu.memory_space<semaphore_mem>>) src(%arg11 : memref<80x128xf32, #tpu.memory_space<vmem>>) dst(%dma_wait3A_64 : memref<80x128xf32, #tpu.memory_space<vmem_shared>>)
      tpu.yield
    }) : () -> ()
    %add3A_15 = arith.constant 240 : i32
    %add3A_16 = arith.addi %mul3A_8, %add3A_15 : i32
    "tpu.region"() ({
      %run_scoped3A = tpu.sem_alloc : memref<!tpu.dma_semaphore, #tpu.memory_space<semaphore_mem>>
      %dma_start3A_57 = arith.constant 0 : i32
      %dma_start3A_58 = tpu.memref_slice %arg6[%add3A_16, %dma_start3A_57] : memref<10240x128xf32, #tpu.memory_space<vmem_shared>> -> memref<80x128xf32, #tpu.memory_space<vmem_shared>>
      %dma_start3A_59 = arith.constant 0 : i32
      %dma_start3A_60 = tpu.memref_slice %arg6[%add3A_16, %dma_start3A_59] : memref<10240x128xf32, #tpu.memory_space<vmem_shared>> -> memref<80x128xf32, #tpu.memory_space<vmem_shared>>
      tpu.enqueue_dma source(%arg11 : memref<80x128xf32, #tpu.memory_space<vmem>>) target(%dma_start3A_60 : memref<80x128xf32, #tpu.memory_space<vmem_shared>>) target_semaphore(%run_scoped3A : memref<!tpu.dma_semaphore, #tpu.memory_space<semaphore_mem>>)
      %dma_wait3A_61 = arith.constant 0 : i32
      %dma_wait3A_62 = tpu.memref_slice %arg6[%add3A_16, %dma_wait3A_61] : memref<10240x128xf32, #tpu.memory_space<vmem_shared>> -> memref<80x128xf32, #tpu.memory_space<vmem_shared>>
      %dma_wait3A_63 = arith.constant 0 : i32
      %dma_wait3A_64 = tpu.memref_slice %arg6[%add3A_16, %dma_wait3A_63] : memref<10240x128xf32, #tpu.memory_space<vmem_shared>> -> memref<80x128xf32, #tpu.memory_space<vmem_shared>>
      tpu.wait_dma2 semaphore(%run_scoped3A : memref<!tpu.dma_semaphore, #tpu.memory_space<semaphore_mem>>) src(%arg11 : memref<80x128xf32, #tpu.memory_space<vmem>>) dst(%dma_wait3A_64 : memref<80x128xf32, #tpu.memory_space<vmem_shared>>)
      tpu.yield
    }) : () -> ()
    %add3A_17 = arith.constant 320 : i32
    %add3A_18 = arith.addi %mul3A_8, %add3A_17 : i32
    "tpu.region"() ({
      %run_scoped3A = tpu.sem_alloc : memref<!tpu.dma_semaphore, #tpu.memory_space<semaphore_mem>>
      %dma_start3A_57 = arith.constant 0 : i32
      %dma_start3A_58 = tpu.memref_slice %arg6[%add3A_18, %dma_start3A_57] : memref<10240x128xf32, #tpu.memory_space<vmem_shared>> -> memref<80x128xf32, #tpu.memory_space<vmem_shared>>
      %dma_start3A_59 = arith.constant 0 : i32
      %dma_start3A_60 = tpu.memref_slice %arg6[%add3A_18, %dma_start3A_59] : memref<10240x128xf32, #tpu.memory_space<vmem_shared>> -> memref<80x128xf32, #tpu.memory_space<vmem_shared>>
      tpu.enqueue_dma source(%arg11 : memref<80x128xf32, #tpu.memory_space<vmem>>) target(%dma_start3A_60 : memref<80x128xf32, #tpu.memory_space<vmem_shared>>) target_semaphore(%run_scoped3A : memref<!tpu.dma_semaphore, #tpu.memory_space<semaphore_mem>>)
      %dma_wait3A_61 = arith.constant 0 : i32
      %dma_wait3A_62 = tpu.memref_slice %arg6[%add3A_18, %dma_wait3A_61] : memref<10240x128xf32, #tpu.memory_space<vmem_shared>> -> memref<80x128xf32, #tpu.memory_space<vmem_shared>>
      %dma_wait3A_63 = arith.constant 0 : i32
      %dma_wait3A_64 = tpu.memref_slice %arg6[%add3A_18, %dma_wait3A_63] : memref<10240x128xf32, #tpu.memory_space<vmem_shared>> -> memref<80x128xf32, #tpu.memory_space<vmem_shared>>
      tpu.wait_dma2 semaphore(%run_scoped3A : memref<!tpu.dma_semaphore, #tpu.memory_space<semaphore_mem>>) src(%arg11 : memref<80x128xf32, #tpu.memory_space<vmem>>) dst(%dma_wait3A_64 : memref<80x128xf32, #tpu.memory_space<vmem_shared>>)
      tpu.yield
    }) : () -> ()
    %add3A_19 = arith.constant 400 : i32
    %add3A_20 = arith.addi %mul3A_8, %add3A_19 : i32
    "tpu.region"() ({
      %run_scoped3A = tpu.sem_alloc : memref<!tpu.dma_semaphore, #tpu.memory_space<semaphore_mem>>
      %dma_start3A_57 = arith.constant 0 : i32
      %dma_start3A_58 = tpu.memref_slice %arg6[%add3A_20, %dma_start3A_57] : memref<10240x128xf32, #tpu.memory_space<vmem_shared>> -> memref<80x128xf32, #tpu.memory_space<vmem_shared>>
      %dma_start3A_59 = arith.constant 0 : i32
      %dma_start3A_60 = tpu.memref_slice %arg6[%add3A_20, %dma_start3A_59] : memref<10240x128xf32, #tpu.memory_space<vmem_shared>> -> memref<80x128xf32, #tpu.memory_space<vmem_shared>>
      tpu.enqueue_dma source(%arg11 : memref<80x128xf32, #tpu.memory_space<vmem>>) target(%dma_start3A_60 : memref<80x128xf32, #tpu.memory_space<vmem_shared>>) target_semaphore(%run_scoped3A : memref<!tpu.dma_semaphore, #tpu.memory_space<semaphore_mem>>)
      %dma_wait3A_61 = arith.constant 0 : i32
      %dma_wait3A_62 = tpu.memref_slice %arg6[%add3A_20, %dma_wait3A_61] : memref<10240x128xf32, #tpu.memory_space<vmem_shared>> -> memref<80x128xf32, #tpu.memory_space<vmem_shared>>
      %dma_wait3A_63 = arith.constant 0 : i32
      %dma_wait3A_64 = tpu.memref_slice %arg6[%add3A_20, %dma_wait3A_63] : memref<10240x128xf32, #tpu.memory_space<vmem_shared>> -> memref<80x128xf32, #tpu.memory_space<vmem_shared>>
      tpu.wait_dma2 semaphore(%run_scoped3A : memref<!tpu.dma_semaphore, #tpu.memory_space<semaphore_mem>>) src(%arg11 : memref<80x128xf32, #tpu.memory_space<vmem>>) dst(%dma_wait3A_64 : memref<80x128xf32, #tpu.memory_space<vmem_shared>>)
      tpu.yield
    }) : () -> ()
    %add3A_21 = arith.constant 480 : i32
    %add3A_22 = arith.addi %mul3A_8, %add3A_21 : i32
    "tpu.region"() ({
      %run_scoped3A = tpu.sem_alloc : memref<!tpu.dma_semaphore, #tpu.memory_space<semaphore_mem>>
      %dma_start3A_57 = arith.constant 0 : i32
      %dma_start3A_58 = tpu.memref_slice %arg6[%add3A_22, %dma_start3A_57] : memref<10240x128xf32, #tpu.memory_space<vmem_shared>> -> memref<80x128xf32, #tpu.memory_space<vmem_shared>>
      %dma_start3A_59 = arith.constant 0 : i32
      %dma_start3A_60 = tpu.memref_slice %arg6[%add3A_22, %dma_start3A_59] : memref<10240x128xf32, #tpu.memory_space<vmem_shared>> -> memref<80x128xf32, #tpu.memory_space<vmem_shared>>
      tpu.enqueue_dma source(%arg11 : memref<80x128xf32, #tpu.memory_space<vmem>>) target(%dma_start3A_60 : memref<80x128xf32, #tpu.memory_space<vmem_shared>>) target_semaphore(%run_scoped3A : memref<!tpu.dma_semaphore, #tpu.memory_space<semaphore_mem>>)
      %dma_wait3A_61 = arith.constant 0 : i32
      %dma_wait3A_62 = tpu.memref_slice %arg6[%add3A_22, %dma_wait3A_61] : memref<10240x128xf32, #tpu.memory_space<vmem_shared>> -> memref<80x128xf32, #tpu.memory_space<vmem_shared>>
      %dma_wait3A_63 = arith.constant 0 : i32
      %dma_wait3A_64 = tpu.memref_slice %arg6[%add3A_22, %dma_wait3A_63] : memref<10240x128xf32, #tpu.memory_space<vmem_shared>> -> memref<80x128xf32, #tpu.memory_space<vmem_shared>>
      tpu.wait_dma2 semaphore(%run_scoped3A : memref<!tpu.dma_semaphore, #tpu.memory_space<semaphore_mem>>) src(%arg11 : memref<80x128xf32, #tpu.memory_space<vmem>>) dst(%dma_wait3A_64 : memref<80x128xf32, #tpu.memory_space<vmem_shared>>)
      tpu.yield
    }) : () -> ()
    %add3A_23 = arith.constant 560 : i32
    %add3A_24 = arith.addi %mul3A_8, %add3A_23 : i32
    "tpu.region"() ({
      %run_scoped3A = tpu.sem_alloc : memref<!tpu.dma_semaphore, #tpu.memory_space<semaphore_mem>>
      %dma_start3A_57 = arith.constant 0 : i32
      %dma_start3A_58 = tpu.memref_slice %arg6[%add3A_24, %dma_start3A_57] : memref<10240x128xf32, #tpu.memory_space<vmem_shared>> -> memref<80x128xf32, #tpu.memory_space<vmem_shared>>
      %dma_start3A_59 = arith.constant 0 : i32
      %dma_start3A_60 = tpu.memref_slice %arg6[%add3A_24, %dma_start3A_59] : memref<10240x128xf32, #tpu.memory_space<vmem_shared>> -> memref<80x128xf32, #tpu.memory_space<vmem_shared>>
      tpu.enqueue_dma source(%arg11 : memref<80x128xf32, #tpu.memory_space<vmem>>) target(%dma_start3A_60 : memref<80x128xf32, #tpu.memory_space<vmem_shared>>) target_semaphore(%run_scoped3A : memref<!tpu.dma_semaphore, #tpu.memory_space<semaphore_mem>>)
      %dma_wait3A_61 = arith.constant 0 : i32
      %dma_wait3A_62 = tpu.memref_slice %arg6[%add3A_24, %dma_wait3A_61] : memref<10240x128xf32, #tpu.memory_space<vmem_shared>> -> memref<80x128xf32, #tpu.memory_space<vmem_shared>>
      %dma_wait3A_63 = arith.constant 0 : i32
      %dma_wait3A_64 = tpu.memref_slice %arg6[%add3A_24, %dma_wait3A_63] : memref<10240x128xf32, #tpu.memory_space<vmem_shared>> -> memref<80x128xf32, #tpu.memory_space<vmem_shared>>
      tpu.wait_dma2 semaphore(%run_scoped3A : memref<!tpu.dma_semaphore, #tpu.memory_space<semaphore_mem>>) src(%arg11 : memref<80x128xf32, #tpu.memory_space<vmem>>) dst(%dma_wait3A_64 : memref<80x128xf32, #tpu.memory_space<vmem_shared>>)
      tpu.yield
    }) : () -> ()
    %barrier3A = arith.constant 0 : index
    tpu.barrier barrier_id(%barrier3A)
    %mul3A_25 = arith.constant 10000 : i32
    %mul3A_26 = arith.muli %add3A, %mul3A_25 : i32
    %scan3A_27 = arith.constant 0 : i32
    %scan3A_28 = arith.constant 0 : i32
    %scan3A_29 = arith.constant 62 : i32
    %scan3A_30 = arith.addi %scan3A_28, %scan3A_29 : i32
    %scan3A_31 = arith.constant 1 : i32
    %scan3A_32 = scf.for %scan3A_57 = %scan3A_28 to %scan3A_30 step %scan3A_31 iter_args(%scan3A_58 = %scan3A_27) -> (i32)  : i32 {
      %mul3A_59 = arith.constant 2 : i32
      %mul3A_60 = arith.muli %mul3A_59, %scan3A_57 : i32
      %mul3A_61 = arith.constant 80 : i32
      %mul3A_62 = arith.muli %mul3A_60, %mul3A_61 : i32
      %add3A_63 = arith.addi %mul3A_26, %mul3A_62 : i32
      %add3A_64 = arith.constant 80 : i32
      %add3A_65 = arith.addi %add3A_63, %add3A_64 : i32
      "tpu.region"() ({
        %run_scoped3A = tpu.sem_alloc : memref<!tpu.dma_semaphore, #tpu.memory_space<semaphore_mem>>
        %dma_start3A_85 = tpu.memref_slice %arg3[%add3A_63] : memref<320000xi32, #tpu.memory_space<hbm>> -> memref<80xi32, #tpu.memory_space<hbm>>
        %dma_start3A_86 = tpu.memref_slice %arg3[%add3A_63] : memref<320000xi32, #tpu.memory_space<hbm>> -> memref<80xi32, #tpu.memory_space<hbm>>
        tpu.enqueue_dma source(%dma_start3A_86 : memref<80xi32, #tpu.memory_space<hbm>>) target(%arg7 : memref<80xi32, #tpu.memory_space<vmem>>) target_semaphore(%run_scoped3A : memref<!tpu.dma_semaphore, #tpu.memory_space<semaphore_mem>>)
        %dma_wait3A_87 = tpu.memref_slice %arg3[%add3A_63] : memref<320000xi32, #tpu.memory_space<hbm>> -> memref<80xi32, #tpu.memory_space<hbm>>
        %dma_wait3A_88 = tpu.memref_slice %arg3[%add3A_63] : memref<320000xi32, #tpu.memory_space<hbm>> -> memref<80xi32, #tpu.memory_space<hbm>>
        tpu.wait_dma2 semaphore(%run_scoped3A : memref<!tpu.dma_semaphore, #tpu.memory_space<semaphore_mem>>) src(%dma_wait3A_88 : memref<80xi32, #tpu.memory_space<hbm>>) dst(%arg7 : memref<80xi32, #tpu.memory_space<vmem>>)
        tpu.yield
      }) : () -> ()
      %dma_start3A_66 = arith.constant 0 : i32
      %dma_start3A_67 = arith.constant 0 : i32
      %dma_start3A_68 = tpu.memref_slice %arg2[%dma_start3A_66, %dma_start3A_67] : memref<10000x128xf32, #tpu.memory_space<hbm>> -> memref<10000x128xf32, #tpu.memory_space<hbm>>
      tpu.enqueue_indirect_dma source(%dma_start3A_68 : memref<10000x128xf32, #tpu.memory_space<hbm>>) target(%arg11 : memref<80x128xf32, #tpu.memory_space<vmem>>) offsets(%arg7 : memref<80xi32, #tpu.memory_space<vmem>>) semaphore(%arg13 : memref<!tpu.dma_semaphore, #tpu.memory_space<semaphore_mem>>)
      "tpu.region"() ({
        %run_scoped3A = tpu.sem_alloc : memref<!tpu.dma_semaphore, #tpu.memory_space<semaphore_mem>>
        %dma_start3A_85 = tpu.memref_slice %arg3[%add3A_65] : memref<320000xi32, #tpu.memory_space<hbm>> -> memref<80xi32, #tpu.memory_space<hbm>>
        %dma_start3A_86 = tpu.memref_slice %arg3[%add3A_65] : memref<320000xi32, #tpu.memory_space<hbm>> -> memref<80xi32, #tpu.memory_space<hbm>>
        tpu.enqueue_dma source(%dma_start3A_86 : memref<80xi32, #tpu.memory_space<hbm>>) target(%arg8 : memref<80xi32, #tpu.memory_space<vmem>>) target_semaphore(%run_scoped3A : memref<!tpu.dma_semaphore, #tpu.memory_space<semaphore_mem>>)
        %dma_wait3A_87 = tpu.memref_slice %arg3[%add3A_65] : memref<320000xi32, #tpu.memory_space<hbm>> -> memref<80xi32, #tpu.memory_space<hbm>>
        %dma_wait3A_88 = tpu.memref_slice %arg3[%add3A_65] : memref<320000xi32, #tpu.memory_space<hbm>> -> memref<80xi32, #tpu.memory_space<hbm>>
        tpu.wait_dma2 semaphore(%run_scoped3A : memref<!tpu.dma_semaphore, #tpu.memory_space<semaphore_mem>>) src(%dma_wait3A_88 : memref<80xi32, #tpu.memory_space<hbm>>) dst(%arg8 : memref<80xi32, #tpu.memory_space<vmem>>)
        tpu.yield
      }) : () -> ()
      "tpu.region"() ({
        %run_scoped3A = tpu.sem_alloc : memref<!tpu.dma_semaphore, #tpu.memory_space<semaphore_mem>>
        %dma_start3A_85 = tpu.memref_slice %arg4[%add3A_63] : memref<320000xi32, #tpu.memory_space<hbm>> -> memref<80xi32, #tpu.memory_space<hbm>>
        %dma_start3A_86 = tpu.memref_slice %arg4[%add3A_63] : memref<320000xi32, #tpu.memory_space<hbm>> -> memref<80xi32, #tpu.memory_space<hbm>>
        tpu.enqueue_dma source(%dma_start3A_86 : memref<80xi32, #tpu.memory_space<hbm>>) target(%arg9 : memref<80xi32, #tpu.memory_space<vmem>>) target_semaphore(%run_scoped3A : memref<!tpu.dma_semaphore, #tpu.memory_space<semaphore_mem>>)
        %dma_wait3A_87 = tpu.memref_slice %arg4[%add3A_63] : memref<320000xi32, #tpu.memory_space<hbm>> -> memref<80xi32, #tpu.memory_space<hbm>>
        %dma_wait3A_88 = tpu.memref_slice %arg4[%add3A_63] : memref<320000xi32, #tpu.memory_space<hbm>> -> memref<80xi32, #tpu.memory_space<hbm>>
        tpu.wait_dma2 semaphore(%run_scoped3A : memref<!tpu.dma_semaphore, #tpu.memory_space<semaphore_mem>>) src(%dma_wait3A_88 : memref<80xi32, #tpu.memory_space<hbm>>) dst(%arg9 : memref<80xi32, #tpu.memory_space<vmem>>)
        tpu.yield
      }) : () -> ()
      %dma_wait3A_69 = arith.constant 0 : i32
      %dma_wait3A_70 = arith.constant 0 : i32
      %dma_wait3A_71 = tpu.memref_slice %arg2[%dma_wait3A_69, %dma_wait3A_70] : memref<10000x128xf32, #tpu.memory_space<hbm>> -> memref<10000x128xf32, #tpu.memory_space<hbm>>
      tpu.wait_indirect_dma semaphore(%arg13 : memref<!tpu.dma_semaphore, #tpu.memory_space<semaphore_mem>>) src(%dma_wait3A_71 : memref<10000x128xf32, #tpu.memory_space<hbm>>) dst(%arg11 : memref<80x128xf32, #tpu.memory_space<vmem>>)
      %dma_start3A_72 = arith.constant 0 : i32
      %dma_start3A_73 = arith.constant 0 : i32
      %dma_start3A_74 = tpu.memref_slice %arg2[%dma_start3A_72, %dma_start3A_73] : memref<10000x128xf32, #tpu.memory_space<hbm>> -> memref<10000x128xf32, #tpu.memory_space<hbm>>
      tpu.enqueue_indirect_dma source(%dma_start3A_74 : memref<10000x128xf32, #tpu.memory_space<hbm>>) target(%arg12 : memref<80x128xf32, #tpu.memory_space<vmem>>) offsets(%arg8 : memref<80xi32, #tpu.memory_space<vmem>>) semaphore(%arg13 : memref<!tpu.dma_semaphore, #tpu.memory_space<semaphore_mem>>)
      %dma_start3A_75 = arith.constant 0 : i32
      %dma_start3A_76 = arith.constant 0 : i32
      %dma_start3A_77 = tpu.memref_slice %arg6[%dma_start3A_75, %dma_start3A_76] : memref<10240x128xf32, #tpu.memory_space<vmem_shared>> -> memref<10240x128xf32, #tpu.memory_space<vmem_shared>>
      tpu.enqueue_indirect_dma source(%arg11 : memref<80x128xf32, #tpu.memory_space<vmem>>) target(%dma_start3A_77 : memref<10240x128xf32, #tpu.memory_space<vmem_shared>>) offsets(%arg9 : memref<80xi32, #tpu.memory_space<vmem>>) semaphore(%arg14 : memref<!tpu.dma_semaphore, #tpu.memory_space<semaphore_mem>>) {add = true}
      "tpu.region"() ({
        %run_scoped3A = tpu.sem_alloc : memref<!tpu.dma_semaphore, #tpu.memory_space<semaphore_mem>>
        %dma_start3A_85 = tpu.memref_slice %arg4[%add3A_65] : memref<320000xi32, #tpu.memory_space<hbm>> -> memref<80xi32, #tpu.memory_space<hbm>>
        %dma_start3A_86 = tpu.memref_slice %arg4[%add3A_65] : memref<320000xi32, #tpu.memory_space<hbm>> -> memref<80xi32, #tpu.memory_space<hbm>>
        tpu.enqueue_dma source(%dma_start3A_86 : memref<80xi32, #tpu.memory_space<hbm>>) target(%arg10 : memref<80xi32, #tpu.memory_space<vmem>>) target_semaphore(%run_scoped3A : memref<!tpu.dma_semaphore, #tpu.memory_space<semaphore_mem>>)
        %dma_wait3A_87 = tpu.memref_slice %arg4[%add3A_65] : memref<320000xi32, #tpu.memory_space<hbm>> -> memref<80xi32, #tpu.memory_space<hbm>>
        %dma_wait3A_88 = tpu.memref_slice %arg4[%add3A_65] : memref<320000xi32, #tpu.memory_space<hbm>> -> memref<80xi32, #tpu.memory_space<hbm>>
        tpu.wait_dma2 semaphore(%run_scoped3A : memref<!tpu.dma_semaphore, #tpu.memory_space<semaphore_mem>>) src(%dma_wait3A_88 : memref<80xi32, #tpu.memory_space<hbm>>) dst(%arg10 : memref<80xi32, #tpu.memory_space<vmem>>)
        tpu.yield
      }) : () -> ()
      %dma_wait3A_78 = arith.constant 0 : i32
      %dma_wait3A_79 = arith.constant 0 : i32
      %dma_wait3A_80 = tpu.memref_slice %arg2[%dma_wait3A_78, %dma_wait3A_79] : memref<10000x128xf32, #tpu.memory_space<hbm>> -> memref<10000x128xf32, #tpu.memory_space<hbm>>
      tpu.wait_indirect_dma semaphore(%arg13 : memref<!tpu.dma_semaphore, #tpu.memory_space<semaphore_mem>>) src(%dma_wait3A_80 : memref<10000x128xf32, #tpu.memory_space<hbm>>) dst(%arg12 : memref<80x128xf32, #tpu.memory_space<vmem>>)
      %dma_wait3A_81 = arith.constant 0 : i32
      %dma_wait3A_82 = arith.constant 0 : i32
      %dma_wait3A_83 = tpu.memref_slice %arg6[%dma_wait3A_81, %dma_wait3A_82] : memref<10240x128xf32, #tpu.memory_space<vmem_shared>> -> memref<10240x128xf32, #tpu.memory_space<vmem_shared>>
      tpu.wait_indirect_dma semaphore(%arg14 : memref<!tpu.dma_semaphore, #tpu.memory_space<semaphore_mem>>) src(%arg11 : memref<80x128xf32, #tpu.memory_space<vmem>>) dst(%dma_wait3A_83 : memref<10240x128xf32, #tpu.memory_space<vmem_shared>>)
      "tpu.region"() ({
        %run_scoped3A = tpu.sem_alloc : memref<!tpu.dma_semaphore, #tpu.memory_space<semaphore_mem>>
        %dma_start3A_85 = arith.constant 0 : i32
        %dma_start3A_86 = arith.constant 0 : i32
        %dma_start3A_87 = tpu.memref_slice %arg6[%dma_start3A_85, %dma_start3A_86] : memref<10240x128xf32, #tpu.memory_space<vmem_shared>> -> memref<10240x128xf32, #tpu.memory_space<vmem_shared>>
        tpu.enqueue_indirect_dma source(%arg12 : memref<80x128xf32, #tpu.memory_space<vmem>>) target(%dma_start3A_87 : memref<10240x128xf32, #tpu.memory_space<vmem_shared>>) offsets(%arg10 : memref<80xi32, #tpu.memory_space<vmem>>) semaphore(%run_scoped3A : memref<!tpu.dma_semaphore, #tpu.memory_space<semaphore_mem>>) {add = true}
        %dma_wait3A_88 = arith.constant 0 : i32
        %dma_wait3A_89 = arith.constant 0 : i32
        %dma_wait3A_90 = tpu.memref_slice %arg6[%dma_wait3A_88, %dma_wait3A_89] : memref<10240x128xf32, #tpu.memory_space<vmem_shared>> -> memref<10240x128xf32, #tpu.memory_space<vmem_shared>>
        tpu.wait_indirect_dma semaphore(%run_scoped3A : memref<!tpu.dma_semaphore, #tpu.memory_space<semaphore_mem>>) src(%arg12 : memref<80x128xf32, #tpu.memory_space<vmem>>) dst(%dma_wait3A_90 : memref<10240x128xf32, #tpu.memory_space<vmem_shared>>)
        tpu.yield
      }) : () -> ()
      %scan3A_84 = arith.constant 0 : i32
      scf.yield %scan3A_84 : i32
    }
    %scan3A_33 = arith.constant 62 : i32
    %add3A_34 = arith.constant 9920 : i32
    %add3A_35 = arith.addi %mul3A_26, %add3A_34 : i32
    "tpu.region"() ({
      %run_scoped3A = tpu.sem_alloc : memref<!tpu.dma_semaphore, #tpu.memory_space<semaphore_mem>>
      %dma_start3A_57 = tpu.memref_slice %arg3[%add3A_35] : memref<320000xi32, #tpu.memory_space<hbm>> -> memref<80xi32, #tpu.memory_space<hbm>>
      %dma_start3A_58 = tpu.memref_slice %arg3[%add3A_35] : memref<320000xi32, #tpu.memory_space<hbm>> -> memref<80xi32, #tpu.memory_space<hbm>>
      tpu.enqueue_dma source(%dma_start3A_58 : memref<80xi32, #tpu.memory_space<hbm>>) target(%arg7 : memref<80xi32, #tpu.memory_space<vmem>>) target_semaphore(%run_scoped3A : memref<!tpu.dma_semaphore, #tpu.memory_space<semaphore_mem>>)
      %dma_wait3A_59 = tpu.memref_slice %arg3[%add3A_35] : memref<320000xi32, #tpu.memory_space<hbm>> -> memref<80xi32, #tpu.memory_space<hbm>>
      %dma_wait3A_60 = tpu.memref_slice %arg3[%add3A_35] : memref<320000xi32, #tpu.memory_space<hbm>> -> memref<80xi32, #tpu.memory_space<hbm>>
      tpu.wait_dma2 semaphore(%run_scoped3A : memref<!tpu.dma_semaphore, #tpu.memory_space<semaphore_mem>>) src(%dma_wait3A_60 : memref<80xi32, #tpu.memory_space<hbm>>) dst(%arg7 : memref<80xi32, #tpu.memory_space<vmem>>)
      tpu.yield
    }) : () -> ()
    %dma_start3A = arith.constant 0 : i32
    %dma_start3A_36 = arith.constant 0 : i32
    %dma_start3A_37 = tpu.memref_slice %arg2[%dma_start3A, %dma_start3A_36] : memref<10000x128xf32, #tpu.memory_space<hbm>> -> memref<10000x128xf32, #tpu.memory_space<hbm>>
    tpu.enqueue_indirect_dma source(%dma_start3A_37 : memref<10000x128xf32, #tpu.memory_space<hbm>>) target(%arg11 : memref<80x128xf32, #tpu.memory_space<vmem>>) offsets(%arg7 : memref<80xi32, #tpu.memory_space<vmem>>) semaphore(%arg13 : memref<!tpu.dma_semaphore, #tpu.memory_space<semaphore_mem>>)
    %dma_wait3A = arith.constant 0 : i32
    %dma_wait3A_38 = arith.constant 0 : i32
    %dma_wait3A_39 = tpu.memref_slice %arg2[%dma_wait3A, %dma_wait3A_38] : memref<10000x128xf32, #tpu.memory_space<hbm>> -> memref<10000x128xf32, #tpu.memory_space<hbm>>
    tpu.wait_indirect_dma semaphore(%arg13 : memref<!tpu.dma_semaphore, #tpu.memory_space<semaphore_mem>>) src(%dma_wait3A_39 : memref<10000x128xf32, #tpu.memory_space<hbm>>) dst(%arg11 : memref<80x128xf32, #tpu.memory_space<vmem>>)
    "tpu.region"() ({
      %run_scoped3A = tpu.sem_alloc : memref<!tpu.dma_semaphore, #tpu.memory_space<semaphore_mem>>
      %dma_start3A_57 = tpu.memref_slice %arg4[%add3A_35] : memref<320000xi32, #tpu.memory_space<hbm>> -> memref<80xi32, #tpu.memory_space<hbm>>
      %dma_start3A_58 = tpu.memref_slice %arg4[%add3A_35] : memref<320000xi32, #tpu.memory_space<hbm>> -> memref<80xi32, #tpu.memory_space<hbm>>
      tpu.enqueue_dma source(%dma_start3A_58 : memref<80xi32, #tpu.memory_space<hbm>>) target(%arg9 : memref<80xi32, #tpu.memory_space<vmem>>) target_semaphore(%run_scoped3A : memref<!tpu.dma_semaphore, #tpu.memory_space<semaphore_mem>>)
      %dma_wait3A_59 = tpu.memref_slice %arg4[%add3A_35] : memref<320000xi32, #tpu.memory_space<hbm>> -> memref<80xi32, #tpu.memory_space<hbm>>
      %dma_wait3A_60 = tpu.memref_slice %arg4[%add3A_35] : memref<320000xi32, #tpu.memory_space<hbm>> -> memref<80xi32, #tpu.memory_space<hbm>>
      tpu.wait_dma2 semaphore(%run_scoped3A : memref<!tpu.dma_semaphore, #tpu.memory_space<semaphore_mem>>) src(%dma_wait3A_60 : memref<80xi32, #tpu.memory_space<hbm>>) dst(%arg9 : memref<80xi32, #tpu.memory_space<vmem>>)
      tpu.yield
    }) : () -> ()
    "tpu.region"() ({
      %run_scoped3A = tpu.sem_alloc : memref<!tpu.dma_semaphore, #tpu.memory_space<semaphore_mem>>
      %dma_start3A_57 = arith.constant 0 : i32
      %dma_start3A_58 = arith.constant 0 : i32
      %dma_start3A_59 = tpu.memref_slice %arg6[%dma_start3A_57, %dma_start3A_58] : memref<10240x128xf32, #tpu.memory_space<vmem_shared>> -> memref<10240x128xf32, #tpu.memory_space<vmem_shared>>
      tpu.enqueue_indirect_dma source(%arg11 : memref<80x128xf32, #tpu.memory_space<vmem>>) target(%dma_start3A_59 : memref<10240x128xf32, #tpu.memory_space<vmem_shared>>) offsets(%arg9 : memref<80xi32, #tpu.memory_space<vmem>>) semaphore(%run_scoped3A : memref<!tpu.dma_semaphore, #tpu.memory_space<semaphore_mem>>) {add = true}
      %dma_wait3A_60 = arith.constant 0 : i32
      %dma_wait3A_61 = arith.constant 0 : i32
      %dma_wait3A_62 = tpu.memref_slice %arg6[%dma_wait3A_60, %dma_wait3A_61] : memref<10240x128xf32, #tpu.memory_space<vmem_shared>> -> memref<10240x128xf32, #tpu.memory_space<vmem_shared>>
      tpu.wait_indirect_dma semaphore(%run_scoped3A : memref<!tpu.dma_semaphore, #tpu.memory_space<semaphore_mem>>) src(%arg11 : memref<80x128xf32, #tpu.memory_space<vmem>>) dst(%dma_wait3A_62 : memref<10240x128xf32, #tpu.memory_space<vmem_shared>>)
      tpu.yield
    }) : () -> ()
    %barrier3A_40 = arith.constant 0 : index
    tpu.barrier barrier_id(%barrier3A_40)
    %add3A_41 = arith.constant 0 : i32
    %add3A_42 = arith.addi %mul3A_8, %add3A_41 : i32
    "tpu.region"() ({
      %run_scoped3A = tpu.sem_alloc : memref<!tpu.dma_semaphore, #tpu.memory_space<semaphore_mem>>
      %dma_start3A_57 = arith.constant 0 : i32
      %dma_start3A_58 = tpu.memref_slice %arg5[%arg0, %add3A_42, %dma_start3A_57] : memref<2x10240x128xf32, #tpu.memory_space<hbm>> -> memref<1x80x128xf32, #tpu.memory_space<hbm>>
      %dma_start3A_59 = tpu.memref_squeeze %dma_start3A_58 : memref<1x80x128xf32, #tpu.memory_space<hbm>> -> memref<80x128xf32, #tpu.memory_space<hbm>>
      %dma_start3A_60 = arith.constant 0 : i32
      %dma_start3A_61 = tpu.memref_slice %arg6[%add3A_42, %dma_start3A_60] : memref<10240x128xf32, #tpu.memory_space<vmem_shared>> -> memref<80x128xf32, #tpu.memory_space<vmem_shared>>
      tpu.enqueue_dma source(%dma_start3A_61 : memref<80x128xf32, #tpu.memory_space<vmem_shared>>) target(%dma_start3A_59 : memref<80x128xf32, #tpu.memory_space<hbm>>) target_semaphore(%run_scoped3A : memref<!tpu.dma_semaphore, #tpu.memory_space<semaphore_mem>>)
      %dma_wait3A_62 = arith.constant 0 : i32
      %dma_wait3A_63 = tpu.memref_slice %arg5[%arg0, %add3A_42, %dma_wait3A_62] : memref<2x10240x128xf32, #tpu.memory_space<hbm>> -> memref<1x80x128xf32, #tpu.memory_space<hbm>>
      %dma_wait3A_64 = tpu.memref_squeeze %dma_wait3A_63 : memref<1x80x128xf32, #tpu.memory_space<hbm>> -> memref<80x128xf32, #tpu.memory_space<hbm>>
      %dma_wait3A_65 = arith.constant 0 : i32
      %dma_wait3A_66 = tpu.memref_slice %arg6[%add3A_42, %dma_wait3A_65] : memref<10240x128xf32, #tpu.memory_space<vmem_shared>> -> memref<80x128xf32, #tpu.memory_space<vmem_shared>>
      tpu.wait_dma2 semaphore(%run_scoped3A : memref<!tpu.dma_semaphore, #tpu.memory_space<semaphore_mem>>) src(%dma_wait3A_66 : memref<80x128xf32, #tpu.memory_space<vmem_shared>>) dst(%dma_wait3A_64 : memref<80x128xf32, #tpu.memory_space<hbm>>)
      tpu.yield
    }) : () -> ()
    %add3A_43 = arith.constant 80 : i32
    %add3A_44 = arith.addi %mul3A_8, %add3A_43 : i32
    "tpu.region"() ({
      %run_scoped3A = tpu.sem_alloc : memref<!tpu.dma_semaphore, #tpu.memory_space<semaphore_mem>>
      %dma_start3A_57 = arith.constant 0 : i32
      %dma_start3A_58 = tpu.memref_slice %arg5[%arg0, %add3A_44, %dma_start3A_57] : memref<2x10240x128xf32, #tpu.memory_space<hbm>> -> memref<1x80x128xf32, #tpu.memory_space<hbm>>
      %dma_start3A_59 = tpu.memref_squeeze %dma_start3A_58 : memref<1x80x128xf32, #tpu.memory_space<hbm>> -> memref<80x128xf32, #tpu.memory_space<hbm>>
      %dma_start3A_60 = arith.constant 0 : i32
      %dma_start3A_61 = tpu.memref_slice %arg6[%add3A_44, %dma_start3A_60] : memref<10240x128xf32, #tpu.memory_space<vmem_shared>> -> memref<80x128xf32, #tpu.memory_space<vmem_shared>>
      tpu.enqueue_dma source(%dma_start3A_61 : memref<80x128xf32, #tpu.memory_space<vmem_shared>>) target(%dma_start3A_59 : memref<80x128xf32, #tpu.memory_space<hbm>>) target_semaphore(%run_scoped3A : memref<!tpu.dma_semaphore, #tpu.memory_space<semaphore_mem>>)
      %dma_wait3A_62 = arith.constant 0 : i32
      %dma_wait3A_63 = tpu.memref_slice %arg5[%arg0, %add3A_44, %dma_wait3A_62] : memref<2x10240x128xf32, #tpu.memory_space<hbm>> -> memref<1x80x128xf32, #tpu.memory_space<hbm>>
      %dma_wait3A_64 = tpu.memref_squeeze %dma_wait3A_63 : memref<1x80x128xf32, #tpu.memory_space<hbm>> -> memref<80x128xf32, #tpu.memory_space<hbm>>
      %dma_wait3A_65 = arith.constant 0 : i32
      %dma_wait3A_66 = tpu.memref_slice %arg6[%add3A_44, %dma_wait3A_65] : memref<10240x128xf32, #tpu.memory_space<vmem_shared>> -> memref<80x128xf32, #tpu.memory_space<vmem_shared>>
      tpu.wait_dma2 semaphore(%run_scoped3A : memref<!tpu.dma_semaphore, #tpu.memory_space<semaphore_mem>>) src(%dma_wait3A_66 : memref<80x128xf32, #tpu.memory_space<vmem_shared>>) dst(%dma_wait3A_64 : memref<80x128xf32, #tpu.memory_space<hbm>>)
      tpu.yield
    }) : () -> ()
    %add3A_45 = arith.constant 160 : i32
    %add3A_46 = arith.addi %mul3A_8, %add3A_45 : i32
    "tpu.region"() ({
      %run_scoped3A = tpu.sem_alloc : memref<!tpu.dma_semaphore, #tpu.memory_space<semaphore_mem>>
      %dma_start3A_57 = arith.constant 0 : i32
      %dma_start3A_58 = tpu.memref_slice %arg5[%arg0, %add3A_46, %dma_start3A_57] : memref<2x10240x128xf32, #tpu.memory_space<hbm>> -> memref<1x80x128xf32, #tpu.memory_space<hbm>>
      %dma_start3A_59 = tpu.memref_squeeze %dma_start3A_58 : memref<1x80x128xf32, #tpu.memory_space<hbm>> -> memref<80x128xf32, #tpu.memory_space<hbm>>
      %dma_start3A_60 = arith.constant 0 : i32
      %dma_start3A_61 = tpu.memref_slice %arg6[%add3A_46, %dma_start3A_60] : memref<10240x128xf32, #tpu.memory_space<vmem_shared>> -> memref<80x128xf32, #tpu.memory_space<vmem_shared>>
      tpu.enqueue_dma source(%dma_start3A_61 : memref<80x128xf32, #tpu.memory_space<vmem_shared>>) target(%dma_start3A_59 : memref<80x128xf32, #tpu.memory_space<hbm>>) target_semaphore(%run_scoped3A : memref<!tpu.dma_semaphore, #tpu.memory_space<semaphore_mem>>)
      %dma_wait3A_62 = arith.constant 0 : i32
      %dma_wait3A_63 = tpu.memref_slice %arg5[%arg0, %add3A_46, %dma_wait3A_62] : memref<2x10240x128xf32, #tpu.memory_space<hbm>> -> memref<1x80x128xf32, #tpu.memory_space<hbm>>
      %dma_wait3A_64 = tpu.memref_squeeze %dma_wait3A_63 : memref<1x80x128xf32, #tpu.memory_space<hbm>> -> memref<80x128xf32, #tpu.memory_space<hbm>>
      %dma_wait3A_65 = arith.constant 0 : i32
      %dma_wait3A_66 = tpu.memref_slice %arg6[%add3A_46, %dma_wait3A_65] : memref<10240x128xf32, #tpu.memory_space<vmem_shared>> -> memref<80x128xf32, #tpu.memory_space<vmem_shared>>
      tpu.wait_dma2 semaphore(%run_scoped3A : memref<!tpu.dma_semaphore, #tpu.memory_space<semaphore_mem>>) src(%dma_wait3A_66 : memref<80x128xf32, #tpu.memory_space<vmem_shared>>) dst(%dma_wait3A_64 : memref<80x128xf32, #tpu.memory_space<hbm>>)
      tpu.yield
    }) : () -> ()
    %add3A_47 = arith.constant 240 : i32
    %add3A_48 = arith.addi %mul3A_8, %add3A_47 : i32
    "tpu.region"() ({
      %run_scoped3A = tpu.sem_alloc : memref<!tpu.dma_semaphore, #tpu.memory_space<semaphore_mem>>
      %dma_start3A_57 = arith.constant 0 : i32
      %dma_start3A_58 = tpu.memref_slice %arg5[%arg0, %add3A_48, %dma_start3A_57] : memref<2x10240x128xf32, #tpu.memory_space<hbm>> -> memref<1x80x128xf32, #tpu.memory_space<hbm>>
      %dma_start3A_59 = tpu.memref_squeeze %dma_start3A_58 : memref<1x80x128xf32, #tpu.memory_space<hbm>> -> memref<80x128xf32, #tpu.memory_space<hbm>>
      %dma_start3A_60 = arith.constant 0 : i32
      %dma_start3A_61 = tpu.memref_slice %arg6[%add3A_48, %dma_start3A_60] : memref<10240x128xf32, #tpu.memory_space<vmem_shared>> -> memref<80x128xf32, #tpu.memory_space<vmem_shared>>
      tpu.enqueue_dma source(%dma_start3A_61 : memref<80x128xf32, #tpu.memory_space<vmem_shared>>) target(%dma_start3A_59 : memref<80x128xf32, #tpu.memory_space<hbm>>) target_semaphore(%run_scoped3A : memref<!tpu.dma_semaphore, #tpu.memory_space<semaphore_mem>>)
      %dma_wait3A_62 = arith.constant 0 : i32
      %dma_wait3A_63 = tpu.memref_slice %arg5[%arg0, %add3A_48, %dma_wait3A_62] : memref<2x10240x128xf32, #tpu.memory_space<hbm>> -> memref<1x80x128xf32, #tpu.memory_space<hbm>>
      %dma_wait3A_64 = tpu.memref_squeeze %dma_wait3A_63 : memref<1x80x128xf32, #tpu.memory_space<hbm>> -> memref<80x128xf32, #tpu.memory_space<hbm>>
      %dma_wait3A_65 = arith.constant 0 : i32
      %dma_wait3A_66 = tpu.memref_slice %arg6[%add3A_48, %dma_wait3A_65] : memref<10240x128xf32, #tpu.memory_space<vmem_shared>> -> memref<80x128xf32, #tpu.memory_space<vmem_shared>>
      tpu.wait_dma2 semaphore(%run_scoped3A : memref<!tpu.dma_semaphore, #tpu.memory_space<semaphore_mem>>) src(%dma_wait3A_66 : memref<80x128xf32, #tpu.memory_space<vmem_shared>>) dst(%dma_wait3A_64 : memref<80x128xf32, #tpu.memory_space<hbm>>)
      tpu.yield
    }) : () -> ()
    %add3A_49 = arith.constant 320 : i32
    %add3A_50 = arith.addi %mul3A_8, %add3A_49 : i32
    "tpu.region"() ({
      %run_scoped3A = tpu.sem_alloc : memref<!tpu.dma_semaphore, #tpu.memory_space<semaphore_mem>>
      %dma_start3A_57 = arith.constant 0 : i32
      %dma_start3A_58 = tpu.memref_slice %arg5[%arg0, %add3A_50, %dma_start3A_57] : memref<2x10240x128xf32, #tpu.memory_space<hbm>> -> memref<1x80x128xf32, #tpu.memory_space<hbm>>
      %dma_start3A_59 = tpu.memref_squeeze %dma_start3A_58 : memref<1x80x128xf32, #tpu.memory_space<hbm>> -> memref<80x128xf32, #tpu.memory_space<hbm>>
      %dma_start3A_60 = arith.constant 0 : i32
      %dma_start3A_61 = tpu.memref_slice %arg6[%add3A_50, %dma_start3A_60] : memref<10240x128xf32, #tpu.memory_space<vmem_shared>> -> memref<80x128xf32, #tpu.memory_space<vmem_shared>>
      tpu.enqueue_dma source(%dma_start3A_61 : memref<80x128xf32, #tpu.memory_space<vmem_shared>>) target(%dma_start3A_59 : memref<80x128xf32, #tpu.memory_space<hbm>>) target_semaphore(%run_scoped3A : memref<!tpu.dma_semaphore, #tpu.memory_space<semaphore_mem>>)
      %dma_wait3A_62 = arith.constant 0 : i32
      %dma_wait3A_63 = tpu.memref_slice %arg5[%arg0, %add3A_50, %dma_wait3A_62] : memref<2x10240x128xf32, #tpu.memory_space<hbm>> -> memref<1x80x128xf32, #tpu.memory_space<hbm>>
      %dma_wait3A_64 = tpu.memref_squeeze %dma_wait3A_63 : memref<1x80x128xf32, #tpu.memory_space<hbm>> -> memref<80x128xf32, #tpu.memory_space<hbm>>
      %dma_wait3A_65 = arith.constant 0 : i32
      %dma_wait3A_66 = tpu.memref_slice %arg6[%add3A_50, %dma_wait3A_65] : memref<10240x128xf32, #tpu.memory_space<vmem_shared>> -> memref<80x128xf32, #tpu.memory_space<vmem_shared>>
      tpu.wait_dma2 semaphore(%run_scoped3A : memref<!tpu.dma_semaphore, #tpu.memory_space<semaphore_mem>>) src(%dma_wait3A_66 : memref<80x128xf32, #tpu.memory_space<vmem_shared>>) dst(%dma_wait3A_64 : memref<80x128xf32, #tpu.memory_space<hbm>>)
      tpu.yield
    }) : () -> ()
    %add3A_51 = arith.constant 400 : i32
    %add3A_52 = arith.addi %mul3A_8, %add3A_51 : i32
    "tpu.region"() ({
      %run_scoped3A = tpu.sem_alloc : memref<!tpu.dma_semaphore, #tpu.memory_space<semaphore_mem>>
      %dma_start3A_57 = arith.constant 0 : i32
      %dma_start3A_58 = tpu.memref_slice %arg5[%arg0, %add3A_52, %dma_start3A_57] : memref<2x10240x128xf32, #tpu.memory_space<hbm>> -> memref<1x80x128xf32, #tpu.memory_space<hbm>>
      %dma_start3A_59 = tpu.memref_squeeze %dma_start3A_58 : memref<1x80x128xf32, #tpu.memory_space<hbm>> -> memref<80x128xf32, #tpu.memory_space<hbm>>
      %dma_start3A_60 = arith.constant 0 : i32
      %dma_start3A_61 = tpu.memref_slice %arg6[%add3A_52, %dma_start3A_60] : memref<10240x128xf32, #tpu.memory_space<vmem_shared>> -> memref<80x128xf32, #tpu.memory_space<vmem_shared>>
      tpu.enqueue_dma source(%dma_start3A_61 : memref<80x128xf32, #tpu.memory_space<vmem_shared>>) target(%dma_start3A_59 : memref<80x128xf32, #tpu.memory_space<hbm>>) target_semaphore(%run_scoped3A : memref<!tpu.dma_semaphore, #tpu.memory_space<semaphore_mem>>)
      %dma_wait3A_62 = arith.constant 0 : i32
      %dma_wait3A_63 = tpu.memref_slice %arg5[%arg0, %add3A_52, %dma_wait3A_62] : memref<2x10240x128xf32, #tpu.memory_space<hbm>> -> memref<1x80x128xf32, #tpu.memory_space<hbm>>
      %dma_wait3A_64 = tpu.memref_squeeze %dma_wait3A_63 : memref<1x80x128xf32, #tpu.memory_space<hbm>> -> memref<80x128xf32, #tpu.memory_space<hbm>>
      %dma_wait3A_65 = arith.constant 0 : i32
      %dma_wait3A_66 = tpu.memref_slice %arg6[%add3A_52, %dma_wait3A_65] : memref<10240x128xf32, #tpu.memory_space<vmem_shared>> -> memref<80x128xf32, #tpu.memory_space<vmem_shared>>
      tpu.wait_dma2 semaphore(%run_scoped3A : memref<!tpu.dma_semaphore, #tpu.memory_space<semaphore_mem>>) src(%dma_wait3A_66 : memref<80x128xf32, #tpu.memory_space<vmem_shared>>) dst(%dma_wait3A_64 : memref<80x128xf32, #tpu.memory_space<hbm>>)
      tpu.yield
    }) : () -> ()
    %add3A_53 = arith.constant 480 : i32
    %add3A_54 = arith.addi %mul3A_8, %add3A_53 : i32
    "tpu.region"() ({
      %run_scoped3A = tpu.sem_alloc : memref<!tpu.dma_semaphore, #tpu.memory_space<semaphore_mem>>
      %dma_start3A_57 = arith.constant 0 : i32
      %dma_start3A_58 = tpu.memref_slice %arg5[%arg0, %add3A_54, %dma_start3A_57] : memref<2x10240x128xf32, #tpu.memory_space<hbm>> -> memref<1x80x128xf32, #tpu.memory_space<hbm>>
      %dma_start3A_59 = tpu.memref_squeeze %dma_start3A_58 : memref<1x80x128xf32, #tpu.memory_space<hbm>> -> memref<80x128xf32, #tpu.memory_space<hbm>>
      %dma_start3A_60 = arith.constant 0 : i32
      %dma_start3A_61 = tpu.memref_slice %arg6[%add3A_54, %dma_start3A_60] : memref<10240x128xf32, #tpu.memory_space<vmem_shared>> -> memref<80x128xf32, #tpu.memory_space<vmem_shared>>
      tpu.enqueue_dma source(%dma_start3A_61 : memref<80x128xf32, #tpu.memory_space<vmem_shared>>) target(%dma_start3A_59 : memref<80x128xf32, #tpu.memory_space<hbm>>) target_semaphore(%run_scoped3A : memref<!tpu.dma_semaphore, #tpu.memory_space<semaphore_mem>>)
      %dma_wait3A_62 = arith.constant 0 : i32
      %dma_wait3A_63 = tpu.memref_slice %arg5[%arg0, %add3A_54, %dma_wait3A_62] : memref<2x10240x128xf32, #tpu.memory_space<hbm>> -> memref<1x80x128xf32, #tpu.memory_space<hbm>>
      %dma_wait3A_64 = tpu.memref_squeeze %dma_wait3A_63 : memref<1x80x128xf32, #tpu.memory_space<hbm>> -> memref<80x128xf32, #tpu.memory_space<hbm>>
      %dma_wait3A_65 = arith.constant 0 : i32
      %dma_wait3A_66 = tpu.memref_slice %arg6[%add3A_54, %dma_wait3A_65] : memref<10240x128xf32, #tpu.memory_space<vmem_shared>> -> memref<80x128xf32, #tpu.memory_space<vmem_shared>>
      tpu.wait_dma2 semaphore(%run_scoped3A : memref<!tpu.dma_semaphore, #tpu.memory_space<semaphore_mem>>) src(%dma_wait3A_66 : memref<80x128xf32, #tpu.memory_space<vmem_shared>>) dst(%dma_wait3A_64 : memref<80x128xf32, #tpu.memory_space<hbm>>)
      tpu.yield
    }) : () -> ()
    %add3A_55 = arith.constant 560 : i32
    %add3A_56 = arith.addi %mul3A_8, %add3A_55 : i32
    "tpu.region"() ({
      %run_scoped3A = tpu.sem_alloc : memref<!tpu.dma_semaphore, #tpu.memory_space<semaphore_mem>>
      %dma_start3A_57 = arith.constant 0 : i32
      %dma_start3A_58 = tpu.memref_slice %arg5[%arg0, %add3A_56, %dma_start3A_57] : memref<2x10240x128xf32, #tpu.memory_space<hbm>> -> memref<1x80x128xf32, #tpu.memory_space<hbm>>
      %dma_start3A_59 = tpu.memref_squeeze %dma_start3A_58 : memref<1x80x128xf32, #tpu.memory_space<hbm>> -> memref<80x128xf32, #tpu.memory_space<hbm>>
      %dma_start3A_60 = arith.constant 0 : i32
      %dma_start3A_61 = tpu.memref_slice %arg6[%add3A_56, %dma_start3A_60] : memref<10240x128xf32, #tpu.memory_space<vmem_shared>> -> memref<80x128xf32, #tpu.memory_space<vmem_shared>>
      tpu.enqueue_dma source(%dma_start3A_61 : memref<80x128xf32, #tpu.memory_space<vmem_shared>>) target(%dma_start3A_59 : memref<80x128xf32, #tpu.memory_space<hbm>>) target_semaphore(%run_scoped3A : memref<!tpu.dma_semaphore, #tpu.memory_space<semaphore_mem>>)
      %dma_wait3A_62 = arith.constant 0 : i32
      %dma_wait3A_63 = tpu.memref_slice %arg5[%arg0, %add3A_56, %dma_wait3A_62] : memref<2x10240x128xf32, #tpu.memory_space<hbm>> -> memref<1x80x128xf32, #tpu.memory_space<hbm>>
      %dma_wait3A_64 = tpu.memref_squeeze %dma_wait3A_63 : memref<1x80x128xf32, #tpu.memory_space<hbm>> -> memref<80x128xf32, #tpu.memory_space<hbm>>
      %dma_wait3A_65 = arith.constant 0 : i32
      %dma_wait3A_66 = tpu.memref_slice %arg6[%add3A_56, %dma_wait3A_65] : memref<10240x128xf32, #tpu.memory_space<vmem_shared>> -> memref<80x128xf32, #tpu.memory_space<vmem_shared>>
      tpu.wait_dma2 semaphore(%run_scoped3A : memref<!tpu.dma_semaphore, #tpu.memory_space<semaphore_mem>>) src(%dma_wait3A_66 : memref<80x128xf32, #tpu.memory_space<vmem_shared>>) dst(%dma_wait3A_64 : memref<80x128xf32, #tpu.memory_space<hbm>>)
      tpu.yield
    }) : () -> ()
    return
  }
}

module attributes {stable_mosaic.version = 14 : i64} {
  func.func @_mid_kernel(%arg0: i32, %arg1: memref<2x2000x128xf32, #tpu.memory_space<vmem>>, %arg2: memref<2000x128xf32, #tpu.memory_space<vmem>>, %arg3: memref<2000x128xf32, #tpu.memory_space<vmem>>, %arg4: memref<1x128xf32, #tpu.memory_space<vmem>>, %arg5: memref<128x128xf32, #tpu.memory_space<vmem>>, %arg6: memref<2000x128xf32, #tpu.memory_space<vmem>>) attributes {dimension_semantics = [#tpu.dimension_semantics<arbitrary>], iteration_bounds = array<i64: 5>, scalar_prefetch = 0 : i64, scratch_operands = 0 : i64, tpu.core_type = #tpu.core_type<tc>, window_params = [{transform_indices = @transform_0, window_bounds = array<i64: 2, 2000, 128>}, {transform_indices = @transform_1, window_bounds = array<i64: 2000, 128>}, {transform_indices = @transform_2, window_bounds = array<i64: 2000, 128>}, {pipeline_mode = #tpu.pipeline_mode<synchronous>, transform_indices = @transform_3, window_bounds = array<i64: 1, 128>}, {pipeline_mode = #tpu.pipeline_mode<synchronous>, transform_indices = @transform_4, window_bounds = array<i64: 128, 128>}, {transform_indices = @transform_5, window_bounds = array<i64: 2000, 128>}]} {
    %get3A = arith.constant 0 : index
    %get3A_0 = arith.constant 0 : index
    %get3A_1 = vector.load %arg3[%get3A, %get3A_0] : memref<2000x128xf32, #tpu.memory_space<vmem>>, vector<2000x128xf32>
    %get3A_2 = arith.constant 0 : index
    %get3A_3 = arith.constant 0 : index
    %get3A_4 = arith.constant 0 : index
    %get3A_5 = vector.load %arg1[%get3A_2, %get3A_3, %get3A_4] : memref<2x2000x128xf32, #tpu.memory_space<vmem>>, vector<1x2000x128xf32>
    %get3A_6 = vector.shape_cast %get3A_5 : vector<1x2000x128xf32> to vector<2000x128xf32>
    %get3A_7 = arith.constant 1 : index
    %get3A_8 = arith.constant 0 : index
    %get3A_9 = arith.constant 0 : index
    %get3A_10 = vector.load %arg1[%get3A_7, %get3A_8, %get3A_9] : memref<2x2000x128xf32, #tpu.memory_space<vmem>>, vector<1x2000x128xf32>
    %get3A_11 = vector.shape_cast %get3A_10 : vector<1x2000x128xf32> to vector<2000x128xf32>
    %add3A = arith.addf %get3A_6, %get3A_11 : vector<2000x128xf32>
    %get3A_12 = arith.constant 0 : index
    %get3A_13 = arith.constant 0 : index
    %get3A_14 = vector.load %arg2[%get3A_12, %get3A_13] : memref<2000x128xf32, #tpu.memory_space<vmem>>, vector<2000x128xf32>
    %add3A_15 = arith.addf %add3A, %get3A_14 : vector<2000x128xf32>
    %mul3A = arith.mulf %get3A_1, %add3A_15 : vector<2000x128xf32>
    %get3A_16 = arith.constant 0 : index
    %get3A_17 = arith.constant 0 : index
    %get3A_18 = vector.load %arg4[%get3A_16, %get3A_17] : memref<1x128xf32, #tpu.memory_space<vmem>>, vector<1x128xf32>
    %add3A_19 = vector.broadcast %get3A_18 : vector<1x128xf32> to vector<2000x128xf32>
    %add3A_20 = arith.addf %mul3A, %add3A_19 : vector<2000x128xf32>
    %max3A = arith.constant 0.000000e+00 : f32
    %max3A_21 = vector.broadcast %max3A : f32 to vector<2000x128xf32>
    %max3A_22 = arith.maximumf %add3A_20, %max3A_21 : vector<2000x128xf32>
    %get3A_23 = arith.constant 0 : index
    %get3A_24 = arith.constant 0 : index
    %get3A_25 = vector.load %arg3[%get3A_23, %get3A_24] : memref<2000x128xf32, #tpu.memory_space<vmem>>, vector<2000x128xf32>
    %get3A_26 = arith.constant 0 : index
    %get3A_27 = arith.constant 0 : index
    %get3A_28 = vector.load %arg5[%get3A_26, %get3A_27] : memref<128x128xf32, #tpu.memory_space<vmem>>, vector<128x128xf32>
    %dot_general3A = arith.constant dense<0.000000e+00> : vector<2000x128xf32>
    %dot_general3A_29 = tpu.matmul %max3A_22, %get3A_28, %dot_general3A {dimension_numbers = #tpu.dot_dimension_numbers<[1], [0], [0], [1], [0, 0, 1, 1], [], []>, transpose_lhs_hint = false} : vector<2000x128xf32>, vector<128x128xf32>, vector<2000x128xf32> -> vector<2000x128xf32>
    %mul3A_30 = arith.mulf %get3A_25, %dot_general3A_29 : vector<2000x128xf32>
    %swap3A = arith.constant 0 : index
    %swap3A_31 = arith.constant 0 : index
    %swap3A_32 = vector.load %arg6[%swap3A, %swap3A_31] : memref<2000x128xf32, #tpu.memory_space<vmem>>, vector<2000x128xf32>
    tpu.vector_store %arg6[%swap3A, %swap3A_31], %mul3A_30 {strides = array<i32>} : memref<2000x128xf32, #tpu.memory_space<vmem>>, vector<2000x128xf32>,
    return
  }
  func.func @transform_0(%arg0: i32) -> (i32, i32, i32) {
    %c0_i32 = arith.constant 0 : i32
    %c0_i32_0 = arith.constant 0 : i32
    %c0_i32_1 = arith.constant 0 : i32
    return %c0_i32, %arg0, %c0_i32_0 : i32, i32, i32
  }
  func.func @transform_1(%arg0: i32) -> (i32, i32) {
    %c0_i32 = arith.constant 0 : i32
    %c0_i32_0 = arith.constant 0 : i32
    return %arg0, %c0_i32 : i32, i32
  }
  func.func @transform_2(%arg0: i32) -> (i32, i32) {
    %c0_i32 = arith.constant 0 : i32
    %c0_i32_0 = arith.constant 0 : i32
    return %arg0, %c0_i32 : i32, i32
  }
  func.func @transform_3(%arg0: i32) -> (i32, i32) {
    %c0_i32 = arith.constant 0 : i32
    %c0_i32_0 = arith.constant 0 : i32
    %c0_i32_1 = arith.constant 0 : i32
    return %c0_i32, %c0_i32_0 : i32, i32
  }
  func.func @transform_4(%arg0: i32) -> (i32, i32) {
    %c0_i32 = arith.constant 0 : i32
    %c0_i32_0 = arith.constant 0 : i32
    %c0_i32_1 = arith.constant 0 : i32
    return %c0_i32, %c0_i32_0 : i32, i32
  }
  func.func @transform_5(%arg0: i32) -> (i32, i32) {
    %c0_i32 = arith.constant 0 : i32
    %c0_i32_0 = arith.constant 0 : i32
    return %arg0, %c0_i32 : i32, i32
  }
}

module attributes {stable_mosaic.version = 14 : i64} {
  func.func @_prep_kernel(%arg0: i32, %arg1: memref<2x2000x16xf32, #tpu.memory_space<vmem>>, %arg2: memref<2000x128xf32, #tpu.memory_space<vmem>>, %arg3: memref<128x128xf32, #tpu.memory_space<vmem>>, %arg4: memref<2000x128xf32, #tpu.memory_space<vmem>>, %arg5: memref<2000x128xf32, #tpu.memory_space<vmem>>) attributes {dimension_semantics = [#tpu.dimension_semantics<arbitrary>], iteration_bounds = array<i64: 5>, scalar_prefetch = 0 : i64, scratch_operands = 0 : i64, tpu.core_type = #tpu.core_type<tc>, window_params = [{transform_indices = @transform_0, window_bounds = array<i64: 2, 2000, 16>}, {transform_indices = @transform_1, window_bounds = array<i64: 2000, 128>}, {pipeline_mode = #tpu.pipeline_mode<synchronous>, transform_indices = @transform_2, window_bounds = array<i64: 128, 128>}, {transform_indices = @transform_3, window_bounds = array<i64: 2000, 128>}, {transform_indices = @transform_4, window_bounds = array<i64: 2000, 128>}]} {
    %get3A = arith.constant 0 : index
    %get3A_0 = arith.constant 0 : index
    %get3A_1 = arith.constant 0 : index
    %get3A_2 = vector.load %arg1[%get3A, %get3A_0, %get3A_1] : memref<2x2000x16xf32, #tpu.memory_space<vmem>>, vector<1x2000x16xf32>
    %get3A_3 = vector.shape_cast %get3A_2 : vector<1x2000x16xf32> to vector<2000x16xf32>
    %get3A_4 = arith.constant 1 : index
    %get3A_5 = arith.constant 0 : index
    %get3A_6 = arith.constant 0 : index
    %get3A_7 = vector.load %arg1[%get3A_4, %get3A_5, %get3A_6] : memref<2x2000x16xf32, #tpu.memory_space<vmem>>, vector<1x2000x16xf32>
    %get3A_8 = vector.shape_cast %get3A_7 : vector<1x2000x16xf32> to vector<2000x16xf32>
    %add3A = arith.addf %get3A_3, %get3A_8 : vector<2000x16xf32>
    %reduce_sum3A = arith.constant dense<0.000000e+00> : vector<2000xf32>
    %reduce_sum3A_9 = vector.multi_reduction <add>, %add3A, %reduce_sum3A [1] : vector<2000x16xf32> to vector<2000xf32>
    %broadcast_in_dim3A = vector.shape_cast %reduce_sum3A_9 : vector<2000xf32> to vector<2000x1xf32>
    %mul3A = arith.constant 6.250000e-02 : f32
    %mul3A_10 = vector.broadcast %mul3A : f32 to vector<2000x1xf32>
    %mul3A_11 = arith.mulf %broadcast_in_dim3A, %mul3A_10 : vector<2000x1xf32>
    %add3A_12 = arith.constant 1.000000e+00 : f32
    %add3A_13 = vector.broadcast %add3A_12 : f32 to vector<2000x1xf32>
    %add3A_14 = arith.addf %add3A_13, %mul3A_11 : vector<2000x1xf32>
    %rsqrt3A = math.rsqrt %add3A_14 : vector<2000x1xf32>
    %get3A_15 = arith.constant 0 : index
    %get3A_16 = arith.constant 0 : index
    %get3A_17 = vector.load %arg2[%get3A_15, %get3A_16] : memref<2000x128xf32, #tpu.memory_space<vmem>>, vector<2000x128xf32>
    %get3A_18 = arith.constant 0 : index
    %get3A_19 = arith.constant 0 : index
    %get3A_20 = vector.load %arg3[%get3A_18, %get3A_19] : memref<128x128xf32, #tpu.memory_space<vmem>>, vector<128x128xf32>
    %dot_general3A = arith.constant dense<0.000000e+00> : vector<2000x128xf32>
    %dot_general3A_21 = tpu.matmul %get3A_17, %get3A_20, %dot_general3A {dimension_numbers = #tpu.dot_dimension_numbers<[1], [0], [0], [1], [0, 0, 1, 1], [], []>, transpose_lhs_hint = false} : vector<2000x128xf32>, vector<128x128xf32>, vector<2000x128xf32> -> vector<2000x128xf32>
    %mul3A_22 = vector.broadcast %rsqrt3A : vector<2000x1xf32> to vector<2000x128xf32>
    %mul3A_23 = arith.mulf %mul3A_22, %dot_general3A_21 : vector<2000x128xf32>
    %swap3A = arith.constant 0 : index
    %swap3A_24 = arith.constant 0 : index
    %swap3A_25 = vector.load %arg4[%swap3A, %swap3A_24] : memref<2000x128xf32, #tpu.memory_space<vmem>>, vector<2000x128xf32>
    tpu.vector_store %arg4[%swap3A, %swap3A_24], %mul3A_23 {strides = array<i32>} : memref<2000x128xf32, #tpu.memory_space<vmem>>, vector<2000x128xf32>,
    %broadcast_in_dim3A_26 = vector.shape_cast %rsqrt3A : vector<2000x1xf32> to vector<2000x1xf32>
    %broadcast_in_dim3A_27 = vector.broadcast %broadcast_in_dim3A_26 : vector<2000x1xf32> to vector<2000x128xf32>
    %swap3A_28 = arith.constant 0 : index
    %swap3A_29 = arith.constant 0 : index
    %swap3A_30 = vector.load %arg5[%swap3A_28, %swap3A_29] : memref<2000x128xf32, #tpu.memory_space<vmem>>, vector<2000x128xf32>
    tpu.vector_store %arg5[%swap3A_28, %swap3A_29], %broadcast_in_dim3A_27 {strides = array<i32>} : memref<2000x128xf32, #tpu.memory_space<vmem>>, vector<2000x128xf32>,
    return
  }
  func.func @transform_0(%arg0: i32) -> (i32, i32, i32) {
    %c0_i32 = arith.constant 0 : i32
    %c0_i32_0 = arith.constant 0 : i32
    %c0_i32_1 = arith.constant 0 : i32
    return %c0_i32, %arg0, %c0_i32_0 : i32, i32, i32
  }
  func.func @transform_1(%arg0: i32) -> (i32, i32) {
    %c0_i32 = arith.constant 0 : i32
    %c0_i32_0 = arith.constant 0 : i32
    return %arg0, %c0_i32 : i32, i32
  }
  func.func @transform_2(%arg0: i32) -> (i32, i32) {
    %c0_i32 = arith.constant 0 : i32
    %c0_i32_0 = arith.constant 0 : i32
    %c0_i32_1 = arith.constant 0 : i32
    return %c0_i32, %c0_i32_0 : i32, i32
  }
  func.func @transform_3(%arg0: i32) -> (i32, i32) {
    %c0_i32 = arith.constant 0 : i32
    %c0_i32_0 = arith.constant 0 : i32
    return %arg0, %c0_i32 : i32, i32
  }
  func.func @transform_4(%arg0: i32) -> (i32, i32) {
    %c0_i32 = arith.constant 0 : i32
    %c0_i32_0 = arith.constant 0 : i32
    return %arg0, %c0_i32 : i32, i32
  }
}

module attributes {stable_mosaic.version = 14 : i64} {
  func.func @_fin_kernel(%arg0: i32, %arg1: memref<2x2000x128xf32, #tpu.memory_space<vmem>>, %arg2: memref<2000x128xf32, #tpu.memory_space<vmem>>, %arg3: memref<2000x128xf32, #tpu.memory_space<vmem>>, %arg4: memref<1x128xf32, #tpu.memory_space<vmem>>, %arg5: memref<128x128xf32, #tpu.memory_space<vmem>>, %arg6: memref<1x128xf32, #tpu.memory_space<vmem>>, %arg7: memref<2000x128xf32, #tpu.memory_space<vmem>>) attributes {dimension_semantics = [#tpu.dimension_semantics<arbitrary>], iteration_bounds = array<i64: 5>, scalar_prefetch = 0 : i64, scratch_operands = 0 : i64, tpu.core_type = #tpu.core_type<tc>, window_params = [{transform_indices = @transform_0, window_bounds = array<i64: 2, 2000, 128>}, {transform_indices = @transform_1, window_bounds = array<i64: 2000, 128>}, {transform_indices = @transform_2, window_bounds = array<i64: 2000, 128>}, {pipeline_mode = #tpu.pipeline_mode<synchronous>, transform_indices = @transform_3, window_bounds = array<i64: 1, 128>}, {pipeline_mode = #tpu.pipeline_mode<synchronous>, transform_indices = @transform_4, window_bounds = array<i64: 128, 128>}, {pipeline_mode = #tpu.pipeline_mode<synchronous>, transform_indices = @transform_5, window_bounds = array<i64: 1, 128>}, {transform_indices = @transform_6, window_bounds = array<i64: 2000, 128>}]} {
    %get3A = arith.constant 0 : index
    %get3A_0 = arith.constant 0 : index
    %get3A_1 = vector.load %arg3[%get3A, %get3A_0] : memref<2000x128xf32, #tpu.memory_space<vmem>>, vector<2000x128xf32>
    %get3A_2 = arith.constant 0 : index
    %get3A_3 = arith.constant 0 : index
    %get3A_4 = arith.constant 0 : index
    %get3A_5 = vector.load %arg1[%get3A_2, %get3A_3, %get3A_4] : memref<2x2000x128xf32, #tpu.memory_space<vmem>>, vector<1x2000x128xf32>
    %get3A_6 = vector.shape_cast %get3A_5 : vector<1x2000x128xf32> to vector<2000x128xf32>
    %get3A_7 = arith.constant 1 : index
    %get3A_8 = arith.constant 0 : index
    %get3A_9 = arith.constant 0 : index
    %get3A_10 = vector.load %arg1[%get3A_7, %get3A_8, %get3A_9] : memref<2x2000x128xf32, #tpu.memory_space<vmem>>, vector<1x2000x128xf32>
    %get3A_11 = vector.shape_cast %get3A_10 : vector<1x2000x128xf32> to vector<2000x128xf32>
    %add3A = arith.addf %get3A_6, %get3A_11 : vector<2000x128xf32>
    %get3A_12 = arith.constant 0 : index
    %get3A_13 = arith.constant 0 : index
    %get3A_14 = vector.load %arg2[%get3A_12, %get3A_13] : memref<2000x128xf32, #tpu.memory_space<vmem>>, vector<2000x128xf32>
    %add3A_15 = arith.addf %add3A, %get3A_14 : vector<2000x128xf32>
    %mul3A = arith.mulf %get3A_1, %add3A_15 : vector<2000x128xf32>
    %get3A_16 = arith.constant 0 : index
    %get3A_17 = arith.constant 0 : index
    %get3A_18 = vector.load %arg4[%get3A_16, %get3A_17] : memref<1x128xf32, #tpu.memory_space<vmem>>, vector<1x128xf32>
    %add3A_19 = vector.broadcast %get3A_18 : vector<1x128xf32> to vector<2000x128xf32>
    %add3A_20 = arith.addf %mul3A, %add3A_19 : vector<2000x128xf32>
    %max3A = arith.constant 0.000000e+00 : f32
    %max3A_21 = vector.broadcast %max3A : f32 to vector<2000x128xf32>
    %max3A_22 = arith.maximumf %add3A_20, %max3A_21 : vector<2000x128xf32>
    %get3A_23 = arith.constant 0 : index
    %get3A_24 = arith.constant 0 : index
    %get3A_25 = vector.load %arg5[%get3A_23, %get3A_24] : memref<128x128xf32, #tpu.memory_space<vmem>>, vector<128x128xf32>
    %dot_general3A = arith.constant dense<0.000000e+00> : vector<2000x128xf32>
    %dot_general3A_26 = tpu.matmul %max3A_22, %get3A_25, %dot_general3A {dimension_numbers = #tpu.dot_dimension_numbers<[1], [0], [0], [1], [0, 0, 1, 1], [], []>, transpose_lhs_hint = false} : vector<2000x128xf32>, vector<128x128xf32>, vector<2000x128xf32> -> vector<2000x128xf32>
    %get3A_27 = arith.constant 0 : index
    %get3A_28 = arith.constant 0 : index
    %get3A_29 = vector.load %arg6[%get3A_27, %get3A_28] : memref<1x128xf32, #tpu.memory_space<vmem>>, vector<1x128xf32>
    %add3A_30 = vector.broadcast %get3A_29 : vector<1x128xf32> to vector<2000x128xf32>
    %add3A_31 = arith.addf %dot_general3A_26, %add3A_30 : vector<2000x128xf32>
    %reduce_max3A = arith.constant dense<0xFF800000> : vector<2000xf32>
    %reduce_max3A_32 = vector.multi_reduction <maximumf>, %add3A_31, %reduce_max3A [1] : vector<2000x128xf32> to vector<2000xf32>
    %broadcast_in_dim3A = vector.shape_cast %reduce_max3A_32 : vector<2000xf32> to vector<2000x1xf32>
    %sub3A = vector.broadcast %broadcast_in_dim3A : vector<2000x1xf32> to vector<2000x128xf32>
    %sub3A_33 = arith.subf %add3A_31, %sub3A : vector<2000x128xf32>
    %exp3A = math.exp %sub3A_33 : vector<2000x128xf32>
    %reduce_sum3A = arith.constant dense<0.000000e+00> : vector<2000xf32>
    %reduce_sum3A_34 = vector.multi_reduction <add>, %exp3A, %reduce_sum3A [1] : vector<2000x128xf32> to vector<2000xf32>
    %broadcast_in_dim3A_35 = vector.shape_cast %reduce_sum3A_34 : vector<2000xf32> to vector<2000x1xf32>
    %log3A = math.log %broadcast_in_dim3A_35 : vector<2000x1xf32>
    %add3A_36 = arith.addf %broadcast_in_dim3A, %log3A : vector<2000x1xf32>
    %sub3A_37 = vector.broadcast %add3A_36 : vector<2000x1xf32> to vector<2000x128xf32>
    %sub3A_38 = arith.subf %add3A_31, %sub3A_37 : vector<2000x128xf32>
    %swap3A = arith.constant 0 : index
    %swap3A_39 = arith.constant 0 : index
    %swap3A_40 = vector.load %arg7[%swap3A, %swap3A_39] : memref<2000x128xf32, #tpu.memory_space<vmem>>, vector<2000x128xf32>
    tpu.vector_store %arg7[%swap3A, %swap3A_39], %sub3A_38 {strides = array<i32>} : memref<2000x128xf32, #tpu.memory_space<vmem>>, vector<2000x128xf32>,
    return
  }
  func.func @transform_0(%arg0: i32) -> (i32, i32, i32) {
    %c0_i32 = arith.constant 0 : i32
    %c0_i32_0 = arith.constant 0 : i32
    %c0_i32_1 = arith.constant 0 : i32
    return %c0_i32, %arg0, %c0_i32_0 : i32, i32, i32
  }
  func.func @transform_1(%arg0: i32) -> (i32, i32) {
    %c0_i32 = arith.constant 0 : i32
    %c0_i32_0 = arith.constant 0 : i32
    return %arg0, %c0_i32 : i32, i32
  }
  func.func @transform_2(%arg0: i32) -> (i32, i32) {
    %c0_i32 = arith.constant 0 : i32
    %c0_i32_0 = arith.constant 0 : i32
    return %arg0, %c0_i32 : i32, i32
  }
  func.func @transform_3(%arg0: i32) -> (i32, i32) {
    %c0_i32 = arith.constant 0 : i32
    %c0_i32_0 = arith.constant 0 : i32
    %c0_i32_1 = arith.constant 0 : i32
    return %c0_i32, %c0_i32_0 : i32, i32
  }
  func.func @transform_4(%arg0: i32) -> (i32, i32) {
    %c0_i32 = arith.constant 0 : i32
    %c0_i32_0 = arith.constant 0 : i32
    %c0_i32_1 = arith.constant 0 : i32
    return %c0_i32, %c0_i32_0 : i32, i32
  }
  func.func @transform_5(%arg0: i32) -> (i32, i32) {
    %c0_i32 = arith.constant 0 : i32
    %c0_i32_0 = arith.constant 0 : i32
    %c0_i32_1 = arith.constant 0 : i32
    return %c0_i32, %c0_i32_0 : i32, i32
  }
  func.func @transform_6(%arg0: i32) -> (i32, i32) {
    %c0_i32 = arith.constant 0 : i32
    %c0_i32_0 = arith.constant 0 : i32
    return %arg0, %c0_i32 : i32, i32
  }
}

</mosaic_0001>

<sc_bundles>
// kernel: kernel.10.cloned.1.call-start
scs
__scs_entry_jumppad:
0x0: {  	(pc) =	sbr.rel $0x88, $3  }
0x1: {  	(tag) =	ssettag $0x0;
	lr =	simm.s32 $0x1  }
0x2: {  	[smem:$0x3F97] =	sst lr;
	_ =	strace $0xD0000000  }
0x3: {  	_ = 	snop  }
0x4: {  	_ = 	snop  }
0x5: {  	_ = 	snop  }
0x6: {  	_ = 	snop  }
0x7: {  	_ = 	snop  }
__scs_overlays_trampoline_lowered:
0x8: {  	[smem:$0x3FA6] =	sst s0  }
0x9: {  	[smem:$0x3FA7] =	sst s1  }
0xa: {  	[smem:$0x3FA8] =	sst s2  }
0xb: {  	[smem:$0x3FA9] =	sst s3  }
0xc: {  	[smem:$0x3FAA] =	sst s4  }
0xd: {  	[smem:$0x3FAB] =	sst s5  }
0xe: {  	[smem:$0x3FAC] =	sst s6  }
0xf: {  	[smem:$0x3FAD] =	sst s7  }
0x10: {  	[smem:$0x3FAE] =	sst s8  }
0x11: {  	[smem:$0x3FAF] =	sst s9;
	s0 =	simm.s32 @!p0 $0x0  }
0x12: {  	s1 =	sld [smem:$0x3F95];
	s0 =	simm.s32 @p0 $0x1  }
0x13: {  	[smem:$0x3FB0] =	sst s0;
	s0 =	simm.s32 @!p1 $0x0  }
0x14: {  	s2 =	sld [smem:$0x3F94];
	s0 =	simm.s32 @p1 $0x1  }
0x15: {  	[smem:$0x3FB1] =	sst s0;
	s0 =	simm.s32 @!p2 $0x0  }
0x16: {  	s3 =	sld [smem:$0x3FDB];
	s0 =	simm.s32 @p2 $0x1  }
0x17: {  	s4 =	simm.s32 $0x1BF5;
	[smem:$0x3FB3] =	sst s0  }
0x18: {  	s0 =	sld [smem:$0x3F96];
	_ =	swait.ge [sflag:s4], $0x0  }
0x19: {  	s7 =	sld [smem:$0x3F97]  }
0x1a: {  	s8 =	sadd.s32 $0xFFFFE003, lr  }
0x1b: {  	s9 =	sadd.s32 $0xFFFFFEF7, lr;
	s5 =	simm.s32 $0xFFFFFFFF;
	p2 =	slt.u32 s8, $0xFFFFF086  }
0x1c: {  	p1 =	slt.u32 s9, $0xF7A;
	s5 =	simm.s32 @!p2 $0x0  }
0x1d: {  	s5 =	simm.s32 @p1 $0x1;
	p0 =	seq.s32 s7, s2  }
0x1e: {  	s7 =	smul.u32 @!p0 $0xF7A, s2;
	p2 =	seq.s32 @!p0 s5, $0x0  }
0x1f: {  	s9 =	smul.u32 $0xF7A, s1;
	s8 =	simm.s32 @!p0 $0x1BF5;
	p2 =	por !p2, p0  }
0x20: {  	[sflag:s8] =	ssyncset.s32 @!p0 $0xFFFFF086;
	s6 =	sadd.s32 @!p0 s3, s7;
	s7 =	simm.s32 @!p0 $0x108  }
0x21: {  	s3 =	sadd.s32 s3, s9;
	s6 =	sadd.s32 @!p0 $0x88, s6;
	s7 =	simm.s32 @p2 $0x1082  }
0x22: {  	[simem:s7], [sflag:s8] =	dma.local @!p0 [hbm:s6], $0xF7A  }
0x23: {  	s9 =	sor.u32 $0xD0000000, s2;
	s6 =	simm.s32 $0x108;
	_ =	swait.ge @!p0 [sflag:s8], $0x0  }
0x24: {  	s3 =	sadd.s32 $0x88, s3;
	s6 =	simm.s32 @!p1 $0x1082;
	[sflag:s4] =	ssyncset.s32 $0xFFFFF086  }
0x25: {  	[simem:s6], [sflag:s4] =	dma.local [hbm:s3], $0xF7A  }
0x26: {  	[smem:$0x3F97] =	sst s1;
	(tag) =	ssettag s2;
	_ =	strace s9  }
0x27: {  	s1 =	sld [smem:$0x3FA7]  }
0x28: {  	s2 =	sld [smem:$0x3FA8]  }
0x29: {  	s4 =	sld [smem:$0x3FAA]  }
0x2a: {  	p0 =	seq.s32 s5, $0x0;
	s5 =	sld [smem:$0x3FAB]  }
0x2b: {  	s6 =	sld [smem:$0x3FAC]  }
0x2c: {  	s7 =	sld [smem:$0x3FAD]  }
0x2d: {  	s3 =	simm.s32 $0x108;
	s8 =	sld [smem:$0x3FAE]  }
0x2e: {  	s3 =	simm.s32 @!p0 $0x1082;
	s9 =	sld [smem:$0x3FAF]  }
0x2f: {  	lr =	sadd.s32 s0, s3;
	s0 =	sld [smem:$0x3FA6]  }
0x30: {  	s3 =	sld [smem:$0x3FA9]  }
0x31: {  	[smem:$0x3FB2] =	sst s10  }
0x32: {  	s10 =	sld [smem:$0x3FB0];
	_ =	sdelay $0x3  }
0x33: {  	p0 =	seq.s32 s10, $0x1;
	s10 =	sld [smem:$0x3FB2];
	_ =	sdelay $0x3  }
0x34: {  	[smem:$0x3FB2] =	sst s10  }
0x35: {  	s10 =	sld [smem:$0x3FB1];
	_ =	sdelay $0x3  }
0x36: {  	p1 =	seq.s32 s10, $0x1;
	s10 =	sld [smem:$0x3FB2];
	_ =	sdelay $0x3  }
0x37: {  	[smem:$0x3FB2] =	sst s10  }
0x38: {  	s10 =	sld [smem:$0x3FB3]  }
0x39: {  	_ = 	snop;
	(pc) =	sbr.ind lr, $3  }
0x3a: {  	_ = 	snop  }
0x3b: {  	_ = 	snop  }
0x3c: {  	p2 =	seq.s32 s10, $0x1;
	s10 =	sld [smem:$0x3FB2]  }
0x3d: {  	_ =	shalt  }
0x3e: {  	_ =	shalt  }
0x3f: {  	_ =	shalt  }
0x40: {  	_ =	shalt  }
0x41: {  	_ =	shalt  }
0x42: {  	_ =	shalt  }
0x43: {  	_ =	shalt  }
0x44: {  	_ =	shalt  }
0x45: {  	_ =	shalt  }
0x46: {  	_ =	shalt  }
0x47: {  	_ =	shalt  }
0x48: {  	_ =	shalt  }
0x49: {  	_ =	shalt  }
0x4a: {  	_ =	shalt  }
0x4b: {  	_ =	shalt  }
0x4c: {  	_ =	shalt  }
0x4d: {  	_ =	shalt  }
0x4e: {  	_ =	shalt  }
0x4f: {  	_ =	shalt  }
0x50: {  	_ =	shalt  }
0x51: {  	_ =	shalt  }
0x52: {  	_ =	shalt  }
0x53: {  	_ =	shalt  }
0x54: {  	_ =	shalt  }
0x55: {  	_ =	shalt  }
0x56: {  	_ =	shalt  }
0x57: {  	_ =	shalt  }
0x58: {  	_ =	shalt  }
0x59: {  	_ =	shalt  }
0x5a: {  	_ =	shalt  }
0x5b: {  	_ =	shalt  }
0x5c: {  	_ =	shalt  }
0x5d: {  	_ =	shalt  }
0x5e: {  	_ =	shalt  }
0x5f: {  	_ =	shalt  }
0x60: {  	_ =	shalt  }
0x61: {  	_ =	shalt  }
0x62: {  	_ =	shalt  }
0x63: {  	_ =	shalt  }
0x64: {  	_ =	shalt  }
0x65: {  	_ =	shalt  }
0x66: {  	_ =	shalt  }
0x67: {  	_ =	shalt  }
0x68: {  	_ =	shalt  }
0x69: {  	_ =	shalt  }
0x6a: {  	_ =	shalt  }
0x6b: {  	_ =	shalt  }
0x6c: {  	_ =	shalt  }
0x6d: {  	_ =	shalt  }
0x6e: {  	_ =	shalt  }
0x6f: {  	_ =	shalt  }
0x70: {  	_ =	shalt  }
0x71: {  	_ =	shalt  }
0x72: {  	_ =	shalt  }
0x73: {  	_ =	shalt  }
0x74: {  	_ =	shalt  }
0x75: {  	_ =	shalt  }
0x76: {  	_ =	shalt  }
0x77: {  	_ =	shalt  }
0x78: {  	_ =	shalt  }
0x79: {  	_ =	shalt  }
0x7a: {  	_ =	shalt  }
0x7b: {  	_ =	shalt  }
0x7c: {  	_ =	shalt  }
0x7d: {  	_ =	shalt  }
0x7e: {  	_ =	shalt  }
0x7f: {  	_ =	shalt  }
0x80: {  	_ =	shalt  }
0x81: {  	_ =	shalt  }
0x82: {  	_ =	shalt  }
0x83: {  	_ =	shalt  }
0x84: {  	_ =	shalt  }
0x85: {  	_ =	shalt  }
0x86: {  	_ =	shalt  }
0x87: {  	_ =	shalt  }
.Lfunc_end0:
.L_simem_size_0:
called_computation_lowered:
.L_overlay_start_0:
0x88: {  	s2 =	sld [smem:$0x3FD9]  }
0x89: {  	s3 =	sld [smem:$0x3FFE];
	_ =	sdelay $0x1  }
0x8a: {  	s1 =	srdreg.scid  }
0x8b: {  	s0 =	sand.u32 $0x1, s1  }
0x8c: {  	s16 =	sshll.u32 s0, $0xA;
	s2 =	sadd.s32 s3, s2  }
0x8d: {  	s2 =	sadd.s32 s2, s16  }
0x8e: {  	[smem:$0x3FBE] =	sst s2  }
0x8f: {  	_ = 	snop  }
0x90: {  	(tm) =	ssettm $0x1  }
0x91: {  	s17 =	sld [smem:$0x3FFB];
	_ =	sdelay $0x3  }
0x92: {  	_ =	strace s17  }
0x93: {  	s2 =	sld [smem:$0x3FFC];
	_ =	sdelay $0x3  }
0x94: {  	_ =	strace s2  }
0x95: {  	s2 =	sld [smem:$0x3FFD];
	_ =	sdelay $0x3  }
0x96: {  	_ =	strace s2  }
0x97: {  	_ =	strace $0x8FFFFFFF  }
0x98: {  	s18 =	sld [smem:$0x3FDB];
	_ =	sdelay $0x1  }
0x99: {  	s19 =	simm.s32 $_scs_section_size  }
0x9a: {  	s4 =	simm.s32 $_size__tile_overlayer_lowered;
	s5 =	simm.s32 $_tile_overlayer_lowered  }
0x9b: {  	s22 =	simm.s32 $0x1BFF;
	s21 =	sshll.u32 s5, $0x1;
	s2 =	sadd.s32 s19, s18  }
0x9c: {  	s6 =	simm.s32 $0x0;
	s20 =	sshll.u32 s4, $0x1;
	s4 =	sadd.s32 s21, s2  }
0x9d: {  	[timem:s6], [sflag:s22] =	dma.local [hbm:s4], s20  }
0x9e: {  	_ =	swait.ge [sflag:s22], s20  }
0x9f: {  	s3 =	ssub.s32 $0x0, s20;
	[sflag:s22] =	ssyncset.done $0x0  }
0xa0: {  	[sflag:s22] =	ssyncadd.s32 s3;
	_ =	sdelay $0x1  }
0xa1: {  	s23 =	simm.s32 $0x1B8B  }
0xa2: {  	_ =	swait.ge [sflag:s23], $0x1  }
0xa3: {  	[sflag:s23] =	ssyncset.done $0x0  }
0xa4: {  	s25 =	simm.s32 $0x1B8E;
	s24 =	sld [smem:$0x3FFE];
	[sflag:s23] =	ssyncadd.s32 $0xFFFFFFFF  }
0xa5: {  	s26 =	simm.s32 $execute0_lowered;
	[smem:$0x3FD2] =	sst s25  }
0xa6: {  	s4 =	sshll.u32 s26, $0x1;
	_ =	strace $0x80000046;
	[dreg:$0x1] =	wrdreg $0xFFFFFFFF  }
0xa7: {  	s28 =	simm.s32 $_size_execute0_lowered;
	s2 =	sadd.s32 s2, s4;
	[dreg:$0x0] =	wrdreg $0x0  }
0xa8: {  	s4 =	sshll.u32 s28, $0x1;
	[dreg:$0x2] =	wrdreg s2  }
0xa9: {  	[dreg:$0x3] =	wrdreg s4  }
0xaa: {  	[dreg:$0x4] =	wrdreg $0xC0  }
0xab: {  	_ =	task [dreg:s6], $0x5FFFF  }
0xac: {  	[dreg:$0x1] =	wrdreg $0xFFFFFFFF  }
0xad: {  	[dreg:$0x0] =	wrdreg $0x60  }
0xae: {  	[dreg:$0x2] =	wrdreg s24  }
0xaf: {  	[dreg:$0x3] =	wrdreg $0x0  }
0xb0: {  	[dreg:$0x4] =	wrdreg $0x9  }
0xb1: {  	_ =	task.clear_ibuf [dreg:s6], $0x5FFFF;
	_ =	strace $0x90000046  }
0xb2: {  	s29 =	simm.s32 $0x9;
	_ =	strace $0x80000048  }
0xb3: {  	_ =	swait.ge [sflag:s29], $0x1  }
0xb4: {  	[sflag:s29] =	ssyncadd.s32 $0xFFFFFFFF  }
0xb5: {  	_ =	strace $0x90000048  }
0xb6: {  	_ =	sfence  }
0xb7: {  	s30 =	sld [smem:$0x0];
	_ =	sdelay $0x2  }
0xb8: {  	s31 =	sshll.u32 s1, $0xD;
	s1 =	sshrl.u32 s1, $0x2  }
0xb9: {  	s3 =	sand.u32 $0x4000, s31;
	s1 =	sadd.s32 s1, s30  }
0xba: {  	s0 =	sor.u32 s3, s0;
	s1 =	sshll.u32 s1, $0x11  }
0xbb: {  	s0 =	sor.u32 s1, s0  }
0xbc: {  	s0 =	sadd.s32 $0x8F2B, s0  }
0xbd: {  	[sflag:s0] =	ssyncadd.remote.s32 $0x1  }
0xbe: {  	_ =	sfence.sel $0xFFFF  }
0xbf: {  	[dreg:$0x0] =	wrdreg $0xFFFFFFFF;
	(pc) =	sbr.abs _section_cstart, $3  }
0xc0: {  	[dreg:$0x1] =	wrdreg $0xFFFFFFFF  }
0xc1: {  	_ =	task.clear_ibuf [dreg:s6], $0x2FFFF;
	_ =	strace $0x9FFFFFFF  }
0xc2: {  	(tm) =	ssettm $0x7FFFFFFF  }
0xc3: {  	_ =	shalt  }
tec
execute0_lowered:
.L_overlay_start_1:
0x0: {  	(tag) =	ssettag $0x1  }
0x1: {  	s4 =	rddreg [dreg:$0x0]  }
0x2: {  	s1 =	rddreg [dreg:$0x1];
	s2 =	srdreg.scid  }
0x3: {  	s0 =	rddreg [dreg:$0x2];
	s3 =	simm.s32 $0x0;
	s13 =	simm.s32 $0x50  }
0x4: {  	s14 =	simm.s32 $0x2900;
	s15 =	simm.s32 $0x2880;
	s5 =	sand.u32 $0x1, s2  }
0x5: {  	s16 =	simm.s32 $0x1;
	s2 =	stileid.u32;
	s6 =	smul.u32 $0x140000, s5  }
0x6: {  	s19 =	simm.s32 $0x0;
	[smem:$0x7FF] =	sst s3;
	s7 =	smul.u32 $0x14000, s2  }
0x7: {  	s9 =	sadd.s32 $0x2800, s4;
	_ =	strace $0x80000047;
	s25 =	smul.u32 $0x50000, s2  }
0x8: {  	s8 =	sshll.u32 s2, $0x1;
	s26 =	ssub.s32 $0x2, s5;
	s10 =	smul.u32 $0x4E20, s2  }
0x9: {  	s12 =	smul.u32 $0x2710, s5;
	s17 =	sshll.u32 s2, $0x6;
	s24 =	sor.u32 s5, s8  }
0xa: {  	s11 =	sshrl.u32 s26, $0x1;
	s17 =	sor.u32 $0x1C02, s17;
	s6 =	sadd.s32 s7, s6  }
0xb: {  	s7 =	smul.u32 $0x2710, s24;
	s11 =	ssub.s32 s26, s11;
	s28 =	sshrl.u32 s25, $0x2  }
0xc: {  	s30 =	sadd.s32 s12, s10;
	s12 =	simm.s32 $0x2800;
	s6 =	sshrl.u32 s6, $0x3  }
0xd: {  	s31 =	sshrl.u32 s30, $0x3;
	s10 =	sadd.s32 $0x50, s30;
	s6 =	sadd.s32 s6, s4  }
0xe: {  	s7 =	sshrl.u32 s7, $0x3;
	s4 =	sadd.s32 s28, s1;
	s8 =	sadd.s32 s31, s9  }
0xf: {  	s10 =	sshrl.u32 s10, $0x3;
	s29 =	sadd.s32 s9, s7;
	s6 =	sadd.s32 $0xC600, s6  }
0x10: {  	s7 =	smax.u32 s11, $0x1;
	s9 =	sadd.s32 s10, s9;
	s10 =	simm.s32 $0x5100  }
0x11: {  	v0 =	vimm.f32 $1.000000000e+00;
	v1 =	vimm.f32 $0.0e+00;
	s11 =	simm.s32 $0x2;
	s18 =	sshrl.u32 s4, $0x3;
	s5 =	sadd.s32 $0x4D8, s29  }
.LBB2_1:
0x12: {  	s20 =	simm.s32 $0x0  }
.LBB2_2:
0x13: {  	p0 =	sne.s32 s20, $0x9E00  }
.Ltmp0:
0x14: {  	_ = 	snop;
	(pc) =	sbr.rel @p0 .LBB2_2-.Ltmp0, $3  }
0x15: {  	_ =	sdelay $0x1  }
0x16: {  	s21 =	sshra.s32 s20, $0x2  }
0x17: {  	s20 =	sadd.s32 $0x200, s20;
	[tilespmem:s21+$0x2900] =	vst v0  }
0x18: {  	s20 =	simm.s32 $0x200;
	s21 =	simm.s32 $0x0  }
.LBB2_4:
0x19: {  	p0 =	sne.s32 s20, $0x4FE00;
	[tilespmem:s21+$0x5100] =	vst v1;
	s21 =	smov.u32 s20;
	s20 =	sadd.s32 $0x200, s20  }
.Ltmp1:
0x1a: {  	(pc) =	sbr.rel @p0 .LBB2_4-.Ltmp1, $2  }
0x1b: {  	_ =	sdelay $0x2  }
0x1c: {  	s21 =	sshra.s32 s21, $0x2  }
0x1d: {  	[tilespmem:s21+$0x5100] =	vst v1  }
0x1e: {  	[spmem:s4] =	stream.linear.scatter [tilespmem:s10], [sflag:$0x2], $0x14000, $0x38;
	[tilespmem:$0x19100] =	vst v63  }
0x1f: {  	_ =	swait.ge [sflag:s11], $0x14000  }
0x20: {  	[sflag:s11] =	ssyncset.done $0x0  }
0x21: {  	[sflag:s11] =	ssyncadd.s32 $0xFFFEC000  }
0x22: {  	s20 =	sadd.s32 $0x0, s8;
	[bflag:$0x0] =	sbarrier.arrive $0xFFFF  }
0x23: {  	[tilespmem:s12], [sflag:$0x2] =	stream.linear.gather [hbm4b:s20+s3], $0x50, $0x38;
	[tilespmem:$0x19100] =	vst v63  }
0x24: {  	_ =	swait.ge [sflag:s11], $0x50  }
0x25: {  	[sflag:s11] =	ssyncset.done $0x0  }
0x26: {  	[sflag:s11] =	ssyncadd.s32 $0xFFFFFFB0  }
0x27: {  	[spmem:s1] =	stream.indirect.scatter.add.f32 [tilespmem:s14], [sflag:$0x1], $0x10, s12, s13, $0xb8;
	[tilespmem:$0x19100] =	vst v63  }
0x28: {  	s31 =	sadd.s32 $0x0, s9  }
0x29: {  	[tilespmem:s15], [sflag:$0x2] =	stream.linear.gather [hbm4b:s31+s3], $0x50, $0x38;
	[tilespmem:$0x19100] =	vst v63  }
0x2a: {  	_ =	swait.ge [sflag:s11], $0x50  }
0x2b: {  	[sflag:s11] =	ssyncset.done $0x0  }
0x2c: {  	[sflag:s11] =	ssyncadd.s32 $0xFFFFFFB0  }
0x2d: {  	_ =	swait.ge [sflag:s16], $0x500  }
0x2e: {  	[sflag:s16] =	ssyncset.done $0x0  }
0x2f: {  	[sflag:s16] =	ssyncadd.s32 $0xFFFFFB00  }
0x30: {  	[spmem:s1] =	stream.indirect.scatter.add.f32 [tilespmem:s14], [sflag:$0x2], $0x10, s15, s13, $0xb8;
	[tilespmem:$0x19100] =	vst v63  }
0x31: {  	_ =	swait.ge [sflag:s11], $0x500  }
0x32: {  	s21 =	simm.s32 $0x28;
	s20 =	simm.s32 $0x14;
	[sflag:s11] =	ssyncset.done $0x0  }
.LBB2_6:
0x33: {  	s22 =	sadd.s32 s20, s8  }
0x34: {  	[sflag:s11] =	ssyncadd.s32 $0xFFFFFB00;
	s23 =	smov.u32 s21;
	s24 =	sadd.s32 $0x14, s21  }
0x35: {  	[tilespmem:s12], [sflag:$0x2] =	stream.linear.gather [hbm4b:s22+s3], $0x50, $0x38;
	[tilespmem:$0x19100] =	vst v63  }
0x36: {  	p0 =	sne.s32 s21, $0x4C4;
	_ =	swait.ge [sflag:s11], $0x50  }
0x37: {  	[sflag:s11] =	ssyncset.done $0x0  }
0x38: {  	[sflag:s11] =	ssyncadd.s32 $0xFFFFFFB0  }
0x39: {  	[spmem:s1] =	stream.indirect.scatter.add.f32 [tilespmem:s14], [sflag:$0x1], $0x10, s12, s13, $0xb8;
	[tilespmem:$0x19100] =	vst v63  }
0x3a: {  	s21 =	sadd.s32 s20, s9;
	s20 =	smov.u32 s23  }
0x3b: {  	[tilespmem:s15], [sflag:$0x2] =	stream.linear.gather [hbm4b:s21+s3], $0x50, $0x38;
	[tilespmem:$0x19100] =	vst v63  }
0x3c: {  	_ =	swait.ge [sflag:s11], $0x50  }
0x3d: {  	[sflag:s11] =	ssyncset.done $0x0  }
0x3e: {  	[sflag:s11] =	ssyncadd.s32 $0xFFFFFFB0  }
0x3f: {  	_ =	swait.ge [sflag:s16], $0x500  }
.Ltmp2:
0x40: {  	[sflag:s16] =	ssyncset.done $0x0;
	(pc) =	sbr.rel @p0 .LBB2_6-.Ltmp2, $4  }
0x41: {  	[sflag:s16] =	ssyncadd.s32 $0xFFFFFB00  }
0x42: {  	[spmem:s1] =	stream.indirect.scatter.add.f32 [tilespmem:s14], [sflag:$0x2], $0x10, s15, s13, $0xb8;
	[tilespmem:$0x19100] =	vst v63  }
0x43: {  	_ =	swait.ge [sflag:s11], $0x500  }
0x44: {  	s21 =	smov.u32 s24;
	[sflag:s11] =	ssyncset.done $0x0  }
0x45: {  	s21 =	sadd.s32 s20, s8;
	[sflag:s11] =	ssyncadd.s32 $0xFFFFFB00  }
0x46: {  	[tilespmem:s12], [sflag:$0x2] =	stream.linear.gather [hbm4b:s21+s3], $0x50, $0x38;
	[tilespmem:$0x19100] =	vst v63  }
0x47: {  	_ =	swait.ge [sflag:s11], $0x50  }
0x48: {  	[sflag:s11] =	ssyncset.done $0x0  }
0x49: {  	[sflag:s11] =	ssyncadd.s32 $0xFFFFFFB0  }
0x4a: {  	[spmem:s1] =	stream.indirect.scatter.add.f32 [tilespmem:s14], [sflag:$0x1], $0x10, s12, s13, $0xb8;
	[tilespmem:$0x19100] =	vst v63  }
0x4b: {  	s31 =	sadd.s32 s20, s9  }
0x4c: {  	[tilespmem:s15], [sflag:$0x2] =	stream.linear.gather [hbm4b:s31+s3], $0x50, $0x38;
	[tilespmem:$0x19100] =	vst v63  }
0x4d: {  	_ =	swait.ge [sflag:s11], $0x50  }
0x4e: {  	[sflag:s11] =	ssyncset.done $0x0  }
0x4f: {  	[sflag:s11] =	ssyncadd.s32 $0xFFFFFFB0  }
0x50: {  	_ =	swait.ge [sflag:s16], $0x500  }
0x51: {  	[sflag:s16] =	ssyncset.done $0x0  }
0x52: {  	[sflag:s16] =	ssyncadd.s32 $0xFFFFFB00  }
0x53: {  	[spmem:s1] =	stream.indirect.scatter.add.f32 [tilespmem:s14], [sflag:$0x2], $0x10, s15, s13, $0xb8;
	[tilespmem:$0x19100] =	vst v63  }
0x54: {  	_ =	swait.ge [sflag:s11], $0x500  }
0x55: {  	[sflag:s11] =	ssyncset.done $0x0  }
0x56: {  	[sflag:s11] =	ssyncadd.s32 $0xFFFFFB00  }
0x57: {  	[tilespmem:s12], [sflag:$0x2] =	stream.linear.gather [hbm4b:s5+s3], $0x50, $0x38;
	[tilespmem:$0x19100] =	vst v63  }
0x58: {  	_ =	swait.ge [sflag:s11], $0x50  }
0x59: {  	[sflag:s11] =	ssyncset.done $0x0  }
0x5a: {  	[sflag:s11] =	ssyncadd.s32 $0xFFFFFFB0  }
0x5b: {  	[spmem:s1] =	stream.indirect.scatter.add.f32 [tilespmem:s14], [sflag:$0x2], $0x10, s12, s13, $0xb8;
	[tilespmem:$0x19100] =	vst v63  }
0x5c: {  	_ =	swait.ge [sflag:s11], $0x500  }
0x5d: {  	s19 =	sadd.s32 $0x1, s19;
	[sflag:s11] =	ssyncset.done $0x0  }
0x5e: {  	p0 =	sne.s32 s19, s7;
	[sflag:s11] =	ssyncadd.s32 $0xFFFFFB00  }
.Ltmp3:
0x5f: {  	[bflag:$0x0] =	sbarrier.arrive $0xFFFF;
	(pc) =	sbr.rel @p0 .LBB2_1-.Ltmp3, $4  }
0x60: {  	[hbm:s6], [sflag:s17] =	dma.local [spmem:s18], $0x2800  }
0x61: {  	_ =	swait.ge [sflag:s11], $0x2800  }
0x62: {  	[sflag:s11] =	ssyncset.done $0x0  }
0x63: {  	[sflag:s11] =	ssyncadd.s32 $0xFFFFD800  }
0x64: {  	_ =	sfence.sel $0x180000  }
0x65: {  	[bflag:$0x0] =	sbarrier.arrive $0xFFFF  }
0x66: {  	p0 =	sne.s32 s2, $0x0;
	_ =	strace $0x90000047  }
0x67: {  	s0 =	sadd.s32 @!p0 $0x100000, s0;
	[bflag:$0x2] =	sbarrier.arrive $0xFFFF  }
0x68: {  	[sflag:s0] =	ssyncadd.tile.s32 @!p0 $0x1;
	_ =	shalt  }
.Lfunc_end2:
_tile_overlayer_lowered:
.L_overlay_start_2:
0x69: {  	(tag) =	ssettag $0x2  }
0x6a: {  	s0 =	rddreg [dreg:$0x0];
	s2 =	stileid.u32  }
0x6b: {  	s1 =	rddreg [dreg:$0x1];
	p0 =	sne.s32 s2, $0x0  }
0x6c: {  	s3 =	rddreg [dreg:$0x2];
	[bflag:$0x3] =	sbarrier.arrive $0xFFFF;
	s2 =	simm.s32 @!p0 $0x1C02  }
0x6d: {  	[timem:s3], [sflag:s2] =	dma.local @!p0 [hbm:s0], s1  }
0x6e: {  	s0 =	simm.s32 @!p0 $0x2  }
0x6f: {  	_ =	swait.ge @!p0 [sflag:s0], s1  }
0x70: {  	s1 =	ssub.s32 @!p0 $0x0, s1;
	[sflag:s0] =	ssyncset.done @!p0 $0x0  }
0x71: {  	[sflag:s0] =	ssyncadd.s32 @!p0 s1  }
0x72: {  	[bflag:$0x3] =	sbarrier.arrive $0xFFFF  }
0x73: {  	_ =	shalt  }

// kernel: kernel.13.cloned.1.call-start
scs
__scs_entry_jumppad:
0x0: {  	(pc) =	sbr.rel $0x88, $3  }
0x1: {  	(tag) =	ssettag $0x0;
	lr =	simm.s32 $0x1  }
0x2: {  	[smem:$0x3F97] =	sst lr;
	_ =	strace $0xD0000000  }
0x3: {  	_ = 	snop  }
0x4: {  	_ = 	snop  }
0x5: {  	_ = 	snop  }
0x6: {  	_ = 	snop  }
0x7: {  	_ = 	snop  }
__scs_overlays_trampoline_lowered:
0x8: {  	[smem:$0x3FA6] =	sst s0  }
0x9: {  	[smem:$0x3FA7] =	sst s1  }
0xa: {  	[smem:$0x3FA8] =	sst s2  }
0xb: {  	[smem:$0x3FA9] =	sst s3  }
0xc: {  	[smem:$0x3FAA] =	sst s4  }
0xd: {  	[smem:$0x3FAB] =	sst s5  }
0xe: {  	[smem:$0x3FAC] =	sst s6  }
0xf: {  	[smem:$0x3FAD] =	sst s7  }
0x10: {  	[smem:$0x3FAE] =	sst s8  }
0x11: {  	[smem:$0x3FAF] =	sst s9;
	s0 =	simm.s32 @!p0 $0x0  }
0x12: {  	s1 =	sld [smem:$0x3F95];
	s0 =	simm.s32 @p0 $0x1  }
0x13: {  	[smem:$0x3FB0] =	sst s0;
	s0 =	simm.s32 @!p1 $0x0  }
0x14: {  	s2 =	sld [smem:$0x3F94];
	s0 =	simm.s32 @p1 $0x1  }
0x15: {  	[smem:$0x3FB1] =	sst s0;
	s0 =	simm.s32 @!p2 $0x0  }
0x16: {  	s3 =	sld [smem:$0x3FDB];
	s0 =	simm.s32 @p2 $0x1  }
0x17: {  	s4 =	simm.s32 $0x1BF5;
	[smem:$0x3FB3] =	sst s0  }
0x18: {  	s0 =	sld [smem:$0x3F96];
	_ =	swait.ge [sflag:s4], $0x0  }
0x19: {  	s7 =	sld [smem:$0x3F97]  }
0x1a: {  	s8 =	sadd.s32 $0xFFFFE003, lr  }
0x1b: {  	s9 =	sadd.s32 $0xFFFFFEF7, lr;
	s5 =	simm.s32 $0xFFFFFFFF;
	p2 =	slt.u32 s8, $0xFFFFF086  }
0x1c: {  	p1 =	slt.u32 s9, $0xF7A;
	s5 =	simm.s32 @!p2 $0x0  }
0x1d: {  	s5 =	simm.s32 @p1 $0x1;
	p0 =	seq.s32 s7, s2  }
0x1e: {  	s7 =	smul.u32 @!p0 $0xF7A, s2;
	p2 =	seq.s32 @!p0 s5, $0x0  }
0x1f: {  	s9 =	smul.u32 $0xF7A, s1;
	s8 =	simm.s32 @!p0 $0x1BF5;
	p2 =	por !p2, p0  }
0x20: {  	[sflag:s8] =	ssyncset.s32 @!p0 $0xFFFFF086;
	s6 =	sadd.s32 @!p0 s3, s7;
	s7 =	simm.s32 @!p0 $0x108  }
0x21: {  	s3 =	sadd.s32 s3, s9;
	s6 =	sadd.s32 @!p0 $0x88, s6;
	s7 =	simm.s32 @p2 $0x1082  }
0x22: {  	[simem:s7], [sflag:s8] =	dma.local @!p0 [hbm:s6], $0xF7A  }
0x23: {  	s9 =	sor.u32 $0xD0000000, s2;
	s6 =	simm.s32 $0x108;
	_ =	swait.ge @!p0 [sflag:s8], $0x0  }
0x24: {  	s3 =	sadd.s32 $0x88, s3;
	s6 =	simm.s32 @!p1 $0x1082;
	[sflag:s4] =	ssyncset.s32 $0xFFFFF086  }
0x25: {  	[simem:s6], [sflag:s4] =	dma.local [hbm:s3], $0xF7A  }
0x26: {  	[smem:$0x3F97] =	sst s1;
	(tag) =	ssettag s2;
	_ =	strace s9  }
0x27: {  	s1 =	sld [smem:$0x3FA7]  }
0x28: {  	s2 =	sld [smem:$0x3FA8]  }
0x29: {  	s4 =	sld [smem:$0x3FAA]  }
0x2a: {  	p0 =	seq.s32 s5, $0x0;
	s5 =	sld [smem:$0x3FAB]  }
0x2b: {  	s6 =	sld [smem:$0x3FAC]  }
0x2c: {  	s7 =	sld [smem:$0x3FAD]  }
0x2d: {  	s3 =	simm.s32 $0x108;
	s8 =	sld [smem:$0x3FAE]  }
0x2e: {  	s3 =	simm.s32 @!p0 $0x1082;
	s9 =	sld [smem:$0x3FAF]  }
0x2f: {  	lr =	sadd.s32 s0, s3;
	s0 =	sld [smem:$0x3FA6]  }
0x30: {  	s3 =	sld [smem:$0x3FA9]  }
0x31: {  	[smem:$0x3FB2] =	sst s10  }
0x32: {  	s10 =	sld [smem:$0x3FB0];
	_ =	sdelay $0x3  }
0x33: {  	p0 =	seq.s32 s10, $0x1;
	s10 =	sld [smem:$0x3FB2];
	_ =	sdelay $0x3  }
0x34: {  	[smem:$0x3FB2] =	sst s10  }
0x35: {  	s10 =	sld [smem:$0x3FB1];
	_ =	sdelay $0x3  }
0x36: {  	p1 =	seq.s32 s10, $0x1;
	s10 =	sld [smem:$0x3FB2];
	_ =	sdelay $0x3  }
0x37: {  	[smem:$0x3FB2] =	sst s10  }
0x38: {  	s10 =	sld [smem:$0x3FB3]  }
0x39: {  	_ = 	snop;
	(pc) =	sbr.ind lr, $3  }
0x3a: {  	_ = 	snop  }
0x3b: {  	_ = 	snop  }
0x3c: {  	p2 =	seq.s32 s10, $0x1;
	s10 =	sld [smem:$0x3FB2]  }
0x3d: {  	_ =	shalt  }
0x3e: {  	_ =	shalt  }
0x3f: {  	_ =	shalt  }
0x40: {  	_ =	shalt  }
0x41: {  	_ =	shalt  }
0x42: {  	_ =	shalt  }
0x43: {  	_ =	shalt  }
0x44: {  	_ =	shalt  }
0x45: {  	_ =	shalt  }
0x46: {  	_ =	shalt  }
0x47: {  	_ =	shalt  }
0x48: {  	_ =	shalt  }
0x49: {  	_ =	shalt  }
0x4a: {  	_ =	shalt  }
0x4b: {  	_ =	shalt  }
0x4c: {  	_ =	shalt  }
0x4d: {  	_ =	shalt  }
0x4e: {  	_ =	shalt  }
0x4f: {  	_ =	shalt  }
0x50: {  	_ =	shalt  }
0x51: {  	_ =	shalt  }
0x52: {  	_ =	shalt  }
0x53: {  	_ =	shalt  }
0x54: {  	_ =	shalt  }
0x55: {  	_ =	shalt  }
0x56: {  	_ =	shalt  }
0x57: {  	_ =	shalt  }
0x58: {  	_ =	shalt  }
0x59: {  	_ =	shalt  }
0x5a: {  	_ =	shalt  }
0x5b: {  	_ =	shalt  }
0x5c: {  	_ =	shalt  }
0x5d: {  	_ =	shalt  }
0x5e: {  	_ =	shalt  }
0x5f: {  	_ =	shalt  }
0x60: {  	_ =	shalt  }
0x61: {  	_ =	shalt  }
0x62: {  	_ =	shalt  }
0x63: {  	_ =	shalt  }
0x64: {  	_ =	shalt  }
0x65: {  	_ =	shalt  }
0x66: {  	_ =	shalt  }
0x67: {  	_ =	shalt  }
0x68: {  	_ =	shalt  }
0x69: {  	_ =	shalt  }
0x6a: {  	_ =	shalt  }
0x6b: {  	_ =	shalt  }
0x6c: {  	_ =	shalt  }
0x6d: {  	_ =	shalt  }
0x6e: {  	_ =	shalt  }
0x6f: {  	_ =	shalt  }
0x70: {  	_ =	shalt  }
0x71: {  	_ =	shalt  }
0x72: {  	_ =	shalt  }
0x73: {  	_ =	shalt  }
0x74: {  	_ =	shalt  }
0x75: {  	_ =	shalt  }
0x76: {  	_ =	shalt  }
0x77: {  	_ =	shalt  }
0x78: {  	_ =	shalt  }
0x79: {  	_ =	shalt  }
0x7a: {  	_ =	shalt  }
0x7b: {  	_ =	shalt  }
0x7c: {  	_ =	shalt  }
0x7d: {  	_ =	shalt  }
0x7e: {  	_ =	shalt  }
0x7f: {  	_ =	shalt  }
0x80: {  	_ =	shalt  }
0x81: {  	_ =	shalt  }
0x82: {  	_ =	shalt  }
0x83: {  	_ =	shalt  }
0x84: {  	_ =	shalt  }
0x85: {  	_ =	shalt  }
0x86: {  	_ =	shalt  }
0x87: {  	_ =	shalt  }
.Lfunc_end0:
.L_simem_size_0:
called_computation.1_lowered:
.L_overlay_start_0:
0x88: {  	s2 =	sld [smem:$0x3FD9]  }
0x89: {  	s3 =	sld [smem:$0x3FFE];
	_ =	sdelay $0x1  }
0x8a: {  	s1 =	srdreg.scid  }
0x8b: {  	s0 =	sand.u32 $0x1, s1  }
0x8c: {  	s17 =	sshll.u32 s0, $0xA;
	s2 =	sadd.s32 s3, s2  }
0x8d: {  	s2 =	sadd.s32 s2, s17  }
0x8e: {  	[smem:$0x3FBE] =	sst s2  }
0x8f: {  	_ = 	snop  }
0x90: {  	s2 =	sld [smem:$0x3FD0];
	(tm) =	ssettm $0x1  }
0x91: {  	s18 =	sld [smem:$0x3FFB];
	_ =	sdelay $0x3  }
0x92: {  	_ =	strace s18  }
0x93: {  	s3 =	sld [smem:$0x3FFC];
	_ =	sdelay $0x3  }
0x94: {  	_ =	strace s3  }
0x95: {  	s3 =	sld [smem:$0x3FFD];
	_ =	sdelay $0x3  }
0x96: {  	_ =	strace s3  }
0x97: {  	_ =	strace $0x8FFFFFFF  }
0x98: {  	s19 =	sld [smem:$0x3FDB];
	_ =	sdelay $0x1  }
0x99: {  	s4 =	simm.s32 $_scs_section_size  }
0x9a: {  	s5 =	simm.s32 $_size__tile_overlayer_lowered;
	s6 =	simm.s32 $_tile_overlayer_lowered  }
0x9b: {  	s22 =	simm.s32 $0x1BFF;
	s21 =	sshll.u32 s6, $0x1;
	s3 =	sadd.s32 s4, s19  }
0x9c: {  	s7 =	simm.s32 $0x0;
	s20 =	sshll.u32 s5, $0x1;
	s5 =	sadd.s32 s21, s3  }
0x9d: {  	[timem:s7], [sflag:s22] =	dma.local [hbm:s5], s20  }
0x9e: {  	_ =	swait.ge [sflag:s22], s20  }
0x9f: {  	s4 =	ssub.s32 $0x0, s20;
	[sflag:s22] =	ssyncset.done $0x0  }
0xa0: {  	[sflag:s22] =	ssyncadd.s32 s4;
	_ =	sdelay $0x1  }
0xa1: {  	s23 =	simm.s32 $0x1B8B  }
0xa2: {  	_ =	swait.ge [sflag:s23], $0x1  }
0xa3: {  	[sflag:s23] =	ssyncset.done $0x0  }
0xa4: {  	s25 =	simm.s32 $0x1B8E;
	s24 =	sld [smem:$0x3FFE];
	[sflag:s23] =	ssyncadd.s32 $0xFFFFFFFF  }
0xa5: {  	s26 =	simm.s32 $execute0_lowered;
	[smem:$0x3FD2] =	sst s25  }
0xa6: {  	s5 =	sshll.u32 s26, $0x1;
	_ =	strace $0x80000049;
	[dreg:$0x1] =	wrdreg $0xFFFFFFFF  }
0xa7: {  	s28 =	simm.s32 $_size_execute0_lowered;
	s3 =	sadd.s32 s3, s5;
	[dreg:$0x0] =	wrdreg $0x0  }
0xa8: {  	s5 =	sshll.u32 s28, $0x1;
	[dreg:$0x2] =	wrdreg s3  }
0xa9: {  	[dreg:$0x3] =	wrdreg s5  }
0xaa: {  	[dreg:$0x4] =	wrdreg $0xC0  }
0xab: {  	_ =	task [dreg:s7], $0x5FFFF  }
0xac: {  	[dreg:$0x1] =	wrdreg $0xFFFFFFFF  }
0xad: {  	[dreg:$0x0] =	wrdreg $0x60  }
0xae: {  	[dreg:$0x2] =	wrdreg s24  }
0xaf: {  	[dreg:$0x3] =	wrdreg s2  }
0xb0: {  	[dreg:$0x4] =	wrdreg $0x0  }
0xb1: {  	[dreg:$0x5] =	wrdreg $0x9  }
0xb2: {  	_ =	task.clear_ibuf [dreg:s7], $0x6FFFF;
	_ =	strace $0x90000049  }
0xb3: {  	s29 =	simm.s32 $0x9;
	_ =	strace $0x8000004B  }
0xb4: {  	_ =	swait.ge [sflag:s29], $0x1  }
0xb5: {  	[sflag:s29] =	ssyncadd.s32 $0xFFFFFFFF  }
0xb6: {  	_ =	strace $0x9000004B  }
0xb7: {  	_ =	sfence  }
0xb8: {  	s30 =	sld [smem:$0x0];
	_ =	sdelay $0x2  }
0xb9: {  	s31 =	sshll.u32 s1, $0xD;
	s1 =	sshrl.u32 s1, $0x2  }
0xba: {  	s3 =	sand.u32 $0x4000, s31;
	s1 =	sadd.s32 s1, s30  }
0xbb: {  	s0 =	sor.u32 s3, s0;
	s1 =	sshll.u32 s1, $0x11  }
0xbc: {  	s0 =	sor.u32 s1, s0  }
0xbd: {  	s0 =	sadd.s32 $0x8F2B, s0  }
0xbe: {  	[sflag:s0] =	ssyncadd.remote.s32 $0x1  }
0xbf: {  	_ =	sfence.sel $0xFFFF  }
0xc0: {  	[dreg:$0x0] =	wrdreg $0xFFFFFFFF;
	(pc) =	sbr.abs _section_cstart, $3  }
0xc1: {  	[dreg:$0x1] =	wrdreg $0xFFFFFFFF  }
0xc2: {  	_ =	task.clear_ibuf [dreg:s7], $0x2FFFF;
	_ =	strace $0x9FFFFFFF  }
0xc3: {  	(tm) =	ssettm $0x7FFFFFFF  }
tec
execute0_lowered:
.L_overlay_start_1:
0x0: {  	(tag) =	ssettag $0x1  }
0x1: {  	s0 =	rddreg [dreg:$0x0]  }
0x2: {  	s3 =	rddreg [dreg:$0x1]  }
0x3: {  	s1 =	rddreg [dreg:$0x2];
	s2 =	simm.s32 $0x0;
	s4 =	srdreg.scid  }
0x4: {  	s16 =	stileid.u32;
	s29 =	simm.s32 $0x14200;
	s30 =	simm.s32 $0x3  }
0x5: {  	s31 =	simm.s32 $0x14000;
	[smem:$0x7FF] =	sst s2;
	s5 =	sadd.s32 $0x2800, s0  }
0x6: {  	s4 =	sand.u32 $0x1, s4;
	s6 =	sshll.u32 s16, $0x1;
	s8 =	smul.u32 $0x14000, s16  }
0x7: {  	s9 =	sadd.s32 $0x33800, s0;
	s7 =	ssub.s32 $0x2, s4;
	s12 =	smul.u32 $0x140000, s4  }
0x8: {  	s6 =	sor.u32 s4, s6;
	s4 =	smul.u32 $0x2710, s4;
	s10 =	sshrl.u32 s7, $0x1  }
0x9: {  	s6 =	smul.u32 $0x2710, s6;
	s11 =	sadd.s32 $0x5000, s8;
	s13 =	sadd.s32 $0x7800, s8  }
0xa: {  	s23 =	sadd.s32 $0xA000, s8;
	s24 =	sadd.s32 $0xC800, s8;
	s25 =	sadd.s32 $0xF000, s8  }
0xb: {  	s26 =	sadd.s32 $0x11800, s8;
	s7 =	ssub.s32 s7, s10;
	s10 =	sor.u32 $0x2800, s8  }
0xc: {  	s15 =	sadd.s32 s8, s12;
	s18 =	sadd.s32 s12, s11;
	s21 =	sadd.s32 s12, s13  }
0xd: {  	s22 =	sadd.s32 s12, s23;
	s23 =	sadd.s32 s23, s1;
	s6 =	sshrl.u32 s6, $0x3  }
0xe: {  	s17 =	sadd.s32 s12, s10;
	s20 =	sshrl.u32 s18, $0x3;
	s6 =	sadd.s32 $0x4D8, s6  }
0xf: {  	s8 =	sshrl.u32 s17, $0x3;
	s17 =	sadd.s32 s12, s25;
	s14 =	sadd.s32 s3, s6  }
0x10: {  	s25 =	sadd.s32 s25, s1;
	s6 =	sadd.s32 s5, s6;
	[dreg:$0x4] =	wrdreg s14  }
0x11: {  	s19 =	sadd.s32 s9, s8;
	s8 =	sshrl.u32 s21, $0x3;
	[dreg:$0x5] =	wrdreg s6  }
0x12: {  	s21 =	smul.u32 $0x50000, s16;
	s6 =	sshrl.u32 s15, $0x3;
	[dreg:$0x7] =	wrdreg s19  }
0x13: {  	s15 =	smul.u32 $0x4E20, s16;
	s14 =	sshrl.u32 s22, $0x3;
	s28 =	sadd.s32 s9, s8  }
0x14: {  	s6 =	sadd.s32 s9, s6;
	[dreg:$0x9] =	wrdreg s28;
	s8 =	sadd.s32 s9, s14  }
0x15: {  	s14 =	sadd.s32 s12, s24;
	s12 =	sadd.s32 s12, s26;
	s22 =	sshrl.u32 s21, $0x2  }
0x16: {  	s21 =	sadd.s32 s11, s1;
	s24 =	sadd.s32 s24, s1;
	s26 =	sadd.s32 s26, s1  }
0x17: {  	s28 =	smax.u32 s7, $0x1;
	s7 =	simm.s32 $0x2;
	[dreg:$0x6] =	wrdreg s6  }
0x18: {  	s6 =	sadd.s32 s9, s20;
	[dreg:$0xa] =	wrdreg s8;
	s4 =	sadd.s32 s4, s15  }
0x19: {  	s8 =	sshrl.u32 s17, $0x3;
	s19 =	sshrl.u32 s12, $0x3;
	[dreg:$0x8] =	wrdreg s6  }
0x1a: {  	s6 =	sshrl.u32 s14, $0x3;
	s18 =	sadd.s32 s9, s8;
	s20 =	sshrl.u32 s4, $0x3  }
0x1b: {  	s4 =	sadd.s32 $0x50, s4;
	s8 =	simm.s32 $0x0;
	s6 =	sadd.s32 s9, s6  }
0x1c: {  	[dreg:$0xc] =	wrdreg s18;
	s4 =	sshrl.u32 s4, $0x3;
	s14 =	sadd.s32 s20, s5  }
0x1d: {  	s15 =	sadd.s32 s20, s3;
	s18 =	sadd.s32 $0xC600, s0;
	s20 =	sadd.s32 s10, s1  }
0x1e: {  	s0 =	simm.s32 $0x14080;
	[dreg:$0xb] =	wrdreg s6;
	s6 =	sadd.s32 s9, s19  }
0x1f: {  	s16 =	sadd.s32 s4, s5;
	s17 =	sadd.s32 s4, s3;
	s19 =	sadd.s32 s22, s1  }
0x20: {  	s22 =	sadd.s32 s13, s1;
	s13 =	simm.s32 $0x50;
	s3 =	simm.s32 $0x14100  }
0x21: {  	s4 =	simm.s32 $0x1;
	s5 =	simm.s32 $0x16A00;
	[dreg:$0xd] =	wrdreg s6  }
0x22: {  	v0 =	vimm.f32 $0.0e+00;
	s6 =	simm.s32 $0x14180;
	_ =	strace $0x8000004A;
	[dreg:$0xe] =	wrdreg s28  }
.LBB2_1:
0x23: {  	s9 =	sand.u32 $0xFE00, s2  }
0x24: {  	s10 =	sand.u32 $0x70, s2;
	s11 =	sshrl.u32 s9, $0x2  }
0x25: {  	s9 =	simm.s32 $0x40;
	s11 =	sor.u32 s10, s11;
	s10 =	simm.s32 $0x0  }
.LBB2_2:
0x26: {  	p0 =	sne.s32 s9, $0x9FC0  }
0x27: {  	[tilespmem:s11+$0x14200] =	vst v0;
	s10 =	sadd.s32 $0x10, s10;
	s11 =	smov.u32 s9;
	s9 =	sadd.s32 $0x40, s9  }
.Ltmp0:
0x28: {  	(pc) =	sbr.rel @p0 .LBB2_2-.Ltmp0, $4  }
0x29: {  	_ = 	snop  }
0x2a: {  	s11 =	sand.u32 $0xFE00, s11  }
0x2b: {  	s12 =	sand.u32 $0x70, s10;
	s11 =	sshrl.u32 s11, $0x2  }
0x2c: {  	s11 =	sor.u32 s12, s11  }
0x2d: {  	[tilespmem:s11+$0x14200] =	vst v0  }
0x2e: {  	[spmem:s19] =	stream.linear.scatter [tilespmem:s29], [sflag:$0x3], $0x2800, $0x38;
	[tilespmem:$0x19200] =	vst v63  }
0x2f: {  	_ =	swait.ge [sflag:s30], $0x2800  }
0x30: {  	[sflag:s30] =	ssyncset.done $0x0  }
0x31: {  	[sflag:s30] =	ssyncadd.s32 $0xFFFFD800  }
0x32: {  	[spmem:s20] =	stream.linear.scatter [tilespmem:s29], [sflag:$0x3], $0x2800, $0x38;
	[tilespmem:$0x19200] =	vst v63  }
0x33: {  	_ =	swait.ge [sflag:s30], $0x2800  }
0x34: {  	[sflag:s30] =	ssyncset.done $0x0  }
0x35: {  	[sflag:s30] =	ssyncadd.s32 $0xFFFFD800  }
0x36: {  	[spmem:s21] =	stream.linear.scatter [tilespmem:s29], [sflag:$0x3], $0x2800, $0x38;
	[tilespmem:$0x19200] =	vst v63  }
0x37: {  	_ =	swait.ge [sflag:s30], $0x2800  }
0x38: {  	[sflag:s30] =	ssyncset.done $0x0  }
0x39: {  	[sflag:s30] =	ssyncadd.s32 $0xFFFFD800  }
0x3a: {  	[spmem:s22] =	stream.linear.scatter [tilespmem:s29], [sflag:$0x3], $0x2800, $0x38;
	[tilespmem:$0x19200] =	vst v63  }
0x3b: {  	_ =	swait.ge [sflag:s30], $0x2800  }
0x3c: {  	[sflag:s30] =	ssyncset.done $0x0  }
0x3d: {  	[sflag:s30] =	ssyncadd.s32 $0xFFFFD800  }
0x3e: {  	[spmem:s23] =	stream.linear.scatter [tilespmem:s29], [sflag:$0x3], $0x2800, $0x38;
	[tilespmem:$0x19200] =	vst v63  }
0x3f: {  	_ =	swait.ge [sflag:s30], $0x2800  }
0x40: {  	[sflag:s30] =	ssyncset.done $0x0  }
0x41: {  	[sflag:s30] =	ssyncadd.s32 $0xFFFFD800  }
0x42: {  	[spmem:s24] =	stream.linear.scatter [tilespmem:s29], [sflag:$0x3], $0x2800, $0x38;
	[tilespmem:$0x19200] =	vst v63  }
0x43: {  	_ =	swait.ge [sflag:s30], $0x2800  }
0x44: {  	[sflag:s30] =	ssyncset.done $0x0  }
0x45: {  	[sflag:s30] =	ssyncadd.s32 $0xFFFFD800  }
0x46: {  	[spmem:s25] =	stream.linear.scatter [tilespmem:s29], [sflag:$0x3], $0x2800, $0x38;
	[tilespmem:$0x19200] =	vst v63  }
0x47: {  	_ =	swait.ge [sflag:s30], $0x2800  }
0x48: {  	[sflag:s30] =	ssyncset.done $0x0  }
0x49: {  	[sflag:s30] =	ssyncadd.s32 $0xFFFFD800  }
0x4a: {  	[spmem:s26] =	stream.linear.scatter [tilespmem:s29], [sflag:$0x3], $0x2800, $0x38;
	[tilespmem:$0x19200] =	vst v63  }
0x4b: {  	_ =	swait.ge [sflag:s30], $0x2800  }
0x4c: {  	[sflag:s30] =	ssyncset.done $0x0  }
0x4d: {  	[sflag:s30] =	ssyncadd.s32 $0xFFFFD800  }
0x4e: {  	s9 =	sadd.s32 $0x0, s15;
	[bflag:$0x0] =	sbarrier.arrive $0xFFFF  }
0x4f: {  	[tilespmem:s31], [sflag:$0x3] =	stream.linear.gather [hbm4b:s9+s2], $0x50, $0x38;
	[tilespmem:$0x19200] =	vst v63  }
0x50: {  	_ =	swait.ge [sflag:s30], $0x50  }
0x51: {  	[sflag:s30] =	ssyncset.done $0x0  }
0x52: {  	[sflag:s30] =	ssyncadd.s32 $0xFFFFFFB0  }
0x53: {  	[tilespmem:s29], [sflag:$0x1] =	stream.indirect.gather [hbm4b:s18+s13], $0x80, s31, s13, $0xb8;
	[tilespmem:$0x19200] =	vst v63  }
0x54: {  	s11 =	sadd.s32 $0x0, s17  }
0x55: {  	[tilespmem:s0], [sflag:$0x3] =	stream.linear.gather [hbm4b:s11+s2], $0x50, $0x38;
	[tilespmem:$0x19200] =	vst v63  }
0x56: {  	_ =	swait.ge [sflag:s30], $0x50  }
0x57: {  	[sflag:s30] =	ssyncset.done $0x0  }
0x58: {  	s12 =	sadd.s32 $0x0, s14;
	[sflag:s30] =	ssyncadd.s32 $0xFFFFFFB0  }
0x59: {  	[tilespmem:s3], [sflag:$0x3] =	stream.linear.gather [hbm4b:s12+s2], $0x50, $0x38;
	[tilespmem:$0x19200] =	vst v63  }
0x5a: {  	_ =	swait.ge [sflag:s30], $0x50  }
0x5b: {  	[sflag:s30] =	ssyncset.done $0x0  }
0x5c: {  	[sflag:s30] =	ssyncadd.s32 $0xFFFFFFB0  }
0x5d: {  	_ =	swait.ge [sflag:s4], $0x2800  }
0x5e: {  	[sflag:s4] =	ssyncset.done $0x0  }
0x5f: {  	[sflag:s4] =	ssyncadd.s32 $0xFFFFD800  }
0x60: {  	[tilespmem:s5], [sflag:$0x1] =	stream.indirect.gather [hbm4b:s18+s13], $0x80, s0, s13, $0xb8;
	[tilespmem:$0x19200] =	vst v63  }
0x61: {  	_ = 	snop  }
0x62: {  	[spmem:s1] =	stream.indirect.scatter.add.f32 [tilespmem:s29], [sflag:$0x2], $0x80, s3, s13, $0xb8;
	[tilespmem:$0x19200] =	vst v63  }
0x63: {  	s28 =	sadd.s32 $0x0, s16  }
0x64: {  	[tilespmem:s6], [sflag:$0x3] =	stream.linear.gather [hbm4b:s28+s2], $0x50, $0x38;
	[tilespmem:$0x19200] =	vst v63  }
0x65: {  	_ =	swait.ge [sflag:s30], $0x50  }
0x66: {  	[sflag:s30] =	ssyncset.done $0x0  }
0x67: {  	[sflag:s30] =	ssyncadd.s32 $0xFFFFFFB0  }
0x68: {  	_ =	swait.ge [sflag:s4], $0x2800  }
0x69: {  	[sflag:s4] =	ssyncset.done $0x0  }
0x6a: {  	[sflag:s4] =	ssyncadd.s32 $0xFFFFD800  }
0x6b: {  	_ =	swait.ge [sflag:s7], $0x2800  }
0x6c: {  	[sflag:s7] =	ssyncset.done $0x0  }
0x6d: {  	[sflag:s7] =	ssyncadd.s32 $0xFFFFD800  }
0x6e: {  	[spmem:s1] =	stream.indirect.scatter.add.f32 [tilespmem:s5], [sflag:$0x3], $0x80, s6, s13, $0xb8;
	[tilespmem:$0x19200] =	vst v63  }
0x6f: {  	_ =	swait.ge [sflag:s30], $0x2800  }
0x70: {  	s10 =	simm.s32 $0x28;
	s9 =	simm.s32 $0x14;
	[sflag:s30] =	ssyncset.done $0x0  }
.LBB2_4:
0x71: {  	s12 =	sadd.s32 s9, s15  }
0x72: {  	[sflag:s30] =	ssyncadd.s32 $0xFFFFD800;
	s28 =	smov.u32 s10;
	s11 =	sadd.s32 $0x14, s10  }
0x73: {  	[tilespmem:s31], [sflag:$0x3] =	stream.linear.gather [hbm4b:s12+s2], $0x50, $0x38;
	[tilespmem:$0x19200] =	vst v63  }
0x74: {  	p0 =	sne.s32 s10, $0x4C4;
	_ =	swait.ge [sflag:s30], $0x50  }
0x75: {  	[sflag:s30] =	ssyncset.done $0x0  }
0x76: {  	[sflag:s30] =	ssyncadd.s32 $0xFFFFFFB0  }
0x77: {  	[tilespmem:s29], [sflag:$0x1] =	stream.indirect.gather [hbm4b:s18+s13], $0x80, s31, s13, $0xb8;
	[tilespmem:$0x19200] =	vst v63  }
0x78: {  	s10 =	sadd.s32 s9, s17  }
0x79: {  	[tilespmem:s0], [sflag:$0x3] =	stream.linear.gather [hbm4b:s10+s2], $0x50, $0x38;
	[tilespmem:$0x19200] =	vst v63  }
0x7a: {  	_ =	swait.ge [sflag:s30], $0x50  }
0x7b: {  	[sflag:s30] =	ssyncset.done $0x0  }
0x7c: {  	s10 =	sadd.s32 s9, s14;
	[sflag:s30] =	ssyncadd.s32 $0xFFFFFFB0  }
0x7d: {  	[tilespmem:s3], [sflag:$0x3] =	stream.linear.gather [hbm4b:s10+s2], $0x50, $0x38;
	[tilespmem:$0x19200] =	vst v63  }
0x7e: {  	_ =	swait.ge [sflag:s30], $0x50  }
0x7f: {  	[sflag:s30] =	ssyncset.done $0x0  }
0x80: {  	[sflag:s30] =	ssyncadd.s32 $0xFFFFFFB0  }
0x81: {  	_ =	swait.ge [sflag:s4], $0x2800  }
0x82: {  	[sflag:s4] =	ssyncset.done $0x0  }
0x83: {  	[sflag:s4] =	ssyncadd.s32 $0xFFFFD800  }
0x84: {  	[tilespmem:s5], [sflag:$0x1] =	stream.indirect.gather [hbm4b:s18+s13], $0x80, s0, s13, $0xb8;
	[tilespmem:$0x19200] =	vst v63  }
0x85: {  	_ = 	snop  }
0x86: {  	[spmem:s1] =	stream.indirect.scatter.add.f32 [tilespmem:s29], [sflag:$0x2], $0x80, s3, s13, $0xb8;
	[tilespmem:$0x19200] =	vst v63  }
0x87: {  	s10 =	sadd.s32 s9, s16;
	s9 =	smov.u32 s28  }
0x88: {  	[tilespmem:s6], [sflag:$0x3] =	stream.linear.gather [hbm4b:s10+s2], $0x50, $0x38;
	[tilespmem:$0x19200] =	vst v63  }
0x89: {  	_ =	swait.ge [sflag:s30], $0x50  }
0x8a: {  	[sflag:s30] =	ssyncset.done $0x0  }
0x8b: {  	[sflag:s30] =	ssyncadd.s32 $0xFFFFFFB0  }
0x8c: {  	_ =	swait.ge [sflag:s4], $0x2800  }
0x8d: {  	[sflag:s4] =	ssyncset.done $0x0  }
0x8e: {  	[sflag:s4] =	ssyncadd.s32 $0xFFFFD800  }
0x8f: {  	_ =	swait.ge [sflag:s7], $0x2800  }
.Ltmp1:
0x90: {  	[sflag:s7] =	ssyncset.done $0x0;
	(pc) =	sbr.rel @p0 .LBB2_4-.Ltmp1, $4  }
0x91: {  	[sflag:s7] =	ssyncadd.s32 $0xFFFFD800  }
0x92: {  	[spmem:s1] =	stream.indirect.scatter.add.f32 [tilespmem:s5], [sflag:$0x3], $0x80, s6, s13, $0xb8;
	[tilespmem:$0x19200] =	vst v63  }
0x93: {  	_ =	swait.ge [sflag:s30], $0x2800  }
0x94: {  	s10 =	smov.u32 s11;
	[sflag:s30] =	ssyncset.done $0x0  }
0x95: {  	s10 =	sadd.s32 s9, s15;
	[sflag:s30] =	ssyncadd.s32 $0xFFFFD800  }
0x96: {  	[tilespmem:s31], [sflag:$0x3] =	stream.linear.gather [hbm4b:s10+s2], $0x50, $0x38;
	[tilespmem:$0x19200] =	vst v63  }
0x97: {  	_ =	swait.ge [sflag:s30], $0x50  }
0x98: {  	[sflag:s30] =	ssyncset.done $0x0  }
0x99: {  	[sflag:s30] =	ssyncadd.s32 $0xFFFFFFB0  }
0x9a: {  	[tilespmem:s29], [sflag:$0x1] =	stream.indirect.gather [hbm4b:s18+s13], $0x80, s31, s13, $0xb8;
	[tilespmem:$0x19200] =	vst v63  }
0x9b: {  	s11 =	sadd.s32 s9, s17  }
0x9c: {  	[tilespmem:s0], [sflag:$0x3] =	stream.linear.gather [hbm4b:s11+s2], $0x50, $0x38;
	[tilespmem:$0x19200] =	vst v63  }
0x9d: {  	_ =	swait.ge [sflag:s30], $0x50  }
0x9e: {  	[sflag:s30] =	ssyncset.done $0x0  }
0x9f: {  	s12 =	sadd.s32 s9, s14;
	[sflag:s30] =	ssyncadd.s32 $0xFFFFFFB0  }
0xa0: {  	[tilespmem:s3], [sflag:$0x3] =	stream.linear.gather [hbm4b:s12+s2], $0x50, $0x38;
	[tilespmem:$0x19200] =	vst v63  }
0xa1: {  	_ =	swait.ge [sflag:s30], $0x50  }
0xa2: {  	[sflag:s30] =	ssyncset.done $0x0  }
0xa3: {  	[sflag:s30] =	ssyncadd.s32 $0xFFFFFFB0  }
0xa4: {  	_ =	swait.ge [sflag:s4], $0x2800  }
0xa5: {  	[sflag:s4] =	ssyncset.done $0x0  }
0xa6: {  	[sflag:s4] =	ssyncadd.s32 $0xFFFFD800  }
0xa7: {  	[tilespmem:s5], [sflag:$0x1] =	stream.indirect.gather [hbm4b:s18+s13], $0x80, s0, s13, $0xb8;
	[tilespmem:$0x19200] =	vst v63  }
0xa8: {  	_ = 	snop  }
0xa9: {  	[spmem:s1] =	stream.indirect.scatter.add.f32 [tilespmem:s29], [sflag:$0x2], $0x80, s3, s13, $0xb8;
	[tilespmem:$0x19200] =	vst v63  }
0xaa: {  	s28 =	sadd.s32 s9, s16  }
0xab: {  	[tilespmem:s6], [sflag:$0x3] =	stream.linear.gather [hbm4b:s28+s2], $0x50, $0x38;
	[tilespmem:$0x19200] =	vst v63  }
0xac: {  	_ =	swait.ge [sflag:s30], $0x50  }
0xad: {  	[sflag:s30] =	ssyncset.done $0x0  }
0xae: {  	[sflag:s30] =	ssyncadd.s32 $0xFFFFFFB0  }
0xaf: {  	_ =	swait.ge [sflag:s4], $0x2800  }
0xb0: {  	[sflag:s4] =	ssyncset.done $0x0  }
0xb1: {  	[sflag:s4] =	ssyncadd.s32 $0xFFFFD800  }
0xb2: {  	_ =	swait.ge [sflag:s7], $0x2800  }
0xb3: {  	[sflag:s7] =	ssyncset.done $0x0  }
0xb4: {  	[sflag:s7] =	ssyncadd.s32 $0xFFFFD800  }
0xb5: {  	[spmem:s1] =	stream.indirect.scatter.add.f32 [tilespmem:s5], [sflag:$0x3], $0x80, s6, s13, $0xb8;
	[tilespmem:$0x19200] =	vst v63  }
0xb6: {  	_ =	swait.ge [sflag:s30], $0x2800  }
0xb7: {  	[sflag:s30] =	ssyncset.done $0x0  }
0xb8: {  	s10 =	rddreg [dreg:$0x4];
	[sflag:s30] =	ssyncadd.s32 $0xFFFFD800  }
0xb9: {  	[tilespmem:s31], [sflag:$0x3] =	stream.linear.gather [hbm4b:s10+s2], $0x50, $0x38;
	[tilespmem:$0x19200] =	vst v63  }
0xba: {  	_ =	swait.ge [sflag:s30], $0x50  }
0xbb: {  	[sflag:s30] =	ssyncset.done $0x0  }
0xbc: {  	[sflag:s30] =	ssyncadd.s32 $0xFFFFFFB0  }
0xbd: {  	[tilespmem:s29], [sflag:$0x1] =	stream.indirect.gather [hbm4b:s18+s13], $0x80, s31, s13, $0xb8;
	[tilespmem:$0x19200] =	vst v63  }
0xbe: {  	_ =	swait.ge [sflag:s4], $0x2800  }
0xbf: {  	[sflag:s4] =	ssyncset.done $0x0  }
0xc0: {  	s11 =	rddreg [dreg:$0x5];
	[sflag:s4] =	ssyncadd.s32 $0xFFFFD800  }
0xc1: {  	[tilespmem:s3], [sflag:$0x3] =	stream.linear.gather [hbm4b:s11+s2], $0x50, $0x38;
	[tilespmem:$0x19200] =	vst v63  }
0xc2: {  	_ =	swait.ge [sflag:s30], $0x50  }
0xc3: {  	[sflag:s30] =	ssyncset.done $0x0  }
0xc4: {  	[sflag:s30] =	ssyncadd.s32 $0xFFFFFFB0  }
0xc5: {  	[spmem:s1] =	stream.indirect.scatter.add.f32 [tilespmem:s29], [sflag:$0x3], $0x80, s3, s13, $0xb8;
	[tilespmem:$0x19200] =	vst v63  }
0xc6: {  	_ =	swait.ge [sflag:s30], $0x2800  }
0xc7: {  	[sflag:s30] =	ssyncset.done $0x0  }
0xc8: {  	s12 =	stileid.u32;
	[sflag:s30] =	ssyncadd.s32 $0xFFFFD800  }
0xc9: {  	s9 =	sshll.u32 s12, $0x6;
	[bflag:$0x0] =	sbarrier.arrive $0xFFFF  }
0xca: {  	s9 =	sor.u32 $0x1C03, s9;
	s28 =	sshrl.u32 s19, $0x3;
	s11 =	rddreg [dreg:$0x6]  }
0xcb: {  	[hbm:s11], [sflag:s9] =	dma.local [spmem:s28], $0x500  }
0xcc: {  	_ =	swait.ge [sflag:s30], $0x500  }
0xcd: {  	[sflag:s30] =	ssyncset.done $0x0  }
0xce: {  	s12 =	sshrl.u32 s20, $0x3;
	s28 =	rddreg [dreg:$0x7];
	[sflag:s30] =	ssyncadd.s32 $0xFFFFFB00  }
0xcf: {  	[hbm:s28], [sflag:s9] =	dma.local [spmem:s12], $0x500  }
0xd0: {  	_ =	swait.ge [sflag:s30], $0x500  }
0xd1: {  	[sflag:s30] =	ssyncset.done $0x0  }
0xd2: {  	s12 =	sshrl.u32 s21, $0x3;
	s28 =	rddreg [dreg:$0x8];
	[sflag:s30] =	ssyncadd.s32 $0xFFFFFB00  }
0xd3: {  	[hbm:s28], [sflag:s9] =	dma.local [spmem:s12], $0x500  }
0xd4: {  	_ =	swait.ge [sflag:s30], $0x500  }
0xd5: {  	[sflag:s30] =	ssyncset.done $0x0  }
0xd6: {  	s12 =	sshrl.u32 s22, $0x3;
	s28 =	rddreg [dreg:$0x9];
	[sflag:s30] =	ssyncadd.s32 $0xFFFFFB00  }
0xd7: {  	[hbm:s28], [sflag:s9] =	dma.local [spmem:s12], $0x500  }
0xd8: {  	_ =	swait.ge [sflag:s30], $0x500  }
0xd9: {  	[sflag:s30] =	ssyncset.done $0x0  }
0xda: {  	s12 =	sshrl.u32 s23, $0x3;
	s28 =	rddreg [dreg:$0xa];
	[sflag:s30] =	ssyncadd.s32 $0xFFFFFB00  }
0xdb: {  	[hbm:s28], [sflag:s9] =	dma.local [spmem:s12], $0x500  }
0xdc: {  	_ =	swait.ge [sflag:s30], $0x500  }
0xdd: {  	[sflag:s30] =	ssyncset.done $0x0  }
0xde: {  	s12 =	sshrl.u32 s24, $0x3;
	s28 =	rddreg [dreg:$0xb];
	[sflag:s30] =	ssyncadd.s32 $0xFFFFFB00  }
0xdf: {  	[hbm:s28], [sflag:s9] =	dma.local [spmem:s12], $0x500  }
0xe0: {  	_ =	swait.ge [sflag:s30], $0x500  }
0xe1: {  	[sflag:s30] =	ssyncset.done $0x0  }
0xe2: {  	s12 =	sshrl.u32 s25, $0x3;
	s28 =	rddreg [dreg:$0xc];
	[sflag:s30] =	ssyncadd.s32 $0xFFFFFB00  }
0xe3: {  	[hbm:s28], [sflag:s9] =	dma.local [spmem:s12], $0x500  }
0xe4: {  	_ =	swait.ge [sflag:s30], $0x500  }
0xe5: {  	[sflag:s30] =	ssyncset.done $0x0  }
0xe6: {  	s11 =	sshrl.u32 s26, $0x3;
	s12 =	rddreg [dreg:$0xd];
	[sflag:s30] =	ssyncadd.s32 $0xFFFFFB00  }
0xe7: {  	[hbm:s12], [sflag:s9] =	dma.local [spmem:s11], $0x500  }
0xe8: {  	_ =	swait.ge [sflag:s30], $0x500  }
0xe9: {  	s8 =	sadd.s32 $0x1, s8;
	s28 =	rddreg [dreg:$0xe]  }
0xea: {  	p0 =	sne.s32 s8, s28  }
.Ltmp2:
0xeb: {  	_ = 	snop;
	(pc) =	sbr.rel @p0 .LBB2_1-.Ltmp2, $3  }
0xec: {  	_ =	sdelay $0x1  }
0xed: {  	[sflag:s30] =	ssyncset.done $0x0  }
0xee: {  	[sflag:s30] =	ssyncadd.s32 $0xFFFFFB00  }
0xef: {  	_ =	sfence.sel $0x180000  }
0xf0: {  	[bflag:$0x0] =	sbarrier.arrive $0xFFFF  }
0xf1: {  	_ =	strace $0x9000004A  }
0xf2: {  	s0 =	stileid.u32;
	[bflag:$0x2] =	sbarrier.arrive $0xFFFF  }
0xf3: {  	p0 =	sne.s32 s0, $0x0;
	s0 =	rddreg [dreg:$0x3]  }
0xf4: {  	s0 =	sadd.s32 @!p0 $0x100000, s0  }
0xf5: {  	[sflag:s0] =	ssyncadd.tile.s32 @!p0 $0x1;
	_ =	shalt  }
.Lfunc_end2:
_tile_overlayer_lowered:
.L_overlay_start_2:
0xf6: {  	(tag) =	ssettag $0x2  }
0xf7: {  	s0 =	rddreg [dreg:$0x0];
	s2 =	stileid.u32  }
0xf8: {  	s1 =	rddreg [dreg:$0x1];
	p0 =	sne.s32 s2, $0x0  }
0xf9: {  	s3 =	rddreg [dreg:$0x2];
	[bflag:$0x3] =	sbarrier.arrive $0xFFFF;
	s2 =	simm.s32 @!p0 $0x1C03  }
0xfa: {  	[timem:s3], [sflag:s2] =	dma.local @!p0 [hbm:s0], s1  }
0xfb: {  	s0 =	simm.s32 @!p0 $0x3  }
0xfc: {  	_ =	swait.ge @!p0 [sflag:s0], s1  }
0xfd: {  	s1 =	ssub.s32 @!p0 $0x0, s1;
	[sflag:s0] =	ssyncset.done @!p0 $0x0  }
0xfe: {  	[sflag:s0] =	ssyncadd.s32 @!p0 s1  }
0xff: {  	[bflag:$0x3] =	sbarrier.arrive $0xFFFF  }
0x100: {  	_ =	shalt  }

// kernel: kernel.16.cloned.1.call-start
scs
__scs_entry_jumppad:
0x0: {  	(pc) =	sbr.rel $0x88, $3  }
0x1: {  	(tag) =	ssettag $0x0;
	lr =	simm.s32 $0x1  }
0x2: {  	[smem:$0x3F97] =	sst lr;
	_ =	strace $0xD0000000  }
0x3: {  	_ = 	snop  }
0x4: {  	_ = 	snop  }
0x5: {  	_ = 	snop  }
0x6: {  	_ = 	snop  }
0x7: {  	_ = 	snop  }
__scs_overlays_trampoline_lowered:
0x8: {  	[smem:$0x3FA6] =	sst s0  }
0x9: {  	[smem:$0x3FA7] =	sst s1  }
0xa: {  	[smem:$0x3FA8] =	sst s2  }
0xb: {  	[smem:$0x3FA9] =	sst s3  }
0xc: {  	[smem:$0x3FAA] =	sst s4  }
0xd: {  	[smem:$0x3FAB] =	sst s5  }
0xe: {  	[smem:$0x3FAC] =	sst s6  }
0xf: {  	[smem:$0x3FAD] =	sst s7  }
0x10: {  	[smem:$0x3FAE] =	sst s8  }
0x11: {  	[smem:$0x3FAF] =	sst s9;
	s0 =	simm.s32 @!p0 $0x0  }
0x12: {  	s1 =	sld [smem:$0x3F95];
	s0 =	simm.s32 @p0 $0x1  }
0x13: {  	[smem:$0x3FB0] =	sst s0;
	s0 =	simm.s32 @!p1 $0x0  }
0x14: {  	s2 =	sld [smem:$0x3F94];
	s0 =	simm.s32 @p1 $0x1  }
0x15: {  	[smem:$0x3FB1] =	sst s0;
	s0 =	simm.s32 @!p2 $0x0  }
0x16: {  	s3 =	sld [smem:$0x3FDB];
	s0 =	simm.s32 @p2 $0x1  }
0x17: {  	s4 =	simm.s32 $0x1BF5;
	[smem:$0x3FB3] =	sst s0  }
0x18: {  	s0 =	sld [smem:$0x3F96];
	_ =	swait.ge [sflag:s4], $0x0  }
0x19: {  	s7 =	sld [smem:$0x3F97]  }
0x1a: {  	s8 =	sadd.s32 $0xFFFFE003, lr  }
0x1b: {  	s9 =	sadd.s32 $0xFFFFFEF7, lr;
	s5 =	simm.s32 $0xFFFFFFFF;
	p2 =	slt.u32 s8, $0xFFFFF086  }
0x1c: {  	p1 =	slt.u32 s9, $0xF7A;
	s5 =	simm.s32 @!p2 $0x0  }
0x1d: {  	s5 =	simm.s32 @p1 $0x1;
	p0 =	seq.s32 s7, s2  }
0x1e: {  	s7 =	smul.u32 @!p0 $0xF7A, s2;
	p2 =	seq.s32 @!p0 s5, $0x0  }
0x1f: {  	s9 =	smul.u32 $0xF7A, s1;
	s8 =	simm.s32 @!p0 $0x1BF5;
	p2 =	por !p2, p0  }
0x20: {  	[sflag:s8] =	ssyncset.s32 @!p0 $0xFFFFF086;
	s6 =	sadd.s32 @!p0 s3, s7;
	s7 =	simm.s32 @!p0 $0x108  }
0x21: {  	s3 =	sadd.s32 s3, s9;
	s6 =	sadd.s32 @!p0 $0x88, s6;
	s7 =	simm.s32 @p2 $0x1082  }
0x22: {  	[simem:s7], [sflag:s8] =	dma.local @!p0 [hbm:s6], $0xF7A  }
0x23: {  	s9 =	sor.u32 $0xD0000000, s2;
	s6 =	simm.s32 $0x108;
	_ =	swait.ge @!p0 [sflag:s8], $0x0  }
0x24: {  	s3 =	sadd.s32 $0x88, s3;
	s6 =	simm.s32 @!p1 $0x1082;
	[sflag:s4] =	ssyncset.s32 $0xFFFFF086  }
0x25: {  	[simem:s6], [sflag:s4] =	dma.local [hbm:s3], $0xF7A  }
0x26: {  	[smem:$0x3F97] =	sst s1;
	(tag) =	ssettag s2;
	_ =	strace s9  }
0x27: {  	s1 =	sld [smem:$0x3FA7]  }
0x28: {  	s2 =	sld [smem:$0x3FA8]  }
0x29: {  	s4 =	sld [smem:$0x3FAA]  }
0x2a: {  	p0 =	seq.s32 s5, $0x0;
	s5 =	sld [smem:$0x3FAB]  }
0x2b: {  	s6 =	sld [smem:$0x3FAC]  }
0x2c: {  	s7 =	sld [smem:$0x3FAD]  }
0x2d: {  	s3 =	simm.s32 $0x108;
	s8 =	sld [smem:$0x3FAE]  }
0x2e: {  	s3 =	simm.s32 @!p0 $0x1082;
	s9 =	sld [smem:$0x3FAF]  }
0x2f: {  	lr =	sadd.s32 s0, s3;
	s0 =	sld [smem:$0x3FA6]  }
0x30: {  	s3 =	sld [smem:$0x3FA9]  }
0x31: {  	[smem:$0x3FB2] =	sst s10  }
0x32: {  	s10 =	sld [smem:$0x3FB0];
	_ =	sdelay $0x3  }
0x33: {  	p0 =	seq.s32 s10, $0x1;
	s10 =	sld [smem:$0x3FB2];
	_ =	sdelay $0x3  }
0x34: {  	[smem:$0x3FB2] =	sst s10  }
0x35: {  	s10 =	sld [smem:$0x3FB1];
	_ =	sdelay $0x3  }
0x36: {  	p1 =	seq.s32 s10, $0x1;
	s10 =	sld [smem:$0x3FB2];
	_ =	sdelay $0x3  }
0x37: {  	[smem:$0x3FB2] =	sst s10  }
0x38: {  	s10 =	sld [smem:$0x3FB3]  }
0x39: {  	_ = 	snop;
	(pc) =	sbr.ind lr, $3  }
0x3a: {  	_ = 	snop  }
0x3b: {  	_ = 	snop  }
0x3c: {  	p2 =	seq.s32 s10, $0x1;
	s10 =	sld [smem:$0x3FB2]  }
0x3d: {  	_ =	shalt  }
0x3e: {  	_ =	shalt  }
0x3f: {  	_ =	shalt  }
0x40: {  	_ =	shalt  }
0x41: {  	_ =	shalt  }
0x42: {  	_ =	shalt  }
0x43: {  	_ =	shalt  }
0x44: {  	_ =	shalt  }
0x45: {  	_ =	shalt  }
0x46: {  	_ =	shalt  }
0x47: {  	_ =	shalt  }
0x48: {  	_ =	shalt  }
0x49: {  	_ =	shalt  }
0x4a: {  	_ =	shalt  }
0x4b: {  	_ =	shalt  }
0x4c: {  	_ =	shalt  }
0x4d: {  	_ =	shalt  }
0x4e: {  	_ =	shalt  }
0x4f: {  	_ =	shalt  }
0x50: {  	_ =	shalt  }
0x51: {  	_ =	shalt  }
0x52: {  	_ =	shalt  }
0x53: {  	_ =	shalt  }
0x54: {  	_ =	shalt  }
0x55: {  	_ =	shalt  }
0x56: {  	_ =	shalt  }
0x57: {  	_ =	shalt  }
0x58: {  	_ =	shalt  }
0x59: {  	_ =	shalt  }
0x5a: {  	_ =	shalt  }
0x5b: {  	_ =	shalt  }
0x5c: {  	_ =	shalt  }
0x5d: {  	_ =	shalt  }
0x5e: {  	_ =	shalt  }
0x5f: {  	_ =	shalt  }
0x60: {  	_ =	shalt  }
0x61: {  	_ =	shalt  }
0x62: {  	_ =	shalt  }
0x63: {  	_ =	shalt  }
0x64: {  	_ =	shalt  }
0x65: {  	_ =	shalt  }
0x66: {  	_ =	shalt  }
0x67: {  	_ =	shalt  }
0x68: {  	_ =	shalt  }
0x69: {  	_ =	shalt  }
0x6a: {  	_ =	shalt  }
0x6b: {  	_ =	shalt  }
0x6c: {  	_ =	shalt  }
0x6d: {  	_ =	shalt  }
0x6e: {  	_ =	shalt  }
0x6f: {  	_ =	shalt  }
0x70: {  	_ =	shalt  }
0x71: {  	_ =	shalt  }
0x72: {  	_ =	shalt  }
0x73: {  	_ =	shalt  }
0x74: {  	_ =	shalt  }
0x75: {  	_ =	shalt  }
0x76: {  	_ =	shalt  }
0x77: {  	_ =	shalt  }
0x78: {  	_ =	shalt  }
0x79: {  	_ =	shalt  }
0x7a: {  	_ =	shalt  }
0x7b: {  	_ =	shalt  }
0x7c: {  	_ =	shalt  }
0x7d: {  	_ =	shalt  }
0x7e: {  	_ =	shalt  }
0x7f: {  	_ =	shalt  }
0x80: {  	_ =	shalt  }
0x81: {  	_ =	shalt  }
0x82: {  	_ =	shalt  }
0x83: {  	_ =	shalt  }
0x84: {  	_ =	shalt  }
0x85: {  	_ =	shalt  }
0x86: {  	_ =	shalt  }
0x87: {  	_ =	shalt  }
.Lfunc_end0:
.L_simem_size_0:
called_computation.2_lowered:
.L_overlay_start_0:
0x88: {  	s2 =	sld [smem:$0x3FD9]  }
0x89: {  	s3 =	sld [smem:$0x3FFE];
	_ =	sdelay $0x1  }
0x8a: {  	s1 =	srdreg.scid  }
0x8b: {  	s0 =	sand.u32 $0x1, s1  }
0x8c: {  	s17 =	sshll.u32 s0, $0xA;
	s2 =	sadd.s32 s3, s2  }
0x8d: {  	s2 =	sadd.s32 s2, s17  }
0x8e: {  	[smem:$0x3FBE] =	sst s2  }
0x8f: {  	_ = 	snop  }
0x90: {  	s2 =	sld [smem:$0x3FD0];
	(tm) =	ssettm $0x1  }
0x91: {  	s18 =	sld [smem:$0x3FFB];
	_ =	sdelay $0x3  }
0x92: {  	_ =	strace s18  }
0x93: {  	s3 =	sld [smem:$0x3FFC];
	_ =	sdelay $0x3  }
0x94: {  	_ =	strace s3  }
0x95: {  	s3 =	sld [smem:$0x3FFD];
	_ =	sdelay $0x3  }
0x96: {  	_ =	strace s3  }
0x97: {  	_ =	strace $0x8FFFFFFF  }
0x98: {  	s19 =	sld [smem:$0x3FDB];
	_ =	sdelay $0x1  }
0x99: {  	s4 =	simm.s32 $_scs_section_size  }
0x9a: {  	s5 =	simm.s32 $_size__tile_overlayer_lowered;
	s6 =	simm.s32 $_tile_overlayer_lowered  }
0x9b: {  	s22 =	simm.s32 $0x1BFF;
	s21 =	sshll.u32 s6, $0x1;
	s3 =	sadd.s32 s4, s19  }
0x9c: {  	s7 =	simm.s32 $0x0;
	s20 =	sshll.u32 s5, $0x1;
	s5 =	sadd.s32 s21, s3  }
0x9d: {  	[timem:s7], [sflag:s22] =	dma.local [hbm:s5], s20  }
0x9e: {  	_ =	swait.ge [sflag:s22], s20  }
0x9f: {  	s4 =	ssub.s32 $0x0, s20;
	[sflag:s22] =	ssyncset.done $0x0  }
0xa0: {  	[sflag:s22] =	ssyncadd.s32 s4;
	_ =	sdelay $0x1  }
0xa1: {  	s23 =	simm.s32 $0x1B8B  }
0xa2: {  	_ =	swait.ge [sflag:s23], $0x1  }
0xa3: {  	[sflag:s23] =	ssyncset.done $0x0  }
0xa4: {  	s25 =	simm.s32 $0x1B8E;
	s24 =	sld [smem:$0x3FFE];
	[sflag:s23] =	ssyncadd.s32 $0xFFFFFFFF  }
0xa5: {  	s26 =	simm.s32 $execute0_lowered;
	[smem:$0x3FD2] =	sst s25  }
0xa6: {  	s5 =	sshll.u32 s26, $0x1;
	_ =	strace $0x8000004C;
	[dreg:$0x1] =	wrdreg $0xFFFFFFFF  }
0xa7: {  	s28 =	simm.s32 $_size_execute0_lowered;
	s3 =	sadd.s32 s3, s5;
	[dreg:$0x0] =	wrdreg $0x0  }
0xa8: {  	s5 =	sshll.u32 s28, $0x1;
	[dreg:$0x2] =	wrdreg s3  }
0xa9: {  	[dreg:$0x3] =	wrdreg s5  }
0xaa: {  	[dreg:$0x4] =	wrdreg $0xC0  }
0xab: {  	_ =	task [dreg:s7], $0x5FFFF  }
0xac: {  	[dreg:$0x1] =	wrdreg $0xFFFFFFFF  }
0xad: {  	[dreg:$0x0] =	wrdreg $0x60  }
0xae: {  	[dreg:$0x2] =	wrdreg s24  }
0xaf: {  	[dreg:$0x3] =	wrdreg s2  }
0xb0: {  	[dreg:$0x4] =	wrdreg $0x0  }
0xb1: {  	[dreg:$0x5] =	wrdreg $0x9  }
0xb2: {  	_ =	task.clear_ibuf [dreg:s7], $0x6FFFF;
	_ =	strace $0x9000004C  }
0xb3: {  	s29 =	simm.s32 $0x9;
	_ =	strace $0x8000004E  }
0xb4: {  	_ =	swait.ge [sflag:s29], $0x1  }
0xb5: {  	[sflag:s29] =	ssyncadd.s32 $0xFFFFFFFF  }
0xb6: {  	_ =	strace $0x9000004E  }
0xb7: {  	_ =	sfence  }
0xb8: {  	s30 =	sld [smem:$0x0];
	_ =	sdelay $0x2  }
0xb9: {  	s31 =	sshll.u32 s1, $0xD;
	s1 =	sshrl.u32 s1, $0x2  }
0xba: {  	s3 =	sand.u32 $0x4000, s31;
	s1 =	sadd.s32 s1, s30  }
0xbb: {  	s0 =	sor.u32 s3, s0;
	s1 =	sshll.u32 s1, $0x11  }
0xbc: {  	s0 =	sor.u32 s1, s0  }
0xbd: {  	s0 =	sadd.s32 $0x8F2B, s0  }
0xbe: {  	[sflag:s0] =	ssyncadd.remote.s32 $0x1  }
0xbf: {  	_ =	sfence.sel $0xFFFF  }
0xc0: {  	[dreg:$0x0] =	wrdreg $0xFFFFFFFF;
	(pc) =	sbr.abs _section_cstart, $3  }
0xc1: {  	[dreg:$0x1] =	wrdreg $0xFFFFFFFF  }
0xc2: {  	_ =	task.clear_ibuf [dreg:s7], $0x2FFFF;
	_ =	strace $0x9FFFFFFF  }
0xc3: {  	(tm) =	ssettm $0x7FFFFFFF  }
tec
execute0_lowered:
.L_overlay_start_1:
0x0: {  	(tag) =	ssettag $0x1  }
0x1: {  	s0 =	rddreg [dreg:$0x0]  }
0x2: {  	s3 =	rddreg [dreg:$0x1]  }
0x3: {  	s1 =	rddreg [dreg:$0x2];
	s2 =	simm.s32 $0x0;
	s4 =	srdreg.scid  }
0x4: {  	s16 =	stileid.u32;
	s29 =	simm.s32 $0x14200;
	s30 =	simm.s32 $0x3  }
0x5: {  	s31 =	simm.s32 $0x14000;
	[smem:$0x7FF] =	sst s2;
	s5 =	sadd.s32 $0x2800, s0  }
0x6: {  	s4 =	sand.u32 $0x1, s4;
	s6 =	sshll.u32 s16, $0x1;
	s8 =	smul.u32 $0x14000, s16  }
0x7: {  	s9 =	sadd.s32 $0x33800, s0;
	s7 =	ssub.s32 $0x2, s4;
	s12 =	smul.u32 $0x140000, s4  }
0x8: {  	s6 =	sor.u32 s4, s6;
	s4 =	smul.u32 $0x2710, s4;
	s10 =	sshrl.u32 s7, $0x1  }
0x9: {  	s6 =	smul.u32 $0x2710, s6;
	s11 =	sadd.s32 $0x5000, s8;
	s13 =	sadd.s32 $0x7800, s8  }
0xa: {  	s23 =	sadd.s32 $0xA000, s8;
	s24 =	sadd.s32 $0xC800, s8;
	s25 =	sadd.s32 $0xF000, s8  }
0xb: {  	s26 =	sadd.s32 $0x11800, s8;
	s7 =	ssub.s32 s7, s10;
	s10 =	sor.u32 $0x2800, s8  }
0xc: {  	s15 =	sadd.s32 s8, s12;
	s18 =	sadd.s32 s12, s11;
	s21 =	sadd.s32 s12, s13  }
0xd: {  	s22 =	sadd.s32 s12, s23;
	s23 =	sadd.s32 s23, s1;
	s6 =	sshrl.u32 s6, $0x3  }
0xe: {  	s17 =	sadd.s32 s12, s10;
	s20 =	sshrl.u32 s18, $0x3;
	s6 =	sadd.s32 $0x4D8, s6  }
0xf: {  	s8 =	sshrl.u32 s17, $0x3;
	s17 =	sadd.s32 s12, s25;
	s14 =	sadd.s32 s3, s6  }
0x10: {  	s25 =	sadd.s32 s25, s1;
	s6 =	sadd.s32 s5, s6;
	[dreg:$0x4] =	wrdreg s14  }
0x11: {  	s19 =	sadd.s32 s9, s8;
	s8 =	sshrl.u32 s21, $0x3;
	[dreg:$0x5] =	wrdreg s6  }
0x12: {  	s21 =	smul.u32 $0x50000, s16;
	s6 =	sshrl.u32 s15, $0x3;
	[dreg:$0x7] =	wrdreg s19  }
0x13: {  	s15 =	smul.u32 $0x4E20, s16;
	s14 =	sshrl.u32 s22, $0x3;
	s28 =	sadd.s32 s9, s8  }
0x14: {  	s6 =	sadd.s32 s9, s6;
	[dreg:$0x9] =	wrdreg s28;
	s8 =	sadd.s32 s9, s14  }
0x15: {  	s14 =	sadd.s32 s12, s24;
	s12 =	sadd.s32 s12, s26;
	s22 =	sshrl.u32 s21, $0x2  }
0x16: {  	s21 =	sadd.s32 s11, s1;
	s24 =	sadd.s32 s24, s1;
	s26 =	sadd.s32 s26, s1  }
0x17: {  	s28 =	smax.u32 s7, $0x1;
	s7 =	simm.s32 $0x2;
	[dreg:$0x6] =	wrdreg s6  }
0x18: {  	s6 =	sadd.s32 s9, s20;
	[dreg:$0xa] =	wrdreg s8;
	s4 =	sadd.s32 s4, s15  }
0x19: {  	s8 =	sshrl.u32 s17, $0x3;
	s19 =	sshrl.u32 s12, $0x3;
	[dreg:$0x8] =	wrdreg s6  }
0x1a: {  	s6 =	sshrl.u32 s14, $0x3;
	s18 =	sadd.s32 s9, s8;
	s20 =	sshrl.u32 s4, $0x3  }
0x1b: {  	s4 =	sadd.s32 $0x50, s4;
	s8 =	simm.s32 $0x0;
	s6 =	sadd.s32 s9, s6  }
0x1c: {  	[dreg:$0xc] =	wrdreg s18;
	s4 =	sshrl.u32 s4, $0x3;
	s14 =	sadd.s32 s20, s5  }
0x1d: {  	s15 =	sadd.s32 s20, s3;
	s18 =	sadd.s32 $0xC600, s0;
	s20 =	sadd.s32 s10, s1  }
0x1e: {  	s0 =	simm.s32 $0x14080;
	[dreg:$0xb] =	wrdreg s6;
	s6 =	sadd.s32 s9, s19  }
0x1f: {  	s16 =	sadd.s32 s4, s5;
	s17 =	sadd.s32 s4, s3;
	s19 =	sadd.s32 s22, s1  }
0x20: {  	s22 =	sadd.s32 s13, s1;
	s13 =	simm.s32 $0x50;
	s3 =	simm.s32 $0x14100  }
0x21: {  	s4 =	simm.s32 $0x1;
	s5 =	simm.s32 $0x16A00;
	[dreg:$0xd] =	wrdreg s6  }
0x22: {  	v0 =	vimm.f32 $0.0e+00;
	s6 =	simm.s32 $0x14180;
	_ =	strace $0x8000004D;
	[dreg:$0xe] =	wrdreg s28  }
.LBB2_1:
0x23: {  	s9 =	sand.u32 $0xFE00, s2  }
0x24: {  	s10 =	sand.u32 $0x70, s2;
	s11 =	sshrl.u32 s9, $0x2  }
0x25: {  	s9 =	simm.s32 $0x40;
	s11 =	sor.u32 s10, s11;
	s10 =	simm.s32 $0x0  }
.LBB2_2:
0x26: {  	p0 =	sne.s32 s9, $0x9FC0  }
0x27: {  	[tilespmem:s11+$0x14200] =	vst v0;
	s10 =	sadd.s32 $0x10, s10;
	s11 =	smov.u32 s9;
	s9 =	sadd.s32 $0x40, s9  }
.Ltmp0:
0x28: {  	(pc) =	sbr.rel @p0 .LBB2_2-.Ltmp0, $4  }
0x29: {  	_ = 	snop  }
0x2a: {  	s11 =	sand.u32 $0xFE00, s11  }
0x2b: {  	s12 =	sand.u32 $0x70, s10;
	s11 =	sshrl.u32 s11, $0x2  }
0x2c: {  	s11 =	sor.u32 s12, s11  }
0x2d: {  	[tilespmem:s11+$0x14200] =	vst v0  }
0x2e: {  	[spmem:s19] =	stream.linear.scatter [tilespmem:s29], [sflag:$0x3], $0x2800, $0x38;
	[tilespmem:$0x19200] =	vst v63  }
0x2f: {  	_ =	swait.ge [sflag:s30], $0x2800  }
0x30: {  	[sflag:s30] =	ssyncset.done $0x0  }
0x31: {  	[sflag:s30] =	ssyncadd.s32 $0xFFFFD800  }
0x32: {  	[spmem:s20] =	stream.linear.scatter [tilespmem:s29], [sflag:$0x3], $0x2800, $0x38;
	[tilespmem:$0x19200] =	vst v63  }
0x33: {  	_ =	swait.ge [sflag:s30], $0x2800  }
0x34: {  	[sflag:s30] =	ssyncset.done $0x0  }
0x35: {  	[sflag:s30] =	ssyncadd.s32 $0xFFFFD800  }
0x36: {  	[spmem:s21] =	stream.linear.scatter [tilespmem:s29], [sflag:$0x3], $0x2800, $0x38;
	[tilespmem:$0x19200] =	vst v63  }
0x37: {  	_ =	swait.ge [sflag:s30], $0x2800  }
0x38: {  	[sflag:s30] =	ssyncset.done $0x0  }
0x39: {  	[sflag:s30] =	ssyncadd.s32 $0xFFFFD800  }
0x3a: {  	[spmem:s22] =	stream.linear.scatter [tilespmem:s29], [sflag:$0x3], $0x2800, $0x38;
	[tilespmem:$0x19200] =	vst v63  }
0x3b: {  	_ =	swait.ge [sflag:s30], $0x2800  }
0x3c: {  	[sflag:s30] =	ssyncset.done $0x0  }
0x3d: {  	[sflag:s30] =	ssyncadd.s32 $0xFFFFD800  }
0x3e: {  	[spmem:s23] =	stream.linear.scatter [tilespmem:s29], [sflag:$0x3], $0x2800, $0x38;
	[tilespmem:$0x19200] =	vst v63  }
0x3f: {  	_ =	swait.ge [sflag:s30], $0x2800  }
0x40: {  	[sflag:s30] =	ssyncset.done $0x0  }
0x41: {  	[sflag:s30] =	ssyncadd.s32 $0xFFFFD800  }
0x42: {  	[spmem:s24] =	stream.linear.scatter [tilespmem:s29], [sflag:$0x3], $0x2800, $0x38;
	[tilespmem:$0x19200] =	vst v63  }
0x43: {  	_ =	swait.ge [sflag:s30], $0x2800  }
0x44: {  	[sflag:s30] =	ssyncset.done $0x0  }
0x45: {  	[sflag:s30] =	ssyncadd.s32 $0xFFFFD800  }
0x46: {  	[spmem:s25] =	stream.linear.scatter [tilespmem:s29], [sflag:$0x3], $0x2800, $0x38;
	[tilespmem:$0x19200] =	vst v63  }
0x47: {  	_ =	swait.ge [sflag:s30], $0x2800  }
0x48: {  	[sflag:s30] =	ssyncset.done $0x0  }
0x49: {  	[sflag:s30] =	ssyncadd.s32 $0xFFFFD800  }
0x4a: {  	[spmem:s26] =	stream.linear.scatter [tilespmem:s29], [sflag:$0x3], $0x2800, $0x38;
	[tilespmem:$0x19200] =	vst v63  }
0x4b: {  	_ =	swait.ge [sflag:s30], $0x2800  }
0x4c: {  	[sflag:s30] =	ssyncset.done $0x0  }
0x4d: {  	[sflag:s30] =	ssyncadd.s32 $0xFFFFD800  }
0x4e: {  	s9 =	sadd.s32 $0x0, s15;
	[bflag:$0x0] =	sbarrier.arrive $0xFFFF  }
0x4f: {  	[tilespmem:s31], [sflag:$0x3] =	stream.linear.gather [hbm4b:s9+s2], $0x50, $0x38;
	[tilespmem:$0x19200] =	vst v63  }
0x50: {  	_ =	swait.ge [sflag:s30], $0x50  }
0x51: {  	[sflag:s30] =	ssyncset.done $0x0  }
0x52: {  	[sflag:s30] =	ssyncadd.s32 $0xFFFFFFB0  }
0x53: {  	[tilespmem:s29], [sflag:$0x1] =	stream.indirect.gather [hbm4b:s18+s13], $0x80, s31, s13, $0xb8;
	[tilespmem:$0x19200] =	vst v63  }
0x54: {  	s11 =	sadd.s32 $0x0, s17  }
0x55: {  	[tilespmem:s0], [sflag:$0x3] =	stream.linear.gather [hbm4b:s11+s2], $0x50, $0x38;
	[tilespmem:$0x19200] =	vst v63  }
0x56: {  	_ =	swait.ge [sflag:s30], $0x50  }
0x57: {  	[sflag:s30] =	ssyncset.done $0x0  }
0x58: {  	s12 =	sadd.s32 $0x0, s14;
	[sflag:s30] =	ssyncadd.s32 $0xFFFFFFB0  }
0x59: {  	[tilespmem:s3], [sflag:$0x3] =	stream.linear.gather [hbm4b:s12+s2], $0x50, $0x38;
	[tilespmem:$0x19200] =	vst v63  }
0x5a: {  	_ =	swait.ge [sflag:s30], $0x50  }
0x5b: {  	[sflag:s30] =	ssyncset.done $0x0  }
0x5c: {  	[sflag:s30] =	ssyncadd.s32 $0xFFFFFFB0  }
0x5d: {  	_ =	swait.ge [sflag:s4], $0x2800  }
0x5e: {  	[sflag:s4] =	ssyncset.done $0x0  }
0x5f: {  	[sflag:s4] =	ssyncadd.s32 $0xFFFFD800  }
0x60: {  	[tilespmem:s5], [sflag:$0x1] =	stream.indirect.gather [hbm4b:s18+s13], $0x80, s0, s13, $0xb8;
	[tilespmem:$0x19200] =	vst v63  }
0x61: {  	_ = 	snop  }
0x62: {  	[spmem:s1] =	stream.indirect.scatter.add.f32 [tilespmem:s29], [sflag:$0x2], $0x80, s3, s13, $0xb8;
	[tilespmem:$0x19200] =	vst v63  }
0x63: {  	s28 =	sadd.s32 $0x0, s16  }
0x64: {  	[tilespmem:s6], [sflag:$0x3] =	stream.linear.gather [hbm4b:s28+s2], $0x50, $0x38;
	[tilespmem:$0x19200] =	vst v63  }
0x65: {  	_ =	swait.ge [sflag:s30], $0x50  }
0x66: {  	[sflag:s30] =	ssyncset.done $0x0  }
0x67: {  	[sflag:s30] =	ssyncadd.s32 $0xFFFFFFB0  }
0x68: {  	_ =	swait.ge [sflag:s4], $0x2800  }
0x69: {  	[sflag:s4] =	ssyncset.done $0x0  }
0x6a: {  	[sflag:s4] =	ssyncadd.s32 $0xFFFFD800  }
0x6b: {  	_ =	swait.ge [sflag:s7], $0x2800  }
0x6c: {  	[sflag:s7] =	ssyncset.done $0x0  }
0x6d: {  	[sflag:s7] =	ssyncadd.s32 $0xFFFFD800  }
0x6e: {  	[spmem:s1] =	stream.indirect.scatter.add.f32 [tilespmem:s5], [sflag:$0x3], $0x80, s6, s13, $0xb8;
	[tilespmem:$0x19200] =	vst v63  }
0x6f: {  	_ =	swait.ge [sflag:s30], $0x2800  }
0x70: {  	s10 =	simm.s32 $0x28;
	s9 =	simm.s32 $0x14;
	[sflag:s30] =	ssyncset.done $0x0  }
.LBB2_4:
0x71: {  	s12 =	sadd.s32 s9, s15  }
0x72: {  	[sflag:s30] =	ssyncadd.s32 $0xFFFFD800;
	s28 =	smov.u32 s10;
	s11 =	sadd.s32 $0x14, s10  }
0x73: {  	[tilespmem:s31], [sflag:$0x3] =	stream.linear.gather [hbm4b:s12+s2], $0x50, $0x38;
	[tilespmem:$0x19200] =	vst v63  }
0x74: {  	p0 =	sne.s32 s10, $0x4C4;
	_ =	swait.ge [sflag:s30], $0x50  }
0x75: {  	[sflag:s30] =	ssyncset.done $0x0  }
0x76: {  	[sflag:s30] =	ssyncadd.s32 $0xFFFFFFB0  }
0x77: {  	[tilespmem:s29], [sflag:$0x1] =	stream.indirect.gather [hbm4b:s18+s13], $0x80, s31, s13, $0xb8;
	[tilespmem:$0x19200] =	vst v63  }
0x78: {  	s10 =	sadd.s32 s9, s17  }
0x79: {  	[tilespmem:s0], [sflag:$0x3] =	stream.linear.gather [hbm4b:s10+s2], $0x50, $0x38;
	[tilespmem:$0x19200] =	vst v63  }
0x7a: {  	_ =	swait.ge [sflag:s30], $0x50  }
0x7b: {  	[sflag:s30] =	ssyncset.done $0x0  }
0x7c: {  	s10 =	sadd.s32 s9, s14;
	[sflag:s30] =	ssyncadd.s32 $0xFFFFFFB0  }
0x7d: {  	[tilespmem:s3], [sflag:$0x3] =	stream.linear.gather [hbm4b:s10+s2], $0x50, $0x38;
	[tilespmem:$0x19200] =	vst v63  }
0x7e: {  	_ =	swait.ge [sflag:s30], $0x50  }
0x7f: {  	[sflag:s30] =	ssyncset.done $0x0  }
0x80: {  	[sflag:s30] =	ssyncadd.s32 $0xFFFFFFB0  }
0x81: {  	_ =	swait.ge [sflag:s4], $0x2800  }
0x82: {  	[sflag:s4] =	ssyncset.done $0x0  }
0x83: {  	[sflag:s4] =	ssyncadd.s32 $0xFFFFD800  }
0x84: {  	[tilespmem:s5], [sflag:$0x1] =	stream.indirect.gather [hbm4b:s18+s13], $0x80, s0, s13, $0xb8;
	[tilespmem:$0x19200] =	vst v63  }
0x85: {  	_ = 	snop  }
0x86: {  	[spmem:s1] =	stream.indirect.scatter.add.f32 [tilespmem:s29], [sflag:$0x2], $0x80, s3, s13, $0xb8;
	[tilespmem:$0x19200] =	vst v63  }
0x87: {  	s10 =	sadd.s32 s9, s16;
	s9 =	smov.u32 s28  }
0x88: {  	[tilespmem:s6], [sflag:$0x3] =	stream.linear.gather [hbm4b:s10+s2], $0x50, $0x38;
	[tilespmem:$0x19200] =	vst v63  }
0x89: {  	_ =	swait.ge [sflag:s30], $0x50  }
0x8a: {  	[sflag:s30] =	ssyncset.done $0x0  }
0x8b: {  	[sflag:s30] =	ssyncadd.s32 $0xFFFFFFB0  }
0x8c: {  	_ =	swait.ge [sflag:s4], $0x2800  }
0x8d: {  	[sflag:s4] =	ssyncset.done $0x0  }
0x8e: {  	[sflag:s4] =	ssyncadd.s32 $0xFFFFD800  }
0x8f: {  	_ =	swait.ge [sflag:s7], $0x2800  }
.Ltmp1:
0x90: {  	[sflag:s7] =	ssyncset.done $0x0;
	(pc) =	sbr.rel @p0 .LBB2_4-.Ltmp1, $4  }
0x91: {  	[sflag:s7] =	ssyncadd.s32 $0xFFFFD800  }
0x92: {  	[spmem:s1] =	stream.indirect.scatter.add.f32 [tilespmem:s5], [sflag:$0x3], $0x80, s6, s13, $0xb8;
	[tilespmem:$0x19200] =	vst v63  }
0x93: {  	_ =	swait.ge [sflag:s30], $0x2800  }
0x94: {  	s10 =	smov.u32 s11;
	[sflag:s30] =	ssyncset.done $0x0  }
0x95: {  	s10 =	sadd.s32 s9, s15;
	[sflag:s30] =	ssyncadd.s32 $0xFFFFD800  }
0x96: {  	[tilespmem:s31], [sflag:$0x3] =	stream.linear.gather [hbm4b:s10+s2], $0x50, $0x38;
	[tilespmem:$0x19200] =	vst v63  }
0x97: {  	_ =	swait.ge [sflag:s30], $0x50  }
0x98: {  	[sflag:s30] =	ssyncset.done $0x0  }
0x99: {  	[sflag:s30] =	ssyncadd.s32 $0xFFFFFFB0  }
0x9a: {  	[tilespmem:s29], [sflag:$0x1] =	stream.indirect.gather [hbm4b:s18+s13], $0x80, s31, s13, $0xb8;
	[tilespmem:$0x19200] =	vst v63  }
0x9b: {  	s11 =	sadd.s32 s9, s17  }
0x9c: {  	[tilespmem:s0], [sflag:$0x3] =	stream.linear.gather [hbm4b:s11+s2], $0x50, $0x38;
	[tilespmem:$0x19200] =	vst v63  }
0x9d: {  	_ =	swait.ge [sflag:s30], $0x50  }
0x9e: {  	[sflag:s30] =	ssyncset.done $0x0  }
0x9f: {  	s12 =	sadd.s32 s9, s14;
	[sflag:s30] =	ssyncadd.s32 $0xFFFFFFB0  }
0xa0: {  	[tilespmem:s3], [sflag:$0x3] =	stream.linear.gather [hbm4b:s12+s2], $0x50, $0x38;
	[tilespmem:$0x19200] =	vst v63  }
0xa1: {  	_ =	swait.ge [sflag:s30], $0x50  }
0xa2: {  	[sflag:s30] =	ssyncset.done $0x0  }
0xa3: {  	[sflag:s30] =	ssyncadd.s32 $0xFFFFFFB0  }
0xa4: {  	_ =	swait.ge [sflag:s4], $0x2800  }
0xa5: {  	[sflag:s4] =	ssyncset.done $0x0  }
0xa6: {  	[sflag:s4] =	ssyncadd.s32 $0xFFFFD800  }
0xa7: {  	[tilespmem:s5], [sflag:$0x1] =	stream.indirect.gather [hbm4b:s18+s13], $0x80, s0, s13, $0xb8;
	[tilespmem:$0x19200] =	vst v63  }
0xa8: {  	_ = 	snop  }
0xa9: {  	[spmem:s1] =	stream.indirect.scatter.add.f32 [tilespmem:s29], [sflag:$0x2], $0x80, s3, s13, $0xb8;
	[tilespmem:$0x19200] =	vst v63  }
0xaa: {  	s28 =	sadd.s32 s9, s16  }
0xab: {  	[tilespmem:s6], [sflag:$0x3] =	stream.linear.gather [hbm4b:s28+s2], $0x50, $0x38;
	[tilespmem:$0x19200] =	vst v63  }
0xac: {  	_ =	swait.ge [sflag:s30], $0x50  }
0xad: {  	[sflag:s30] =	ssyncset.done $0x0  }
0xae: {  	[sflag:s30] =	ssyncadd.s32 $0xFFFFFFB0  }
0xaf: {  	_ =	swait.ge [sflag:s4], $0x2800  }
0xb0: {  	[sflag:s4] =	ssyncset.done $0x0  }
0xb1: {  	[sflag:s4] =	ssyncadd.s32 $0xFFFFD800  }
0xb2: {  	_ =	swait.ge [sflag:s7], $0x2800  }
0xb3: {  	[sflag:s7] =	ssyncset.done $0x0  }
0xb4: {  	[sflag:s7] =	ssyncadd.s32 $0xFFFFD800  }
0xb5: {  	[spmem:s1] =	stream.indirect.scatter.add.f32 [tilespmem:s5], [sflag:$0x3], $0x80, s6, s13, $0xb8;
	[tilespmem:$0x19200] =	vst v63  }
0xb6: {  	_ =	swait.ge [sflag:s30], $0x2800  }
0xb7: {  	[sflag:s30] =	ssyncset.done $0x0  }
0xb8: {  	s10 =	rddreg [dreg:$0x4];
	[sflag:s30] =	ssyncadd.s32 $0xFFFFD800  }
0xb9: {  	[tilespmem:s31], [sflag:$0x3] =	stream.linear.gather [hbm4b:s10+s2], $0x50, $0x38;
	[tilespmem:$0x19200] =	vst v63  }
0xba: {  	_ =	swait.ge [sflag:s30], $0x50  }
0xbb: {  	[sflag:s30] =	ssyncset.done $0x0  }
0xbc: {  	[sflag:s30] =	ssyncadd.s32 $0xFFFFFFB0  }
0xbd: {  	[tilespmem:s29], [sflag:$0x1] =	stream.indirect.gather [hbm4b:s18+s13], $0x80, s31, s13, $0xb8;
	[tilespmem:$0x19200] =	vst v63  }
0xbe: {  	_ =	swait.ge [sflag:s4], $0x2800  }
0xbf: {  	[sflag:s4] =	ssyncset.done $0x0  }
0xc0: {  	s11 =	rddreg [dreg:$0x5];
	[sflag:s4] =	ssyncadd.s32 $0xFFFFD800  }
0xc1: {  	[tilespmem:s3], [sflag:$0x3] =	stream.linear.gather [hbm4b:s11+s2], $0x50, $0x38;
	[tilespmem:$0x19200] =	vst v63  }
0xc2: {  	_ =	swait.ge [sflag:s30], $0x50  }
0xc3: {  	[sflag:s30] =	ssyncset.done $0x0  }
0xc4: {  	[sflag:s30] =	ssyncadd.s32 $0xFFFFFFB0  }
0xc5: {  	[spmem:s1] =	stream.indirect.scatter.add.f32 [tilespmem:s29], [sflag:$0x3], $0x80, s3, s13, $0xb8;
	[tilespmem:$0x19200] =	vst v63  }
0xc6: {  	_ =	swait.ge [sflag:s30], $0x2800  }
0xc7: {  	[sflag:s30] =	ssyncset.done $0x0  }
0xc8: {  	s12 =	stileid.u32;
	[sflag:s30] =	ssyncadd.s32 $0xFFFFD800  }
0xc9: {  	s9 =	sshll.u32 s12, $0x6;
	[bflag:$0x0] =	sbarrier.arrive $0xFFFF  }
0xca: {  	s9 =	sor.u32 $0x1C03, s9;
	s28 =	sshrl.u32 s19, $0x3;
	s11 =	rddreg [dreg:$0x6]  }
0xcb: {  	[hbm:s11], [sflag:s9] =	dma.local [spmem:s28], $0x500  }
0xcc: {  	_ =	swait.ge [sflag:s30], $0x500  }
0xcd: {  	[sflag:s30] =	ssyncset.done $0x0  }
0xce: {  	s12 =	sshrl.u32 s20, $0x3;
	s28 =	rddreg [dreg:$0x7];
	[sflag:s30] =	ssyncadd.s32 $0xFFFFFB00  }
0xcf: {  	[hbm:s28], [sflag:s9] =	dma.local [spmem:s12], $0x500  }
0xd0: {  	_ =	swait.ge [sflag:s30], $0x500  }
0xd1: {  	[sflag:s30] =	ssyncset.done $0x0  }
0xd2: {  	s12 =	sshrl.u32 s21, $0x3;
	s28 =	rddreg [dreg:$0x8];
	[sflag:s30] =	ssyncadd.s32 $0xFFFFFB00  }
0xd3: {  	[hbm:s28], [sflag:s9] =	dma.local [spmem:s12], $0x500  }
0xd4: {  	_ =	swait.ge [sflag:s30], $0x500  }
0xd5: {  	[sflag:s30] =	ssyncset.done $0x0  }
0xd6: {  	s12 =	sshrl.u32 s22, $0x3;
	s28 =	rddreg [dreg:$0x9];
	[sflag:s30] =	ssyncadd.s32 $0xFFFFFB00  }
0xd7: {  	[hbm:s28], [sflag:s9] =	dma.local [spmem:s12], $0x500  }
0xd8: {  	_ =	swait.ge [sflag:s30], $0x500  }
0xd9: {  	[sflag:s30] =	ssyncset.done $0x0  }
0xda: {  	s12 =	sshrl.u32 s23, $0x3;
	s28 =	rddreg [dreg:$0xa];
	[sflag:s30] =	ssyncadd.s32 $0xFFFFFB00  }
0xdb: {  	[hbm:s28], [sflag:s9] =	dma.local [spmem:s12], $0x500  }
0xdc: {  	_ =	swait.ge [sflag:s30], $0x500  }
0xdd: {  	[sflag:s30] =	ssyncset.done $0x0  }
0xde: {  	s12 =	sshrl.u32 s24, $0x3;
	s28 =	rddreg [dreg:$0xb];
	[sflag:s30] =	ssyncadd.s32 $0xFFFFFB00  }
0xdf: {  	[hbm:s28], [sflag:s9] =	dma.local [spmem:s12], $0x500  }
0xe0: {  	_ =	swait.ge [sflag:s30], $0x500  }
0xe1: {  	[sflag:s30] =	ssyncset.done $0x0  }
0xe2: {  	s12 =	sshrl.u32 s25, $0x3;
	s28 =	rddreg [dreg:$0xc];
	[sflag:s30] =	ssyncadd.s32 $0xFFFFFB00  }
0xe3: {  	[hbm:s28], [sflag:s9] =	dma.local [spmem:s12], $0x500  }
0xe4: {  	_ =	swait.ge [sflag:s30], $0x500  }
0xe5: {  	[sflag:s30] =	ssyncset.done $0x0  }
0xe6: {  	s11 =	sshrl.u32 s26, $0x3;
	s12 =	rddreg [dreg:$0xd];
	[sflag:s30] =	ssyncadd.s32 $0xFFFFFB00  }
0xe7: {  	[hbm:s12], [sflag:s9] =	dma.local [spmem:s11], $0x500  }
0xe8: {  	_ =	swait.ge [sflag:s30], $0x500  }
0xe9: {  	s8 =	sadd.s32 $0x1, s8;
	s28 =	rddreg [dreg:$0xe]  }
0xea: {  	p0 =	sne.s32 s8, s28  }
.Ltmp2:
0xeb: {  	_ = 	snop;
	(pc) =	sbr.rel @p0 .LBB2_1-.Ltmp2, $3  }
0xec: {  	_ =	sdelay $0x1  }
0xed: {  	[sflag:s30] =	ssyncset.done $0x0  }
0xee: {  	[sflag:s30] =	ssyncadd.s32 $0xFFFFFB00  }
0xef: {  	_ =	sfence.sel $0x180000  }
0xf0: {  	[bflag:$0x0] =	sbarrier.arrive $0xFFFF  }
0xf1: {  	_ =	strace $0x9000004D  }
0xf2: {  	s0 =	stileid.u32;
	[bflag:$0x2] =	sbarrier.arrive $0xFFFF  }
0xf3: {  	p0 =	sne.s32 s0, $0x0;
	s0 =	rddreg [dreg:$0x3]  }
0xf4: {  	s0 =	sadd.s32 @!p0 $0x100000, s0  }
0xf5: {  	[sflag:s0] =	ssyncadd.tile.s32 @!p0 $0x1;
	_ =	shalt  }
.Lfunc_end2:
_tile_overlayer_lowered:
.L_overlay_start_2:
0xf6: {  	(tag) =	ssettag $0x2  }
0xf7: {  	s0 =	rddreg [dreg:$0x0];
	s2 =	stileid.u32  }
0xf8: {  	s1 =	rddreg [dreg:$0x1];
	p0 =	sne.s32 s2, $0x0  }
0xf9: {  	s3 =	rddreg [dreg:$0x2];
	[bflag:$0x3] =	sbarrier.arrive $0xFFFF;
	s2 =	simm.s32 @!p0 $0x1C03  }
0xfa: {  	[timem:s3], [sflag:s2] =	dma.local @!p0 [hbm:s0], s1  }
0xfb: {  	s0 =	simm.s32 @!p0 $0x3  }
0xfc: {  	_ =	swait.ge @!p0 [sflag:s0], s1  }
0xfd: {  	s1 =	ssub.s32 @!p0 $0x0, s1;
	[sflag:s0] =	ssyncset.done @!p0 $0x0  }
0xfe: {  	[sflag:s0] =	ssyncadd.s32 @!p0 s1  }
0xff: {  	[bflag:$0x3] =	sbarrier.arrive $0xFFFF  }
0x100: {  	_ =	shalt  }

// kernel: kernel.19.cloned.1.call-start
scs
__scs_entry_jumppad:
0x0: {  	(pc) =	sbr.rel $0x88, $3  }
0x1: {  	(tag) =	ssettag $0x0;
	lr =	simm.s32 $0x1  }
0x2: {  	[smem:$0x3F97] =	sst lr;
	_ =	strace $0xD0000000  }
0x3: {  	_ = 	snop  }
0x4: {  	_ = 	snop  }
0x5: {  	_ = 	snop  }
0x6: {  	_ = 	snop  }
0x7: {  	_ = 	snop  }
__scs_overlays_trampoline_lowered:
0x8: {  	[smem:$0x3FA6] =	sst s0  }
0x9: {  	[smem:$0x3FA7] =	sst s1  }
0xa: {  	[smem:$0x3FA8] =	sst s2  }
0xb: {  	[smem:$0x3FA9] =	sst s3  }
0xc: {  	[smem:$0x3FAA] =	sst s4  }
0xd: {  	[smem:$0x3FAB] =	sst s5  }
0xe: {  	[smem:$0x3FAC] =	sst s6  }
0xf: {  	[smem:$0x3FAD] =	sst s7  }
0x10: {  	[smem:$0x3FAE] =	sst s8  }
0x11: {  	[smem:$0x3FAF] =	sst s9;
	s0 =	simm.s32 @!p0 $0x0  }
0x12: {  	s1 =	sld [smem:$0x3F95];
	s0 =	simm.s32 @p0 $0x1  }
0x13: {  	[smem:$0x3FB0] =	sst s0;
	s0 =	simm.s32 @!p1 $0x0  }
0x14: {  	s2 =	sld [smem:$0x3F94];
	s0 =	simm.s32 @p1 $0x1  }
0x15: {  	[smem:$0x3FB1] =	sst s0;
	s0 =	simm.s32 @!p2 $0x0  }
0x16: {  	s3 =	sld [smem:$0x3FDB];
	s0 =	simm.s32 @p2 $0x1  }
0x17: {  	s4 =	simm.s32 $0x1BF5;
	[smem:$0x3FB3] =	sst s0  }
0x18: {  	s0 =	sld [smem:$0x3F96];
	_ =	swait.ge [sflag:s4], $0x0  }
0x19: {  	s7 =	sld [smem:$0x3F97]  }
0x1a: {  	s8 =	sadd.s32 $0xFFFFE003, lr  }
0x1b: {  	s9 =	sadd.s32 $0xFFFFFEF7, lr;
	s5 =	simm.s32 $0xFFFFFFFF;
	p2 =	slt.u32 s8, $0xFFFFF086  }
0x1c: {  	p1 =	slt.u32 s9, $0xF7A;
	s5 =	simm.s32 @!p2 $0x0  }
0x1d: {  	s5 =	simm.s32 @p1 $0x1;
	p0 =	seq.s32 s7, s2  }
0x1e: {  	s7 =	smul.u32 @!p0 $0xF7A, s2;
	p2 =	seq.s32 @!p0 s5, $0x0  }
0x1f: {  	s9 =	smul.u32 $0xF7A, s1;
	s8 =	simm.s32 @!p0 $0x1BF5;
	p2 =	por !p2, p0  }
0x20: {  	[sflag:s8] =	ssyncset.s32 @!p0 $0xFFFFF086;
	s6 =	sadd.s32 @!p0 s3, s7;
	s7 =	simm.s32 @!p0 $0x108  }
0x21: {  	s3 =	sadd.s32 s3, s9;
	s6 =	sadd.s32 @!p0 $0x88, s6;
	s7 =	simm.s32 @p2 $0x1082  }
0x22: {  	[simem:s7], [sflag:s8] =	dma.local @!p0 [hbm:s6], $0xF7A  }
0x23: {  	s9 =	sor.u32 $0xD0000000, s2;
	s6 =	simm.s32 $0x108;
	_ =	swait.ge @!p0 [sflag:s8], $0x0  }
0x24: {  	s3 =	sadd.s32 $0x88, s3;
	s6 =	simm.s32 @!p1 $0x1082;
	[sflag:s4] =	ssyncset.s32 $0xFFFFF086  }
0x25: {  	[simem:s6], [sflag:s4] =	dma.local [hbm:s3], $0xF7A  }
0x26: {  	[smem:$0x3F97] =	sst s1;
	(tag) =	ssettag s2;
	_ =	strace s9  }
0x27: {  	s1 =	sld [smem:$0x3FA7]  }
0x28: {  	s2 =	sld [smem:$0x3FA8]  }
0x29: {  	s4 =	sld [smem:$0x3FAA]  }
0x2a: {  	p0 =	seq.s32 s5, $0x0;
	s5 =	sld [smem:$0x3FAB]  }
0x2b: {  	s6 =	sld [smem:$0x3FAC]  }
0x2c: {  	s7 =	sld [smem:$0x3FAD]  }
0x2d: {  	s3 =	simm.s32 $0x108;
	s8 =	sld [smem:$0x3FAE]  }
0x2e: {  	s3 =	simm.s32 @!p0 $0x1082;
	s9 =	sld [smem:$0x3FAF]  }
0x2f: {  	lr =	sadd.s32 s0, s3;
	s0 =	sld [smem:$0x3FA6]  }
0x30: {  	s3 =	sld [smem:$0x3FA9]  }
0x31: {  	[smem:$0x3FB2] =	sst s10  }
0x32: {  	s10 =	sld [smem:$0x3FB0];
	_ =	sdelay $0x3  }
0x33: {  	p0 =	seq.s32 s10, $0x1;
	s10 =	sld [smem:$0x3FB2];
	_ =	sdelay $0x3  }
0x34: {  	[smem:$0x3FB2] =	sst s10  }
0x35: {  	s10 =	sld [smem:$0x3FB1];
	_ =	sdelay $0x3  }
0x36: {  	p1 =	seq.s32 s10, $0x1;
	s10 =	sld [smem:$0x3FB2];
	_ =	sdelay $0x3  }
0x37: {  	[smem:$0x3FB2] =	sst s10  }
0x38: {  	s10 =	sld [smem:$0x3FB3]  }
0x39: {  	_ = 	snop;
	(pc) =	sbr.ind lr, $3  }
0x3a: {  	_ = 	snop  }
0x3b: {  	_ = 	snop  }
0x3c: {  	p2 =	seq.s32 s10, $0x1;
	s10 =	sld [smem:$0x3FB2]  }
0x3d: {  	_ =	shalt  }
0x3e: {  	_ =	shalt  }
0x3f: {  	_ =	shalt  }
0x40: {  	_ =	shalt  }
0x41: {  	_ =	shalt  }
0x42: {  	_ =	shalt  }
0x43: {  	_ =	shalt  }
0x44: {  	_ =	shalt  }
0x45: {  	_ =	shalt  }
0x46: {  	_ =	shalt  }
0x47: {  	_ =	shalt  }
0x48: {  	_ =	shalt  }
0x49: {  	_ =	shalt  }
0x4a: {  	_ =	shalt  }
0x4b: {  	_ =	shalt  }
0x4c: {  	_ =	shalt  }
0x4d: {  	_ =	shalt  }
0x4e: {  	_ =	shalt  }
0x4f: {  	_ =	shalt  }
0x50: {  	_ =	shalt  }
0x51: {  	_ =	shalt  }
0x52: {  	_ =	shalt  }
0x53: {  	_ =	shalt  }
0x54: {  	_ =	shalt  }
0x55: {  	_ =	shalt  }
0x56: {  	_ =	shalt  }
0x57: {  	_ =	shalt  }
0x58: {  	_ =	shalt  }
0x59: {  	_ =	shalt  }
0x5a: {  	_ =	shalt  }
0x5b: {  	_ =	shalt  }
0x5c: {  	_ =	shalt  }
0x5d: {  	_ =	shalt  }
0x5e: {  	_ =	shalt  }
0x5f: {  	_ =	shalt  }
0x60: {  	_ =	shalt  }
0x61: {  	_ =	shalt  }
0x62: {  	_ =	shalt  }
0x63: {  	_ =	shalt  }
0x64: {  	_ =	shalt  }
0x65: {  	_ =	shalt  }
0x66: {  	_ =	shalt  }
0x67: {  	_ =	shalt  }
0x68: {  	_ =	shalt  }
0x69: {  	_ =	shalt  }
0x6a: {  	_ =	shalt  }
0x6b: {  	_ =	shalt  }
0x6c: {  	_ =	shalt  }
0x6d: {  	_ =	shalt  }
0x6e: {  	_ =	shalt  }
0x6f: {  	_ =	shalt  }
0x70: {  	_ =	shalt  }
0x71: {  	_ =	shalt  }
0x72: {  	_ =	shalt  }
0x73: {  	_ =	shalt  }
0x74: {  	_ =	shalt  }
0x75: {  	_ =	shalt  }
0x76: {  	_ =	shalt  }
0x77: {  	_ =	shalt  }
0x78: {  	_ =	shalt  }
0x79: {  	_ =	shalt  }
0x7a: {  	_ =	shalt  }
0x7b: {  	_ =	shalt  }
0x7c: {  	_ =	shalt  }
0x7d: {  	_ =	shalt  }
0x7e: {  	_ =	shalt  }
0x7f: {  	_ =	shalt  }
0x80: {  	_ =	shalt  }
0x81: {  	_ =	shalt  }
0x82: {  	_ =	shalt  }
0x83: {  	_ =	shalt  }
0x84: {  	_ =	shalt  }
0x85: {  	_ =	shalt  }
0x86: {  	_ =	shalt  }
0x87: {  	_ =	shalt  }
.Lfunc_end0:
.L_simem_size_0:
called_computation.3_lowered:
.L_overlay_start_0:
0x88: {  	s2 =	sld [smem:$0x3FD9]  }
0x89: {  	s3 =	sld [smem:$0x3FFE];
	_ =	sdelay $0x1  }
0x8a: {  	s1 =	srdreg.scid  }
0x8b: {  	s0 =	sand.u32 $0x1, s1  }
0x8c: {  	s17 =	sshll.u32 s0, $0xA;
	s2 =	sadd.s32 s3, s2  }
0x8d: {  	s2 =	sadd.s32 s2, s17  }
0x8e: {  	[smem:$0x3FBE] =	sst s2  }
0x8f: {  	_ = 	snop  }
0x90: {  	s2 =	sld [smem:$0x3FD0];
	(tm) =	ssettm $0x1  }
0x91: {  	s18 =	sld [smem:$0x3FFB];
	_ =	sdelay $0x3  }
0x92: {  	_ =	strace s18  }
0x93: {  	s3 =	sld [smem:$0x3FFC];
	_ =	sdelay $0x3  }
0x94: {  	_ =	strace s3  }
0x95: {  	s3 =	sld [smem:$0x3FFD];
	_ =	sdelay $0x3  }
0x96: {  	_ =	strace s3  }
0x97: {  	_ =	strace $0x8FFFFFFF  }
0x98: {  	s19 =	sld [smem:$0x3FDB];
	_ =	sdelay $0x1  }
0x99: {  	s4 =	simm.s32 $_scs_section_size  }
0x9a: {  	s5 =	simm.s32 $_size__tile_overlayer_lowered;
	s6 =	simm.s32 $_tile_overlayer_lowered  }
0x9b: {  	s22 =	simm.s32 $0x1BFF;
	s21 =	sshll.u32 s6, $0x1;
	s3 =	sadd.s32 s4, s19  }
0x9c: {  	s7 =	simm.s32 $0x0;
	s20 =	sshll.u32 s5, $0x1;
	s5 =	sadd.s32 s21, s3  }
0x9d: {  	[timem:s7], [sflag:s22] =	dma.local [hbm:s5], s20  }
0x9e: {  	_ =	swait.ge [sflag:s22], s20  }
0x9f: {  	s4 =	ssub.s32 $0x0, s20;
	[sflag:s22] =	ssyncset.done $0x0  }
0xa0: {  	[sflag:s22] =	ssyncadd.s32 s4;
	_ =	sdelay $0x1  }
0xa1: {  	s23 =	simm.s32 $0x1B8B  }
0xa2: {  	_ =	swait.ge [sflag:s23], $0x1  }
0xa3: {  	[sflag:s23] =	ssyncset.done $0x0  }
0xa4: {  	s25 =	simm.s32 $0x1B8E;
	s24 =	sld [smem:$0x3FFE];
	[sflag:s23] =	ssyncadd.s32 $0xFFFFFFFF  }
0xa5: {  	s26 =	simm.s32 $execute0_lowered;
	[smem:$0x3FD2] =	sst s25  }
0xa6: {  	s5 =	sshll.u32 s26, $0x1;
	_ =	strace $0x8000004F;
	[dreg:$0x1] =	wrdreg $0xFFFFFFFF  }
0xa7: {  	s28 =	simm.s32 $_size_execute0_lowered;
	s3 =	sadd.s32 s3, s5;
	[dreg:$0x0] =	wrdreg $0x0  }
0xa8: {  	s5 =	sshll.u32 s28, $0x1;
	[dreg:$0x2] =	wrdreg s3  }
0xa9: {  	[dreg:$0x3] =	wrdreg s5  }
0xaa: {  	[dreg:$0x4] =	wrdreg $0xC0  }
0xab: {  	_ =	task [dreg:s7], $0x5FFFF  }
0xac: {  	[dreg:$0x1] =	wrdreg $0xFFFFFFFF  }
0xad: {  	[dreg:$0x0] =	wrdreg $0x60  }
0xae: {  	[dreg:$0x2] =	wrdreg s24  }
0xaf: {  	[dreg:$0x3] =	wrdreg s2  }
0xb0: {  	[dreg:$0x4] =	wrdreg $0x0  }
0xb1: {  	[dreg:$0x5] =	wrdreg $0x9  }
0xb2: {  	_ =	task.clear_ibuf [dreg:s7], $0x6FFFF;
	_ =	strace $0x9000004F  }
0xb3: {  	s29 =	simm.s32 $0x9;
	_ =	strace $0x80000051  }
0xb4: {  	_ =	swait.ge [sflag:s29], $0x1  }
0xb5: {  	[sflag:s29] =	ssyncadd.s32 $0xFFFFFFFF  }
0xb6: {  	_ =	strace $0x90000051  }
0xb7: {  	_ =	sfence  }
0xb8: {  	s30 =	sld [smem:$0x0];
	_ =	sdelay $0x2  }
0xb9: {  	s31 =	sshll.u32 s1, $0xD;
	s1 =	sshrl.u32 s1, $0x2  }
0xba: {  	s3 =	sand.u32 $0x4000, s31;
	s1 =	sadd.s32 s1, s30  }
0xbb: {  	s0 =	sor.u32 s3, s0;
	s1 =	sshll.u32 s1, $0x11  }
0xbc: {  	s0 =	sor.u32 s1, s0  }
0xbd: {  	s0 =	sadd.s32 $0x8F2B, s0  }
0xbe: {  	[sflag:s0] =	ssyncadd.remote.s32 $0x1  }
0xbf: {  	_ =	sfence.sel $0xFFFF  }
0xc0: {  	[dreg:$0x0] =	wrdreg $0xFFFFFFFF;
	(pc) =	sbr.abs _section_cstart, $3  }
0xc1: {  	[dreg:$0x1] =	wrdreg $0xFFFFFFFF  }
0xc2: {  	_ =	task.clear_ibuf [dreg:s7], $0x2FFFF;
	_ =	strace $0x9FFFFFFF  }
0xc3: {  	(tm) =	ssettm $0x7FFFFFFF  }
tec
execute0_lowered:
.L_overlay_start_1:
0x0: {  	(tag) =	ssettag $0x1  }
0x1: {  	s0 =	rddreg [dreg:$0x0]  }
0x2: {  	s3 =	rddreg [dreg:$0x1]  }
0x3: {  	s1 =	rddreg [dreg:$0x2];
	s2 =	simm.s32 $0x0;
	s4 =	srdreg.scid  }
0x4: {  	s16 =	stileid.u32;
	s29 =	simm.s32 $0x14200;
	s30 =	simm.s32 $0x3  }
0x5: {  	s31 =	simm.s32 $0x14000;
	[smem:$0x7FF] =	sst s2;
	s5 =	sadd.s32 $0x2800, s0  }
0x6: {  	s4 =	sand.u32 $0x1, s4;
	s6 =	sshll.u32 s16, $0x1;
	s8 =	smul.u32 $0x14000, s16  }
0x7: {  	s9 =	sadd.s32 $0x33800, s0;
	s7 =	ssub.s32 $0x2, s4;
	s12 =	smul.u32 $0x140000, s4  }
0x8: {  	s6 =	sor.u32 s4, s6;
	s4 =	smul.u32 $0x2710, s4;
	s10 =	sshrl.u32 s7, $0x1  }
0x9: {  	s6 =	smul.u32 $0x2710, s6;
	s11 =	sadd.s32 $0x5000, s8;
	s13 =	sadd.s32 $0x7800, s8  }
0xa: {  	s23 =	sadd.s32 $0xA000, s8;
	s24 =	sadd.s32 $0xC800, s8;
	s25 =	sadd.s32 $0xF000, s8  }
0xb: {  	s26 =	sadd.s32 $0x11800, s8;
	s7 =	ssub.s32 s7, s10;
	s10 =	sor.u32 $0x2800, s8  }
0xc: {  	s15 =	sadd.s32 s8, s12;
	s18 =	sadd.s32 s12, s11;
	s21 =	sadd.s32 s12, s13  }
0xd: {  	s22 =	sadd.s32 s12, s23;
	s23 =	sadd.s32 s23, s1;
	s6 =	sshrl.u32 s6, $0x3  }
0xe: {  	s17 =	sadd.s32 s12, s10;
	s20 =	sshrl.u32 s18, $0x3;
	s6 =	sadd.s32 $0x4D8, s6  }
0xf: {  	s8 =	sshrl.u32 s17, $0x3;
	s17 =	sadd.s32 s12, s25;
	s14 =	sadd.s32 s3, s6  }
0x10: {  	s25 =	sadd.s32 s25, s1;
	s6 =	sadd.s32 s5, s6;
	[dreg:$0x4] =	wrdreg s14  }
0x11: {  	s19 =	sadd.s32 s9, s8;
	s8 =	sshrl.u32 s21, $0x3;
	[dreg:$0x5] =	wrdreg s6  }
0x12: {  	s21 =	smul.u32 $0x50000, s16;
	s6 =	sshrl.u32 s15, $0x3;
	[dreg:$0x7] =	wrdreg s19  }
0x13: {  	s15 =	smul.u32 $0x4E20, s16;
	s14 =	sshrl.u32 s22, $0x3;
	s28 =	sadd.s32 s9, s8  }
0x14: {  	s6 =	sadd.s32 s9, s6;
	[dreg:$0x9] =	wrdreg s28;
	s8 =	sadd.s32 s9, s14  }
0x15: {  	s14 =	sadd.s32 s12, s24;
	s12 =	sadd.s32 s12, s26;
	s22 =	sshrl.u32 s21, $0x2  }
0x16: {  	s21 =	sadd.s32 s11, s1;
	s24 =	sadd.s32 s24, s1;
	s26 =	sadd.s32 s26, s1  }
0x17: {  	s28 =	smax.u32 s7, $0x1;
	s7 =	simm.s32 $0x2;
	[dreg:$0x6] =	wrdreg s6  }
0x18: {  	s6 =	sadd.s32 s9, s20;
	[dreg:$0xa] =	wrdreg s8;
	s4 =	sadd.s32 s4, s15  }
0x19: {  	s8 =	sshrl.u32 s17, $0x3;
	s19 =	sshrl.u32 s12, $0x3;
	[dreg:$0x8] =	wrdreg s6  }
0x1a: {  	s6 =	sshrl.u32 s14, $0x3;
	s18 =	sadd.s32 s9, s8;
	s20 =	sshrl.u32 s4, $0x3  }
0x1b: {  	s4 =	sadd.s32 $0x50, s4;
	s8 =	simm.s32 $0x0;
	s6 =	sadd.s32 s9, s6  }
0x1c: {  	[dreg:$0xc] =	wrdreg s18;
	s4 =	sshrl.u32 s4, $0x3;
	s14 =	sadd.s32 s20, s5  }
0x1d: {  	s15 =	sadd.s32 s20, s3;
	s18 =	sadd.s32 $0xC600, s0;
	s20 =	sadd.s32 s10, s1  }
0x1e: {  	s0 =	simm.s32 $0x14080;
	[dreg:$0xb] =	wrdreg s6;
	s6 =	sadd.s32 s9, s19  }
0x1f: {  	s16 =	sadd.s32 s4, s5;
	s17 =	sadd.s32 s4, s3;
	s19 =	sadd.s32 s22, s1  }
0x20: {  	s22 =	sadd.s32 s13, s1;
	s13 =	simm.s32 $0x50;
	s3 =	simm.s32 $0x14100  }
0x21: {  	s4 =	simm.s32 $0x1;
	s5 =	simm.s32 $0x16A00;
	[dreg:$0xd] =	wrdreg s6  }
0x22: {  	v0 =	vimm.f32 $0.0e+00;
	s6 =	simm.s32 $0x14180;
	_ =	strace $0x80000050;
	[dreg:$0xe] =	wrdreg s28  }
.LBB2_1:
0x23: {  	s9 =	sand.u32 $0xFE00, s2  }
0x24: {  	s10 =	sand.u32 $0x70, s2;
	s11 =	sshrl.u32 s9, $0x2  }
0x25: {  	s9 =	simm.s32 $0x40;
	s11 =	sor.u32 s10, s11;
	s10 =	simm.s32 $0x0  }
.LBB2_2:
0x26: {  	p0 =	sne.s32 s9, $0x9FC0  }
0x27: {  	[tilespmem:s11+$0x14200] =	vst v0;
	s10 =	sadd.s32 $0x10, s10;
	s11 =	smov.u32 s9;
	s9 =	sadd.s32 $0x40, s9  }
.Ltmp0:
0x28: {  	(pc) =	sbr.rel @p0 .LBB2_2-.Ltmp0, $4  }
0x29: {  	_ = 	snop  }
0x2a: {  	s11 =	sand.u32 $0xFE00, s11  }
0x2b: {  	s12 =	sand.u32 $0x70, s10;
	s11 =	sshrl.u32 s11, $0x2  }
0x2c: {  	s11 =	sor.u32 s12, s11  }
0x2d: {  	[tilespmem:s11+$0x14200] =	vst v0  }
0x2e: {  	[spmem:s19] =	stream.linear.scatter [tilespmem:s29], [sflag:$0x3], $0x2800, $0x38;
	[tilespmem:$0x19200] =	vst v63  }
0x2f: {  	_ =	swait.ge [sflag:s30], $0x2800  }
0x30: {  	[sflag:s30] =	ssyncset.done $0x0  }
0x31: {  	[sflag:s30] =	ssyncadd.s32 $0xFFFFD800  }
0x32: {  	[spmem:s20] =	stream.linear.scatter [tilespmem:s29], [sflag:$0x3], $0x2800, $0x38;
	[tilespmem:$0x19200] =	vst v63  }
0x33: {  	_ =	swait.ge [sflag:s30], $0x2800  }
0x34: {  	[sflag:s30] =	ssyncset.done $0x0  }
0x35: {  	[sflag:s30] =	ssyncadd.s32 $0xFFFFD800  }
0x36: {  	[spmem:s21] =	stream.linear.scatter [tilespmem:s29], [sflag:$0x3], $0x2800, $0x38;
	[tilespmem:$0x19200] =	vst v63  }
0x37: {  	_ =	swait.ge [sflag:s30], $0x2800  }
0x38: {  	[sflag:s30] =	ssyncset.done $0x0  }
0x39: {  	[sflag:s30] =	ssyncadd.s32 $0xFFFFD800  }
0x3a: {  	[spmem:s22] =	stream.linear.scatter [tilespmem:s29], [sflag:$0x3], $0x2800, $0x38;
	[tilespmem:$0x19200] =	vst v63  }
0x3b: {  	_ =	swait.ge [sflag:s30], $0x2800  }
0x3c: {  	[sflag:s30] =	ssyncset.done $0x0  }
0x3d: {  	[sflag:s30] =	ssyncadd.s32 $0xFFFFD800  }
0x3e: {  	[spmem:s23] =	stream.linear.scatter [tilespmem:s29], [sflag:$0x3], $0x2800, $0x38;
	[tilespmem:$0x19200] =	vst v63  }
0x3f: {  	_ =	swait.ge [sflag:s30], $0x2800  }
0x40: {  	[sflag:s30] =	ssyncset.done $0x0  }
0x41: {  	[sflag:s30] =	ssyncadd.s32 $0xFFFFD800  }
0x42: {  	[spmem:s24] =	stream.linear.scatter [tilespmem:s29], [sflag:$0x3], $0x2800, $0x38;
	[tilespmem:$0x19200] =	vst v63  }
0x43: {  	_ =	swait.ge [sflag:s30], $0x2800  }
0x44: {  	[sflag:s30] =	ssyncset.done $0x0  }
0x45: {  	[sflag:s30] =	ssyncadd.s32 $0xFFFFD800  }
0x46: {  	[spmem:s25] =	stream.linear.scatter [tilespmem:s29], [sflag:$0x3], $0x2800, $0x38;
	[tilespmem:$0x19200] =	vst v63  }
0x47: {  	_ =	swait.ge [sflag:s30], $0x2800  }
0x48: {  	[sflag:s30] =	ssyncset.done $0x0  }
0x49: {  	[sflag:s30] =	ssyncadd.s32 $0xFFFFD800  }
0x4a: {  	[spmem:s26] =	stream.linear.scatter [tilespmem:s29], [sflag:$0x3], $0x2800, $0x38;
	[tilespmem:$0x19200] =	vst v63  }
0x4b: {  	_ =	swait.ge [sflag:s30], $0x2800  }
0x4c: {  	[sflag:s30] =	ssyncset.done $0x0  }
0x4d: {  	[sflag:s30] =	ssyncadd.s32 $0xFFFFD800  }
0x4e: {  	s9 =	sadd.s32 $0x0, s15;
	[bflag:$0x0] =	sbarrier.arrive $0xFFFF  }
0x4f: {  	[tilespmem:s31], [sflag:$0x3] =	stream.linear.gather [hbm4b:s9+s2], $0x50, $0x38;
	[tilespmem:$0x19200] =	vst v63  }
0x50: {  	_ =	swait.ge [sflag:s30], $0x50  }
0x51: {  	[sflag:s30] =	ssyncset.done $0x0  }
0x52: {  	[sflag:s30] =	ssyncadd.s32 $0xFFFFFFB0  }
0x53: {  	[tilespmem:s29], [sflag:$0x1] =	stream.indirect.gather [hbm4b:s18+s13], $0x80, s31, s13, $0xb8;
	[tilespmem:$0x19200] =	vst v63  }
0x54: {  	s11 =	sadd.s32 $0x0, s17  }
0x55: {  	[tilespmem:s0], [sflag:$0x3] =	stream.linear.gather [hbm4b:s11+s2], $0x50, $0x38;
	[tilespmem:$0x19200] =	vst v63  }
0x56: {  	_ =	swait.ge [sflag:s30], $0x50  }
0x57: {  	[sflag:s30] =	ssyncset.done $0x0  }
0x58: {  	s12 =	sadd.s32 $0x0, s14;
	[sflag:s30] =	ssyncadd.s32 $0xFFFFFFB0  }
0x59: {  	[tilespmem:s3], [sflag:$0x3] =	stream.linear.gather [hbm4b:s12+s2], $0x50, $0x38;
	[tilespmem:$0x19200] =	vst v63  }
0x5a: {  	_ =	swait.ge [sflag:s30], $0x50  }
0x5b: {  	[sflag:s30] =	ssyncset.done $0x0  }
0x5c: {  	[sflag:s30] =	ssyncadd.s32 $0xFFFFFFB0  }
0x5d: {  	_ =	swait.ge [sflag:s4], $0x2800  }
0x5e: {  	[sflag:s4] =	ssyncset.done $0x0  }
0x5f: {  	[sflag:s4] =	ssyncadd.s32 $0xFFFFD800  }
0x60: {  	[tilespmem:s5], [sflag:$0x1] =	stream.indirect.gather [hbm4b:s18+s13], $0x80, s0, s13, $0xb8;
	[tilespmem:$0x19200] =	vst v63  }
0x61: {  	_ = 	snop  }
0x62: {  	[spmem:s1] =	stream.indirect.scatter.add.f32 [tilespmem:s29], [sflag:$0x2], $0x80, s3, s13, $0xb8;
	[tilespmem:$0x19200] =	vst v63  }
0x63: {  	s28 =	sadd.s32 $0x0, s16  }
0x64: {  	[tilespmem:s6], [sflag:$0x3] =	stream.linear.gather [hbm4b:s28+s2], $0x50, $0x38;
	[tilespmem:$0x19200] =	vst v63  }
0x65: {  	_ =	swait.ge [sflag:s30], $0x50  }
0x66: {  	[sflag:s30] =	ssyncset.done $0x0  }
0x67: {  	[sflag:s30] =	ssyncadd.s32 $0xFFFFFFB0  }
0x68: {  	_ =	swait.ge [sflag:s4], $0x2800  }
0x69: {  	[sflag:s4] =	ssyncset.done $0x0  }
0x6a: {  	[sflag:s4] =	ssyncadd.s32 $0xFFFFD800  }
0x6b: {  	_ =	swait.ge [sflag:s7], $0x2800  }
0x6c: {  	[sflag:s7] =	ssyncset.done $0x0  }
0x6d: {  	[sflag:s7] =	ssyncadd.s32 $0xFFFFD800  }
0x6e: {  	[spmem:s1] =	stream.indirect.scatter.add.f32 [tilespmem:s5], [sflag:$0x3], $0x80, s6, s13, $0xb8;
	[tilespmem:$0x19200] =	vst v63  }
0x6f: {  	_ =	swait.ge [sflag:s30], $0x2800  }
0x70: {  	s10 =	simm.s32 $0x28;
	s9 =	simm.s32 $0x14;
	[sflag:s30] =	ssyncset.done $0x0  }
.LBB2_4:
0x71: {  	s12 =	sadd.s32 s9, s15  }
0x72: {  	[sflag:s30] =	ssyncadd.s32 $0xFFFFD800;
	s28 =	smov.u32 s10;
	s11 =	sadd.s32 $0x14, s10  }
0x73: {  	[tilespmem:s31], [sflag:$0x3] =	stream.linear.gather [hbm4b:s12+s2], $0x50, $0x38;
	[tilespmem:$0x19200] =	vst v63  }
0x74: {  	p0 =	sne.s32 s10, $0x4C4;
	_ =	swait.ge [sflag:s30], $0x50  }
0x75: {  	[sflag:s30] =	ssyncset.done $0x0  }
0x76: {  	[sflag:s30] =	ssyncadd.s32 $0xFFFFFFB0  }
0x77: {  	[tilespmem:s29], [sflag:$0x1] =	stream.indirect.gather [hbm4b:s18+s13], $0x80, s31, s13, $0xb8;
	[tilespmem:$0x19200] =	vst v63  }
0x78: {  	s10 =	sadd.s32 s9, s17  }
0x79: {  	[tilespmem:s0], [sflag:$0x3] =	stream.linear.gather [hbm4b:s10+s2], $0x50, $0x38;
	[tilespmem:$0x19200] =	vst v63  }
0x7a: {  	_ =	swait.ge [sflag:s30], $0x50  }
0x7b: {  	[sflag:s30] =	ssyncset.done $0x0  }
0x7c: {  	s10 =	sadd.s32 s9, s14;
	[sflag:s30] =	ssyncadd.s32 $0xFFFFFFB0  }
0x7d: {  	[tilespmem:s3], [sflag:$0x3] =	stream.linear.gather [hbm4b:s10+s2], $0x50, $0x38;
	[tilespmem:$0x19200] =	vst v63  }
0x7e: {  	_ =	swait.ge [sflag:s30], $0x50  }
0x7f: {  	[sflag:s30] =	ssyncset.done $0x0  }
0x80: {  	[sflag:s30] =	ssyncadd.s32 $0xFFFFFFB0  }
0x81: {  	_ =	swait.ge [sflag:s4], $0x2800  }
0x82: {  	[sflag:s4] =	ssyncset.done $0x0  }
0x83: {  	[sflag:s4] =	ssyncadd.s32 $0xFFFFD800  }
0x84: {  	[tilespmem:s5], [sflag:$0x1] =	stream.indirect.gather [hbm4b:s18+s13], $0x80, s0, s13, $0xb8;
	[tilespmem:$0x19200] =	vst v63  }
0x85: {  	_ = 	snop  }
0x86: {  	[spmem:s1] =	stream.indirect.scatter.add.f32 [tilespmem:s29], [sflag:$0x2], $0x80, s3, s13, $0xb8;
	[tilespmem:$0x19200] =	vst v63  }
0x87: {  	s10 =	sadd.s32 s9, s16;
	s9 =	smov.u32 s28  }
0x88: {  	[tilespmem:s6], [sflag:$0x3] =	stream.linear.gather [hbm4b:s10+s2], $0x50, $0x38;
	[tilespmem:$0x19200] =	vst v63  }
0x89: {  	_ =	swait.ge [sflag:s30], $0x50  }
0x8a: {  	[sflag:s30] =	ssyncset.done $0x0  }
0x8b: {  	[sflag:s30] =	ssyncadd.s32 $0xFFFFFFB0  }
0x8c: {  	_ =	swait.ge [sflag:s4], $0x2800  }
0x8d: {  	[sflag:s4] =	ssyncset.done $0x0  }
0x8e: {  	[sflag:s4] =	ssyncadd.s32 $0xFFFFD800  }
0x8f: {  	_ =	swait.ge [sflag:s7], $0x2800  }
.Ltmp1:
0x90: {  	[sflag:s7] =	ssyncset.done $0x0;
	(pc) =	sbr.rel @p0 .LBB2_4-.Ltmp1, $4  }
0x91: {  	[sflag:s7] =	ssyncadd.s32 $0xFFFFD800  }
0x92: {  	[spmem:s1] =	stream.indirect.scatter.add.f32 [tilespmem:s5], [sflag:$0x3], $0x80, s6, s13, $0xb8;
	[tilespmem:$0x19200] =	vst v63  }
0x93: {  	_ =	swait.ge [sflag:s30], $0x2800  }
0x94: {  	s10 =	smov.u32 s11;
	[sflag:s30] =	ssyncset.done $0x0  }
0x95: {  	s10 =	sadd.s32 s9, s15;
	[sflag:s30] =	ssyncadd.s32 $0xFFFFD800  }
0x96: {  	[tilespmem:s31], [sflag:$0x3] =	stream.linear.gather [hbm4b:s10+s2], $0x50, $0x38;
	[tilespmem:$0x19200] =	vst v63  }
0x97: {  	_ =	swait.ge [sflag:s30], $0x50  }
0x98: {  	[sflag:s30] =	ssyncset.done $0x0  }
0x99: {  	[sflag:s30] =	ssyncadd.s32 $0xFFFFFFB0  }
0x9a: {  	[tilespmem:s29], [sflag:$0x1] =	stream.indirect.gather [hbm4b:s18+s13], $0x80, s31, s13, $0xb8;
	[tilespmem:$0x19200] =	vst v63  }
0x9b: {  	s11 =	sadd.s32 s9, s17  }
0x9c: {  	[tilespmem:s0], [sflag:$0x3] =	stream.linear.gather [hbm4b:s11+s2], $0x50, $0x38;
	[tilespmem:$0x19200] =	vst v63  }
0x9d: {  	_ =	swait.ge [sflag:s30], $0x50  }
0x9e: {  	[sflag:s30] =	ssyncset.done $0x0  }
0x9f: {  	s12 =	sadd.s32 s9, s14;
	[sflag:s30] =	ssyncadd.s32 $0xFFFFFFB0  }
0xa0: {  	[tilespmem:s3], [sflag:$0x3] =	stream.linear.gather [hbm4b:s12+s2], $0x50, $0x38;
	[tilespmem:$0x19200] =	vst v63  }
0xa1: {  	_ =	swait.ge [sflag:s30], $0x50  }
0xa2: {  	[sflag:s30] =	ssyncset.done $0x0  }
0xa3: {  	[sflag:s30] =	ssyncadd.s32 $0xFFFFFFB0  }
0xa4: {  	_ =	swait.ge [sflag:s4], $0x2800  }
0xa5: {  	[sflag:s4] =	ssyncset.done $0x0  }
0xa6: {  	[sflag:s4] =	ssyncadd.s32 $0xFFFFD800  }
0xa7: {  	[tilespmem:s5], [sflag:$0x1] =	stream.indirect.gather [hbm4b:s18+s13], $0x80, s0, s13, $0xb8;
	[tilespmem:$0x19200] =	vst v63  }
0xa8: {  	_ = 	snop  }
0xa9: {  	[spmem:s1] =	stream.indirect.scatter.add.f32 [tilespmem:s29], [sflag:$0x2], $0x80, s3, s13, $0xb8;
	[tilespmem:$0x19200] =	vst v63  }
0xaa: {  	s28 =	sadd.s32 s9, s16  }
0xab: {  	[tilespmem:s6], [sflag:$0x3] =	stream.linear.gather [hbm4b:s28+s2], $0x50, $0x38;
	[tilespmem:$0x19200] =	vst v63  }
0xac: {  	_ =	swait.ge [sflag:s30], $0x50  }
0xad: {  	[sflag:s30] =	ssyncset.done $0x0  }
0xae: {  	[sflag:s30] =	ssyncadd.s32 $0xFFFFFFB0  }
0xaf: {  	_ =	swait.ge [sflag:s4], $0x2800  }
0xb0: {  	[sflag:s4] =	ssyncset.done $0x0  }
0xb1: {  	[sflag:s4] =	ssyncadd.s32 $0xFFFFD800  }
0xb2: {  	_ =	swait.ge [sflag:s7], $0x2800  }
0xb3: {  	[sflag:s7] =	ssyncset.done $0x0  }
0xb4: {  	[sflag:s7] =	ssyncadd.s32 $0xFFFFD800  }
0xb5: {  	[spmem:s1] =	stream.indirect.scatter.add.f32 [tilespmem:s5], [sflag:$0x3], $0x80, s6, s13, $0xb8;
	[tilespmem:$0x19200] =	vst v63  }
0xb6: {  	_ =	swait.ge [sflag:s30], $0x2800  }
0xb7: {  	[sflag:s30] =	ssyncset.done $0x0  }
0xb8: {  	s10 =	rddreg [dreg:$0x4];
	[sflag:s30] =	ssyncadd.s32 $0xFFFFD800  }
0xb9: {  	[tilespmem:s31], [sflag:$0x3] =	stream.linear.gather [hbm4b:s10+s2], $0x50, $0x38;
	[tilespmem:$0x19200] =	vst v63  }
0xba: {  	_ =	swait.ge [sflag:s30], $0x50  }
0xbb: {  	[sflag:s30] =	ssyncset.done $0x0  }
0xbc: {  	[sflag:s30] =	ssyncadd.s32 $0xFFFFFFB0  }
0xbd: {  	[tilespmem:s29], [sflag:$0x1] =	stream.indirect.gather [hbm4b:s18+s13], $0x80, s31, s13, $0xb8;
	[tilespmem:$0x19200] =	vst v63  }
0xbe: {  	_ =	swait.ge [sflag:s4], $0x2800  }
0xbf: {  	[sflag:s4] =	ssyncset.done $0x0  }
0xc0: {  	s11 =	rddreg [dreg:$0x5];
	[sflag:s4] =	ssyncadd.s32 $0xFFFFD800  }
0xc1: {  	[tilespmem:s3], [sflag:$0x3] =	stream.linear.gather [hbm4b:s11+s2], $0x50, $0x38;
	[tilespmem:$0x19200] =	vst v63  }
0xc2: {  	_ =	swait.ge [sflag:s30], $0x50  }
0xc3: {  	[sflag:s30] =	ssyncset.done $0x0  }
0xc4: {  	[sflag:s30] =	ssyncadd.s32 $0xFFFFFFB0  }
0xc5: {  	[spmem:s1] =	stream.indirect.scatter.add.f32 [tilespmem:s29], [sflag:$0x3], $0x80, s3, s13, $0xb8;
	[tilespmem:$0x19200] =	vst v63  }
0xc6: {  	_ =	swait.ge [sflag:s30], $0x2800  }
0xc7: {  	[sflag:s30] =	ssyncset.done $0x0  }
0xc8: {  	s12 =	stileid.u32;
	[sflag:s30] =	ssyncadd.s32 $0xFFFFD800  }
0xc9: {  	s9 =	sshll.u32 s12, $0x6;
	[bflag:$0x0] =	sbarrier.arrive $0xFFFF  }
0xca: {  	s9 =	sor.u32 $0x1C03, s9;
	s28 =	sshrl.u32 s19, $0x3;
	s11 =	rddreg [dreg:$0x6]  }
0xcb: {  	[hbm:s11], [sflag:s9] =	dma.local [spmem:s28], $0x500  }
0xcc: {  	_ =	swait.ge [sflag:s30], $0x500  }
0xcd: {  	[sflag:s30] =	ssyncset.done $0x0  }
0xce: {  	s12 =	sshrl.u32 s20, $0x3;
	s28 =	rddreg [dreg:$0x7];
	[sflag:s30] =	ssyncadd.s32 $0xFFFFFB00  }
0xcf: {  	[hbm:s28], [sflag:s9] =	dma.local [spmem:s12], $0x500  }
0xd0: {  	_ =	swait.ge [sflag:s30], $0x500  }
0xd1: {  	[sflag:s30] =	ssyncset.done $0x0  }
0xd2: {  	s12 =	sshrl.u32 s21, $0x3;
	s28 =	rddreg [dreg:$0x8];
	[sflag:s30] =	ssyncadd.s32 $0xFFFFFB00  }
0xd3: {  	[hbm:s28], [sflag:s9] =	dma.local [spmem:s12], $0x500  }
0xd4: {  	_ =	swait.ge [sflag:s30], $0x500  }
0xd5: {  	[sflag:s30] =	ssyncset.done $0x0  }
0xd6: {  	s12 =	sshrl.u32 s22, $0x3;
	s28 =	rddreg [dreg:$0x9];
	[sflag:s30] =	ssyncadd.s32 $0xFFFFFB00  }
0xd7: {  	[hbm:s28], [sflag:s9] =	dma.local [spmem:s12], $0x500  }
0xd8: {  	_ =	swait.ge [sflag:s30], $0x500  }
0xd9: {  	[sflag:s30] =	ssyncset.done $0x0  }
0xda: {  	s12 =	sshrl.u32 s23, $0x3;
	s28 =	rddreg [dreg:$0xa];
	[sflag:s30] =	ssyncadd.s32 $0xFFFFFB00  }
0xdb: {  	[hbm:s28], [sflag:s9] =	dma.local [spmem:s12], $0x500  }
0xdc: {  	_ =	swait.ge [sflag:s30], $0x500  }
0xdd: {  	[sflag:s30] =	ssyncset.done $0x0  }
0xde: {  	s12 =	sshrl.u32 s24, $0x3;
	s28 =	rddreg [dreg:$0xb];
	[sflag:s30] =	ssyncadd.s32 $0xFFFFFB00  }
0xdf: {  	[hbm:s28], [sflag:s9] =	dma.local [spmem:s12], $0x500  }
0xe0: {  	_ =	swait.ge [sflag:s30], $0x500  }
0xe1: {  	[sflag:s30] =	ssyncset.done $0x0  }
0xe2: {  	s12 =	sshrl.u32 s25, $0x3;
	s28 =	rddreg [dreg:$0xc];
	[sflag:s30] =	ssyncadd.s32 $0xFFFFFB00  }
0xe3: {  	[hbm:s28], [sflag:s9] =	dma.local [spmem:s12], $0x500  }
0xe4: {  	_ =	swait.ge [sflag:s30], $0x500  }
0xe5: {  	[sflag:s30] =	ssyncset.done $0x0  }
0xe6: {  	s11 =	sshrl.u32 s26, $0x3;
	s12 =	rddreg [dreg:$0xd];
	[sflag:s30] =	ssyncadd.s32 $0xFFFFFB00  }
0xe7: {  	[hbm:s12], [sflag:s9] =	dma.local [spmem:s11], $0x500  }
0xe8: {  	_ =	swait.ge [sflag:s30], $0x500  }
0xe9: {  	s8 =	sadd.s32 $0x1, s8;
	s28 =	rddreg [dreg:$0xe]  }
0xea: {  	p0 =	sne.s32 s8, s28  }
.Ltmp2:
0xeb: {  	_ = 	snop;
	(pc) =	sbr.rel @p0 .LBB2_1-.Ltmp2, $3  }
0xec: {  	_ =	sdelay $0x1  }
0xed: {  	[sflag:s30] =	ssyncset.done $0x0  }
0xee: {  	[sflag:s30] =	ssyncadd.s32 $0xFFFFFB00  }
0xef: {  	_ =	sfence.sel $0x180000  }
0xf0: {  	[bflag:$0x0] =	sbarrier.arrive $0xFFFF  }
0xf1: {  	_ =	strace $0x90000050  }
0xf2: {  	s0 =	stileid.u32;
	[bflag:$0x2] =	sbarrier.arrive $0xFFFF  }
0xf3: {  	p0 =	sne.s32 s0, $0x0;
	s0 =	rddreg [dreg:$0x3]  }
0xf4: {  	s0 =	sadd.s32 @!p0 $0x100000, s0  }
0xf5: {  	[sflag:s0] =	ssyncadd.tile.s32 @!p0 $0x1;
	_ =	shalt  }
.Lfunc_end2:
_tile_overlayer_lowered:
.L_overlay_start_2:
0xf6: {  	(tag) =	ssettag $0x2  }
0xf7: {  	s0 =	rddreg [dreg:$0x0];
	s2 =	stileid.u32  }
0xf8: {  	s1 =	rddreg [dreg:$0x1];
	p0 =	sne.s32 s2, $0x0  }
0xf9: {  	s3 =	rddreg [dreg:$0x2];
	[bflag:$0x3] =	sbarrier.arrive $0xFFFF;
	s2 =	simm.s32 @!p0 $0x1C03  }
0xfa: {  	[timem:s3], [sflag:s2] =	dma.local @!p0 [hbm:s0], s1  }
0xfb: {  	s0 =	simm.s32 @!p0 $0x3  }
0xfc: {  	_ =	swait.ge @!p0 [sflag:s0], s1  }
0xfd: {  	s1 =	ssub.s32 @!p0 $0x0, s1;
	[sflag:s0] =	ssyncset.done @!p0 $0x0  }
0xfe: {  	[sflag:s0] =	ssyncadd.s32 @!p0 s1  }
0xff: {  	[bflag:$0x3] =	sbarrier.arrive $0xFFFF  }
0x100: {  	_ =	shalt  }

</sc_bundles>
